<compile_context>
chip_gen: v7x
topology: tpu7x:2x2x1
jax: 0.10.2.dev20260603
libtpu: 0.0.44.dev20260713+nightly
codegen_flags: <defaults>
</compile_context>

<pallas_src>
import functools

import jax
import jax.numpy as jnp
from jax import lax
from jax.experimental import pallas as pl
from jax.experimental.pallas import tpu as pltpu
from jax.experimental.pallas import tpu_sc as plsc

NUM_CLASSES = 21
TOP_K = 64
B = 131072
D = 256
N_SEL = NUM_CLASSES * TOP_K
N_PAD = 2048


def _select_body(conf_ref, label_ref, confT_ref, labelT_ref, out_ref):
    conf = conf_ref[...]
    label = label_ref[...]
    confT = confT_ref[...]
    labelT = labelT_ref[...]
    neg_inf = jnp.finfo(jnp.float32).min
    big = jnp.int32(B)
    out_iota = (lax.broadcasted_iota(jnp.int32, (16, 128), 0) * 128
                + lax.broadcasted_iota(jnp.int32, (16, 128), 1))
    lane128 = lax.broadcasted_iota(jnp.int32, (1, 128), 1)
    lane1024 = lax.broadcasted_iota(jnp.int32, (1, 1024), 1)
    sub64 = lax.broadcasted_iota(jnp.int32, (64, 1), 0)
    flatT = (lax.broadcasted_iota(jnp.int32, (128, 1024), 1) * 128
             + lax.broadcasted_iota(jnp.int32, (128, 1024), 0))

    rvs, rbs = [], []
    for c in range(NUM_CLASSES):
        mT = jnp.where(labelT == c, confT, neg_inf)
        rvk = jnp.max(mT, axis=0, keepdims=True)
        rbs.append(jnp.min(jnp.where(mT == rvk, flatT, big),
                           axis=0, keepdims=True))
        rvs.append(rvk)

    rows0 = tuple(jnp.zeros((64, 1), jnp.int32) for _ in range(NUM_CLASSES))

    def row_pick(t, carry):
        rvs, rows = carry
        rvs, rows = list(rvs), list(rows)
        for c in range(NUM_CLASSES):
            rv, rb = rvs[c], rbs[c]
            m = jnp.max(rv)
            bfr = jnp.min(jnp.where(rv == m, rb, big))
            rvs[c] = jnp.where(rb == bfr, neg_inf, rv)
            rows[c] = jnp.where(sub64 == t, bfr >> 7, rows[c])
        return tuple(rvs), tuple(rows)

    _, rows = lax.fori_loop(0, TOP_K, row_pick, (tuple(rvs), rows0))

    labf = label.astype(jnp.float32)
    ws, flats = [], []
    for c in range(NUM_CLASSES):
        r_c = rows[c]
        oh = jnp.where(r_c == lane1024, 1.0, 0.0)
        w = jnp.dot(oh, conf, precision=lax.Precision.HIGHEST,
                    preferred_element_type=jnp.float32)
        lg = jnp.dot(oh, labf, precision=lax.Precision.HIGHEST,
                     preferred_element_type=jnp.float32)
        ws.append(jnp.where(lg == jnp.float32(c), w, neg_inf))
        flats.append(r_c * 128 + lane128)

    def pick(t, carry):
        ws, acc = carry
        ws = list(ws)
        for c in range(NUM_CLASSES):
            w = ws[c]
            m = jnp.max(w)
            bf = jnp.min(jnp.where(w == m, flats[c], big))
            acc = jnp.where(out_iota == c * TOP_K + t, bf, acc)
            ws[c] = jnp.where(flats[c] == bf, neg_inf, w)
        return tuple(ws), acc

    _, acc = lax.fori_loop(0, TOP_K, pick, (tuple(ws), out_iota))
    out_ref[...] = acc


def _tc_select(conf2, lab2, interpret=False):
    return pl.pallas_call(
        _select_body,
        out_shape=jax.ShapeDtypeStruct((16, 128), jnp.int32),
        interpret=interpret,
    )(conf2, lab2, conf2.T, lab2.T)


def _sc_gather(idx_flat, table):
    info = plsc.get_sparse_core_info()
    nc, ns = info.num_cores, info.num_subcores
    nw = nc * ns
    per_w = N_PAD // nw
    mesh = plsc.VectorSubcoreMesh(core_axis_name="c", subcore_axis_name="s")

    @functools.partial(
        pl.kernel,
        mesh=mesh,
        out_type=jax.ShapeDtypeStruct((N_PAD, D), jnp.float32),
        scratch_types=[
            pltpu.VMEM((per_w,), jnp.int32),
            pltpu.VMEM((per_w, D), jnp.float32),
            pltpu.SemaphoreType.DMA,
        ],
    )
    def gather_k(idx_hbm, table_hbm, out_hbm, idx_v, rows_v, sem):
        wid = lax.axis_index("s") * nc + lax.axis_index("c")
        base = wid * per_w
        pltpu.sync_copy(idx_hbm.at[pl.ds(base, per_w)], idx_v)
        pltpu.async_copy(table_hbm.at[idx_v], rows_v, sem).wait()
        pltpu.sync_copy(rows_v, out_hbm.at[pl.ds(base, per_w)])

    return gather_k(idx_flat, table)


def kernel(confidence, label, contrast_feature):
    conf2 = confidence.reshape(1024, 128)
    lab2 = label.reshape(1024, 128)
    order = _tc_select(conf2, lab2).reshape(N_PAD)
    rows = _sc_gather(order, contrast_feature)
    return rows[:N_SEL].reshape(NUM_CLASSES, TOP_K, D)

# --- scband reference (transcript-rebuilt; emitter-appended) ---
"""Pipeline reference for scband-memory-bank-21973052686345 (READ-ONLY COPY).

The authoritative reference and input builder live on the scoring server;
editing this copy changes nothing except your own understanding.
"""

import jax, jax.numpy as jnp
import numpy as np

NUM_CLASSES = 21
QUEUE_SIZE = 4096
TOP_K = 64
B = 131072
D = 256


def setup_inputs(seed: int = 0) -> dict:
    key = jax.random.key(seed)
    k1, k2, k3 = jax.random.split(key, 3)
    confidence = jax.random.uniform(k1, (B,), dtype=jnp.float32)
    label = jax.random.randint(k2, (B,), 0, NUM_CLASSES, dtype=jnp.int32)
    contrast_feature = jax.random.normal(k3, (B, D), dtype=jnp.float32)
    return {"confidence": confidence, "label": label, "contrast_feature": contrast_feature}


def reference(confidence, label, contrast_feature):
    # Faithful translation of MemoryBank.in_queue with memory initially empty:
    # for each class c, select the top_k highest-confidence features whose
    # label == c and write them into that class's queue slot.
    # With B >> num_classes * top_k every class has > top_k members, so masking
    # confidence to -inf outside the class and taking a global top_k is exactly
    # torch.topk(c_confidence, k) followed by the row-gather of c_contrast_feature.
    contrast_feature = jax.lax.stop_gradient(contrast_feature)  # .detach() in torch
    neg_inf = jnp.finfo(confidence.dtype).min
    banks = []
    for c in range(NUM_CLASSES):
        c_mask = (label == c)
        masked_conf = jnp.where(c_mask, confidence, neg_inf)
        _, indices = jax.lax.top_k(masked_conf, TOP_K)
        new_features = jnp.take(contrast_feature, indices, axis=0)  # gather rows
        # memory[c] is None initially -> memory[c] = new_features[:queue_size]
        banks.append(new_features[:QUEUE_SIZE, :])
    memory = jnp.stack(banks, axis=0)  # [num_classes, top_k, d]
    return memory

if __name__ == "__main__":
    import jax
    _d = setup_inputs()
    print(jax.jit(kernel)(*tuple(_d.values())))

</pallas_src>

<mosaic_0001>
#map = affine_map<(d0, d1) -> (0)>
#map1 = affine_map<(d0, d1) -> (0, 0)>
module attributes {stable_mosaic.version = 14 : i64} {
  func.func @gather_k(%arg0: i32, %arg1: i32, %arg2: memref<2048xi32, #tpu.memory_space<hbm>>, %arg3: memref<131072x256xf32, #tpu.memory_space<hbm>>, %arg4: memref<2048x256xf32, #tpu.memory_space<hbm>>, %arg5: memref<64xi32, #tpu.memory_space<vmem>>, %arg6: memref<64x256xf32, #tpu.memory_space<vmem>>, %arg7: memref<!tpu.dma_semaphore, #tpu.memory_space<semaphore_mem>>) attributes {dimension_semantics = [#tpu.dimension_semantics<core_parallel>, #tpu.dimension_semantics<subcore_parallel>], iteration_bounds = array<i64: 2, 16>, scalar_prefetch = 0 : i64, scratch_operands = 3 : i64, tpu.core_type = #tpu.core_type<sc_vector_subcore>, window_params = [{transform_indices = #map}, {transform_indices = #map1}, {transform_indices = #map1}]} {
    %mul3A = arith.constant 2 : i32
    %mul3A_0 = arith.muli %arg1, %mul3A : i32
    %add3A = arith.addi %mul3A_0, %arg0 : i32
    %mul3A_1 = arith.constant 64 : i32
    %mul3A_2 = arith.muli %add3A, %mul3A_1 : i32
    "tpu.region"() ({
      %run_scoped3A = tpu.sem_alloc : memref<!tpu.dma_semaphore, #tpu.memory_space<semaphore_mem>>
      %dma_start3A_7 = tpu.memref_slice %arg2[%mul3A_2] : memref<2048xi32, #tpu.memory_space<hbm>> -> memref<64xi32, #tpu.memory_space<hbm>>
      %dma_start3A_8 = tpu.memref_slice %arg2[%mul3A_2] : memref<2048xi32, #tpu.memory_space<hbm>> -> memref<64xi32, #tpu.memory_space<hbm>>
      tpu.enqueue_dma source(%dma_start3A_8 : memref<64xi32, #tpu.memory_space<hbm>>) target(%arg5 : memref<64xi32, #tpu.memory_space<vmem>>) target_semaphore(%run_scoped3A : memref<!tpu.dma_semaphore, #tpu.memory_space<semaphore_mem>>)
      %dma_wait3A_9 = tpu.memref_slice %arg2[%mul3A_2] : memref<2048xi32, #tpu.memory_space<hbm>> -> memref<64xi32, #tpu.memory_space<hbm>>
      %dma_wait3A_10 = tpu.memref_slice %arg2[%mul3A_2] : memref<2048xi32, #tpu.memory_space<hbm>> -> memref<64xi32, #tpu.memory_space<hbm>>
      tpu.wait_dma2 semaphore(%run_scoped3A : memref<!tpu.dma_semaphore, #tpu.memory_space<semaphore_mem>>) src(%dma_wait3A_10 : memref<64xi32, #tpu.memory_space<hbm>>) dst(%arg5 : memref<64xi32, #tpu.memory_space<vmem>>)
      tpu.yield
    }) : () -> ()
    %dma_start3A = arith.constant 0 : i32
    %dma_start3A_3 = arith.constant 0 : i32
    %dma_start3A_4 = tpu.memref_slice %arg3[%dma_start3A, %dma_start3A_3] : memref<131072x256xf32, #tpu.memory_space<hbm>> -> memref<131072x256xf32, #tpu.memory_space<hbm>>
    tpu.enqueue_indirect_dma source(%dma_start3A_4 : memref<131072x256xf32, #tpu.memory_space<hbm>>) target(%arg6 : memref<64x256xf32, #tpu.memory_space<vmem>>) offsets(%arg5 : memref<64xi32, #tpu.memory_space<vmem>>) semaphore(%arg7 : memref<!tpu.dma_semaphore, #tpu.memory_space<semaphore_mem>>)
    %dma_wait3A = arith.constant 0 : i32
    %dma_wait3A_5 = arith.constant 0 : i32
    %dma_wait3A_6 = tpu.memref_slice %arg3[%dma_wait3A, %dma_wait3A_5] : memref<131072x256xf32, #tpu.memory_space<hbm>> -> memref<131072x256xf32, #tpu.memory_space<hbm>>
    tpu.wait_indirect_dma semaphore(%arg7 : memref<!tpu.dma_semaphore, #tpu.memory_space<semaphore_mem>>) src(%dma_wait3A_6 : memref<131072x256xf32, #tpu.memory_space<hbm>>) dst(%arg6 : memref<64x256xf32, #tpu.memory_space<vmem>>)
    "tpu.region"() ({
      %run_scoped3A = tpu.sem_alloc : memref<!tpu.dma_semaphore, #tpu.memory_space<semaphore_mem>>
      %dma_start3A_7 = arith.constant 0 : i32
      %dma_start3A_8 = tpu.memref_slice %arg4[%mul3A_2, %dma_start3A_7] : memref<2048x256xf32, #tpu.memory_space<hbm>> -> memref<64x256xf32, #tpu.memory_space<hbm>>
      %dma_start3A_9 = arith.constant 0 : i32
      %dma_start3A_10 = tpu.memref_slice %arg4[%mul3A_2, %dma_start3A_9] : memref<2048x256xf32, #tpu.memory_space<hbm>> -> memref<64x256xf32, #tpu.memory_space<hbm>>
      tpu.enqueue_dma source(%arg6 : memref<64x256xf32, #tpu.memory_space<vmem>>) target(%dma_start3A_10 : memref<64x256xf32, #tpu.memory_space<hbm>>) target_semaphore(%run_scoped3A : memref<!tpu.dma_semaphore, #tpu.memory_space<semaphore_mem>>)
      %dma_wait3A_11 = arith.constant 0 : i32
      %dma_wait3A_12 = tpu.memref_slice %arg4[%mul3A_2, %dma_wait3A_11] : memref<2048x256xf32, #tpu.memory_space<hbm>> -> memref<64x256xf32, #tpu.memory_space<hbm>>
      %dma_wait3A_13 = arith.constant 0 : i32
      %dma_wait3A_14 = tpu.memref_slice %arg4[%mul3A_2, %dma_wait3A_13] : memref<2048x256xf32, #tpu.memory_space<hbm>> -> memref<64x256xf32, #tpu.memory_space<hbm>>
      tpu.wait_dma2 semaphore(%run_scoped3A : memref<!tpu.dma_semaphore, #tpu.memory_space<semaphore_mem>>) src(%arg6 : memref<64x256xf32, #tpu.memory_space<vmem>>) dst(%dma_wait3A_14 : memref<64x256xf32, #tpu.memory_space<hbm>>)
      tpu.yield
    }) : () -> ()
    return
  }
}

module attributes {stable_mosaic.version = 14 : i64} {
  func.func @_select_body(%arg0: memref<1024x128xf32, #tpu.memory_space<vmem>>, %arg1: memref<1024x128xi32, #tpu.memory_space<vmem>>, %arg2: memref<128x1024xf32, #tpu.memory_space<vmem>>, %arg3: memref<128x1024xi32, #tpu.memory_space<vmem>>, %arg4: memref<16x128xi32, #tpu.memory_space<vmem>>) attributes {dimension_semantics = [], scalar_prefetch = 0 : i64, scratch_operands = 0 : i64, tpu.core_type = #tpu.core_type<tc>} {
    %get3A = arith.constant 0 : index
    %get3A_0 = arith.constant 0 : index
    %get3A_1 = vector.load %arg0[%get3A, %get3A_0] : memref<1024x128xf32, #tpu.memory_space<vmem>>, vector<1024x128xf32>
    %get3A_2 = arith.constant 0 : index
    %get3A_3 = arith.constant 0 : index
    %get3A_4 = vector.load %arg1[%get3A_2, %get3A_3] : memref<1024x128xi32, #tpu.memory_space<vmem>>, vector<1024x128xi32>
    %get3A_5 = arith.constant 0 : index
    %get3A_6 = arith.constant 0 : index
    %get3A_7 = vector.load %arg2[%get3A_5, %get3A_6] : memref<128x1024xf32, #tpu.memory_space<vmem>>, vector<128x1024xf32>
    %get3A_8 = arith.constant 0 : index
    %get3A_9 = arith.constant 0 : index
    %get3A_10 = vector.load %arg3[%get3A_8, %get3A_9] : memref<128x1024xi32, #tpu.memory_space<vmem>>, vector<128x1024xi32>
    %iota3A = tpu.iota {dimensions = array<i32: 0>} : vector<16x128xi32>
    %mul3A = arith.constant 128 : i32
    %mul3A_11 = vector.broadcast %mul3A : i32 to vector<16x128xi32>
    %mul3A_12 = arith.muli %iota3A, %mul3A_11 : vector<16x128xi32>
    %iota3A_13 = tpu.iota {dimensions = array<i32: 1>} : vector<16x128xi32>
    %add3A = arith.addi %mul3A_12, %iota3A_13 : vector<16x128xi32>
    %iota3A_14 = tpu.iota {dimensions = array<i32: 1>} : vector<1x128xi32>
    %iota3A_15 = tpu.iota {dimensions = array<i32: 1>} : vector<1x1024xi32>
    %iota3A_16 = tpu.iota {dimensions = array<i32: 0>} : vector<64x1xi32>
    %iota3A_17 = tpu.iota {dimensions = array<i32: 1>} : vector<128x1024xi32>
    %mul3A_18 = arith.constant 128 : i32
    %mul3A_19 = vector.broadcast %mul3A_18 : i32 to vector<128x1024xi32>
    %mul3A_20 = arith.muli %iota3A_17, %mul3A_19 : vector<128x1024xi32>
    %iota3A_21 = tpu.iota {dimensions = array<i32: 0>} : vector<128x1024xi32>
    %add3A_22 = arith.addi %mul3A_20, %iota3A_21 : vector<128x1024xi32>
    %eq3A = arith.constant 0 : i32
    %eq3A_23 = vector.broadcast %eq3A : i32 to vector<128x1024xi32>
    %eq3A_24 = arith.cmpi eq, %get3A_10, %eq3A_23 : vector<128x1024xi32>
    %jit3A = arith.constant -3.40282347E+38 : f32
    %broadcast_in_dim3A = vector.broadcast %jit3A : f32 to vector<128x1024xf32>
    %select_n3A = arith.select %eq3A_24, %get3A_7, %broadcast_in_dim3A : vector<128x1024xi1>, vector<128x1024xf32>
    %reduce_max3A = arith.constant dense<0xFF800000> : vector<1024xf32>
    %reduce_max3A_25 = vector.multi_reduction <maximumf>, %select_n3A, %reduce_max3A [0] : vector<128x1024xf32> to vector<1024xf32>
    %broadcast_in_dim3A_26 = vector.shape_cast %reduce_max3A_25 : vector<1024xf32> to vector<1x1024xf32>
    %eq3A_27 = vector.broadcast %broadcast_in_dim3A_26 : vector<1x1024xf32> to vector<128x1024xf32>
    %eq3A_28 = arith.cmpf oeq, %select_n3A, %eq3A_27 : vector<128x1024xf32>
    %jit3A_29 = arith.constant 131072 : i32
    %broadcast_in_dim3A_30 = vector.broadcast %jit3A_29 : i32 to vector<128x1024xi32>
    %select_n3A_31 = arith.select %eq3A_28, %add3A_22, %broadcast_in_dim3A_30 : vector<128x1024xi1>, vector<128x1024xi32>
    %reduce_min3A = arith.constant dense<2147483647> : vector<1024xi32>
    %reduce_min3A_32 = vector.multi_reduction <minsi>, %select_n3A_31, %reduce_min3A [0] : vector<128x1024xi32> to vector<1024xi32>
    %broadcast_in_dim3A_33 = vector.shape_cast %reduce_min3A_32 : vector<1024xi32> to vector<1x1024xi32>
    %eq3A_34 = arith.constant 1 : i32
    %eq3A_35 = vector.broadcast %eq3A_34 : i32 to vector<128x1024xi32>
    %eq3A_36 = arith.cmpi eq, %get3A_10, %eq3A_35 : vector<128x1024xi32>
    %jit3A_37 = arith.constant -3.40282347E+38 : f32
    %broadcast_in_dim3A_38 = vector.broadcast %jit3A_37 : f32 to vector<128x1024xf32>
    %select_n3A_39 = arith.select %eq3A_36, %get3A_7, %broadcast_in_dim3A_38 : vector<128x1024xi1>, vector<128x1024xf32>
    %reduce_max3A_40 = arith.constant dense<0xFF800000> : vector<1024xf32>
    %reduce_max3A_41 = vector.multi_reduction <maximumf>, %select_n3A_39, %reduce_max3A_40 [0] : vector<128x1024xf32> to vector<1024xf32>
    %broadcast_in_dim3A_42 = vector.shape_cast %reduce_max3A_41 : vector<1024xf32> to vector<1x1024xf32>
    %eq3A_43 = vector.broadcast %broadcast_in_dim3A_42 : vector<1x1024xf32> to vector<128x1024xf32>
    %eq3A_44 = arith.cmpf oeq, %select_n3A_39, %eq3A_43 : vector<128x1024xf32>
    %jit3A_45 = arith.constant 131072 : i32
    %broadcast_in_dim3A_46 = vector.broadcast %jit3A_45 : i32 to vector<128x1024xi32>
    %select_n3A_47 = arith.select %eq3A_44, %add3A_22, %broadcast_in_dim3A_46 : vector<128x1024xi1>, vector<128x1024xi32>
    %reduce_min3A_48 = arith.constant dense<2147483647> : vector<1024xi32>
    %reduce_min3A_49 = vector.multi_reduction <minsi>, %select_n3A_47, %reduce_min3A_48 [0] : vector<128x1024xi32> to vector<1024xi32>
    %broadcast_in_dim3A_50 = vector.shape_cast %reduce_min3A_49 : vector<1024xi32> to vector<1x1024xi32>
    %eq3A_51 = arith.constant 2 : i32
    %eq3A_52 = vector.broadcast %eq3A_51 : i32 to vector<128x1024xi32>
    %eq3A_53 = arith.cmpi eq, %get3A_10, %eq3A_52 : vector<128x1024xi32>
    %jit3A_54 = arith.constant -3.40282347E+38 : f32
    %broadcast_in_dim3A_55 = vector.broadcast %jit3A_54 : f32 to vector<128x1024xf32>
    %select_n3A_56 = arith.select %eq3A_53, %get3A_7, %broadcast_in_dim3A_55 : vector<128x1024xi1>, vector<128x1024xf32>
    %reduce_max3A_57 = arith.constant dense<0xFF800000> : vector<1024xf32>
    %reduce_max3A_58 = vector.multi_reduction <maximumf>, %select_n3A_56, %reduce_max3A_57 [0] : vector<128x1024xf32> to vector<1024xf32>
    %broadcast_in_dim3A_59 = vector.shape_cast %reduce_max3A_58 : vector<1024xf32> to vector<1x1024xf32>
    %eq3A_60 = vector.broadcast %broadcast_in_dim3A_59 : vector<1x1024xf32> to vector<128x1024xf32>
    %eq3A_61 = arith.cmpf oeq, %select_n3A_56, %eq3A_60 : vector<128x1024xf32>
    %jit3A_62 = arith.constant 131072 : i32
    %broadcast_in_dim3A_63 = vector.broadcast %jit3A_62 : i32 to vector<128x1024xi32>
    %select_n3A_64 = arith.select %eq3A_61, %add3A_22, %broadcast_in_dim3A_63 : vector<128x1024xi1>, vector<128x1024xi32>
    %reduce_min3A_65 = arith.constant dense<2147483647> : vector<1024xi32>
    %reduce_min3A_66 = vector.multi_reduction <minsi>, %select_n3A_64, %reduce_min3A_65 [0] : vector<128x1024xi32> to vector<1024xi32>
    %broadcast_in_dim3A_67 = vector.shape_cast %reduce_min3A_66 : vector<1024xi32> to vector<1x1024xi32>
    %eq3A_68 = arith.constant 3 : i32
    %eq3A_69 = vector.broadcast %eq3A_68 : i32 to vector<128x1024xi32>
    %eq3A_70 = arith.cmpi eq, %get3A_10, %eq3A_69 : vector<128x1024xi32>
    %jit3A_71 = arith.constant -3.40282347E+38 : f32
    %broadcast_in_dim3A_72 = vector.broadcast %jit3A_71 : f32 to vector<128x1024xf32>
    %select_n3A_73 = arith.select %eq3A_70, %get3A_7, %broadcast_in_dim3A_72 : vector<128x1024xi1>, vector<128x1024xf32>
    %reduce_max3A_74 = arith.constant dense<0xFF800000> : vector<1024xf32>
    %reduce_max3A_75 = vector.multi_reduction <maximumf>, %select_n3A_73, %reduce_max3A_74 [0] : vector<128x1024xf32> to vector<1024xf32>
    %broadcast_in_dim3A_76 = vector.shape_cast %reduce_max3A_75 : vector<1024xf32> to vector<1x1024xf32>
    %eq3A_77 = vector.broadcast %broadcast_in_dim3A_76 : vector<1x1024xf32> to vector<128x1024xf32>
    %eq3A_78 = arith.cmpf oeq, %select_n3A_73, %eq3A_77 : vector<128x1024xf32>
    %jit3A_79 = arith.constant 131072 : i32
    %broadcast_in_dim3A_80 = vector.broadcast %jit3A_79 : i32 to vector<128x1024xi32>
    %select_n3A_81 = arith.select %eq3A_78, %add3A_22, %broadcast_in_dim3A_80 : vector<128x1024xi1>, vector<128x1024xi32>
    %reduce_min3A_82 = arith.constant dense<2147483647> : vector<1024xi32>
    %reduce_min3A_83 = vector.multi_reduction <minsi>, %select_n3A_81, %reduce_min3A_82 [0] : vector<128x1024xi32> to vector<1024xi32>
    %broadcast_in_dim3A_84 = vector.shape_cast %reduce_min3A_83 : vector<1024xi32> to vector<1x1024xi32>
    %eq3A_85 = arith.constant 4 : i32
    %eq3A_86 = vector.broadcast %eq3A_85 : i32 to vector<128x1024xi32>
    %eq3A_87 = arith.cmpi eq, %get3A_10, %eq3A_86 : vector<128x1024xi32>
    %jit3A_88 = arith.constant -3.40282347E+38 : f32
    %broadcast_in_dim3A_89 = vector.broadcast %jit3A_88 : f32 to vector<128x1024xf32>
    %select_n3A_90 = arith.select %eq3A_87, %get3A_7, %broadcast_in_dim3A_89 : vector<128x1024xi1>, vector<128x1024xf32>
    %reduce_max3A_91 = arith.constant dense<0xFF800000> : vector<1024xf32>
    %reduce_max3A_92 = vector.multi_reduction <maximumf>, %select_n3A_90, %reduce_max3A_91 [0] : vector<128x1024xf32> to vector<1024xf32>
    %broadcast_in_dim3A_93 = vector.shape_cast %reduce_max3A_92 : vector<1024xf32> to vector<1x1024xf32>
    %eq3A_94 = vector.broadcast %broadcast_in_dim3A_93 : vector<1x1024xf32> to vector<128x1024xf32>
    %eq3A_95 = arith.cmpf oeq, %select_n3A_90, %eq3A_94 : vector<128x1024xf32>
    %jit3A_96 = arith.constant 131072 : i32
    %broadcast_in_dim3A_97 = vector.broadcast %jit3A_96 : i32 to vector<128x1024xi32>
    %select_n3A_98 = arith.select %eq3A_95, %add3A_22, %broadcast_in_dim3A_97 : vector<128x1024xi1>, vector<128x1024xi32>
    %reduce_min3A_99 = arith.constant dense<2147483647> : vector<1024xi32>
    %reduce_min3A_100 = vector.multi_reduction <minsi>, %select_n3A_98, %reduce_min3A_99 [0] : vector<128x1024xi32> to vector<1024xi32>
    %broadcast_in_dim3A_101 = vector.shape_cast %reduce_min3A_100 : vector<1024xi32> to vector<1x1024xi32>
    %eq3A_102 = arith.constant 5 : i32
    %eq3A_103 = vector.broadcast %eq3A_102 : i32 to vector<128x1024xi32>
    %eq3A_104 = arith.cmpi eq, %get3A_10, %eq3A_103 : vector<128x1024xi32>
    %jit3A_105 = arith.constant -3.40282347E+38 : f32
    %broadcast_in_dim3A_106 = vector.broadcast %jit3A_105 : f32 to vector<128x1024xf32>
    %select_n3A_107 = arith.select %eq3A_104, %get3A_7, %broadcast_in_dim3A_106 : vector<128x1024xi1>, vector<128x1024xf32>
    %reduce_max3A_108 = arith.constant dense<0xFF800000> : vector<1024xf32>
    %reduce_max3A_109 = vector.multi_reduction <maximumf>, %select_n3A_107, %reduce_max3A_108 [0] : vector<128x1024xf32> to vector<1024xf32>
    %broadcast_in_dim3A_110 = vector.shape_cast %reduce_max3A_109 : vector<1024xf32> to vector<1x1024xf32>
    %eq3A_111 = vector.broadcast %broadcast_in_dim3A_110 : vector<1x1024xf32> to vector<128x1024xf32>
    %eq3A_112 = arith.cmpf oeq, %select_n3A_107, %eq3A_111 : vector<128x1024xf32>
    %jit3A_113 = arith.constant 131072 : i32
    %broadcast_in_dim3A_114 = vector.broadcast %jit3A_113 : i32 to vector<128x1024xi32>
    %select_n3A_115 = arith.select %eq3A_112, %add3A_22, %broadcast_in_dim3A_114 : vector<128x1024xi1>, vector<128x1024xi32>
    %reduce_min3A_116 = arith.constant dense<2147483647> : vector<1024xi32>
    %reduce_min3A_117 = vector.multi_reduction <minsi>, %select_n3A_115, %reduce_min3A_116 [0] : vector<128x1024xi32> to vector<1024xi32>
    %broadcast_in_dim3A_118 = vector.shape_cast %reduce_min3A_117 : vector<1024xi32> to vector<1x1024xi32>
    %eq3A_119 = arith.constant 6 : i32
    %eq3A_120 = vector.broadcast %eq3A_119 : i32 to vector<128x1024xi32>
    %eq3A_121 = arith.cmpi eq, %get3A_10, %eq3A_120 : vector<128x1024xi32>
    %jit3A_122 = arith.constant -3.40282347E+38 : f32
    %broadcast_in_dim3A_123 = vector.broadcast %jit3A_122 : f32 to vector<128x1024xf32>
    %select_n3A_124 = arith.select %eq3A_121, %get3A_7, %broadcast_in_dim3A_123 : vector<128x1024xi1>, vector<128x1024xf32>
    %reduce_max3A_125 = arith.constant dense<0xFF800000> : vector<1024xf32>
    %reduce_max3A_126 = vector.multi_reduction <maximumf>, %select_n3A_124, %reduce_max3A_125 [0] : vector<128x1024xf32> to vector<1024xf32>
    %broadcast_in_dim3A_127 = vector.shape_cast %reduce_max3A_126 : vector<1024xf32> to vector<1x1024xf32>
    %eq3A_128 = vector.broadcast %broadcast_in_dim3A_127 : vector<1x1024xf32> to vector<128x1024xf32>
    %eq3A_129 = arith.cmpf oeq, %select_n3A_124, %eq3A_128 : vector<128x1024xf32>
    %jit3A_130 = arith.constant 131072 : i32
    %broadcast_in_dim3A_131 = vector.broadcast %jit3A_130 : i32 to vector<128x1024xi32>
    %select_n3A_132 = arith.select %eq3A_129, %add3A_22, %broadcast_in_dim3A_131 : vector<128x1024xi1>, vector<128x1024xi32>
    %reduce_min3A_133 = arith.constant dense<2147483647> : vector<1024xi32>
    %reduce_min3A_134 = vector.multi_reduction <minsi>, %select_n3A_132, %reduce_min3A_133 [0] : vector<128x1024xi32> to vector<1024xi32>
    %broadcast_in_dim3A_135 = vector.shape_cast %reduce_min3A_134 : vector<1024xi32> to vector<1x1024xi32>
    %eq3A_136 = arith.constant 7 : i32
    %eq3A_137 = vector.broadcast %eq3A_136 : i32 to vector<128x1024xi32>
    %eq3A_138 = arith.cmpi eq, %get3A_10, %eq3A_137 : vector<128x1024xi32>
    %jit3A_139 = arith.constant -3.40282347E+38 : f32
    %broadcast_in_dim3A_140 = vector.broadcast %jit3A_139 : f32 to vector<128x1024xf32>
    %select_n3A_141 = arith.select %eq3A_138, %get3A_7, %broadcast_in_dim3A_140 : vector<128x1024xi1>, vector<128x1024xf32>
    %reduce_max3A_142 = arith.constant dense<0xFF800000> : vector<1024xf32>
    %reduce_max3A_143 = vector.multi_reduction <maximumf>, %select_n3A_141, %reduce_max3A_142 [0] : vector<128x1024xf32> to vector<1024xf32>
    %broadcast_in_dim3A_144 = vector.shape_cast %reduce_max3A_143 : vector<1024xf32> to vector<1x1024xf32>
    %eq3A_145 = vector.broadcast %broadcast_in_dim3A_144 : vector<1x1024xf32> to vector<128x1024xf32>
    %eq3A_146 = arith.cmpf oeq, %select_n3A_141, %eq3A_145 : vector<128x1024xf32>
    %jit3A_147 = arith.constant 131072 : i32
    %broadcast_in_dim3A_148 = vector.broadcast %jit3A_147 : i32 to vector<128x1024xi32>
    %select_n3A_149 = arith.select %eq3A_146, %add3A_22, %broadcast_in_dim3A_148 : vector<128x1024xi1>, vector<128x1024xi32>
    %reduce_min3A_150 = arith.constant dense<2147483647> : vector<1024xi32>
    %reduce_min3A_151 = vector.multi_reduction <minsi>, %select_n3A_149, %reduce_min3A_150 [0] : vector<128x1024xi32> to vector<1024xi32>
    %broadcast_in_dim3A_152 = vector.shape_cast %reduce_min3A_151 : vector<1024xi32> to vector<1x1024xi32>
    %eq3A_153 = arith.constant 8 : i32
    %eq3A_154 = vector.broadcast %eq3A_153 : i32 to vector<128x1024xi32>
    %eq3A_155 = arith.cmpi eq, %get3A_10, %eq3A_154 : vector<128x1024xi32>
    %jit3A_156 = arith.constant -3.40282347E+38 : f32
    %broadcast_in_dim3A_157 = vector.broadcast %jit3A_156 : f32 to vector<128x1024xf32>
    %select_n3A_158 = arith.select %eq3A_155, %get3A_7, %broadcast_in_dim3A_157 : vector<128x1024xi1>, vector<128x1024xf32>
    %reduce_max3A_159 = arith.constant dense<0xFF800000> : vector<1024xf32>
    %reduce_max3A_160 = vector.multi_reduction <maximumf>, %select_n3A_158, %reduce_max3A_159 [0] : vector<128x1024xf32> to vector<1024xf32>
    %broadcast_in_dim3A_161 = vector.shape_cast %reduce_max3A_160 : vector<1024xf32> to vector<1x1024xf32>
    %eq3A_162 = vector.broadcast %broadcast_in_dim3A_161 : vector<1x1024xf32> to vector<128x1024xf32>
    %eq3A_163 = arith.cmpf oeq, %select_n3A_158, %eq3A_162 : vector<128x1024xf32>
    %jit3A_164 = arith.constant 131072 : i32
    %broadcast_in_dim3A_165 = vector.broadcast %jit3A_164 : i32 to vector<128x1024xi32>
    %select_n3A_166 = arith.select %eq3A_163, %add3A_22, %broadcast_in_dim3A_165 : vector<128x1024xi1>, vector<128x1024xi32>
    %reduce_min3A_167 = arith.constant dense<2147483647> : vector<1024xi32>
    %reduce_min3A_168 = vector.multi_reduction <minsi>, %select_n3A_166, %reduce_min3A_167 [0] : vector<128x1024xi32> to vector<1024xi32>
    %broadcast_in_dim3A_169 = vector.shape_cast %reduce_min3A_168 : vector<1024xi32> to vector<1x1024xi32>
    %eq3A_170 = arith.constant 9 : i32
    %eq3A_171 = vector.broadcast %eq3A_170 : i32 to vector<128x1024xi32>
    %eq3A_172 = arith.cmpi eq, %get3A_10, %eq3A_171 : vector<128x1024xi32>
    %jit3A_173 = arith.constant -3.40282347E+38 : f32
    %broadcast_in_dim3A_174 = vector.broadcast %jit3A_173 : f32 to vector<128x1024xf32>
    %select_n3A_175 = arith.select %eq3A_172, %get3A_7, %broadcast_in_dim3A_174 : vector<128x1024xi1>, vector<128x1024xf32>
    %reduce_max3A_176 = arith.constant dense<0xFF800000> : vector<1024xf32>
    %reduce_max3A_177 = vector.multi_reduction <maximumf>, %select_n3A_175, %reduce_max3A_176 [0] : vector<128x1024xf32> to vector<1024xf32>
    %broadcast_in_dim3A_178 = vector.shape_cast %reduce_max3A_177 : vector<1024xf32> to vector<1x1024xf32>
    %eq3A_179 = vector.broadcast %broadcast_in_dim3A_178 : vector<1x1024xf32> to vector<128x1024xf32>
    %eq3A_180 = arith.cmpf oeq, %select_n3A_175, %eq3A_179 : vector<128x1024xf32>
    %jit3A_181 = arith.constant 131072 : i32
    %broadcast_in_dim3A_182 = vector.broadcast %jit3A_181 : i32 to vector<128x1024xi32>
    %select_n3A_183 = arith.select %eq3A_180, %add3A_22, %broadcast_in_dim3A_182 : vector<128x1024xi1>, vector<128x1024xi32>
    %reduce_min3A_184 = arith.constant dense<2147483647> : vector<1024xi32>
    %reduce_min3A_185 = vector.multi_reduction <minsi>, %select_n3A_183, %reduce_min3A_184 [0] : vector<128x1024xi32> to vector<1024xi32>
    %broadcast_in_dim3A_186 = vector.shape_cast %reduce_min3A_185 : vector<1024xi32> to vector<1x1024xi32>
    %eq3A_187 = arith.constant 10 : i32
    %eq3A_188 = vector.broadcast %eq3A_187 : i32 to vector<128x1024xi32>
    %eq3A_189 = arith.cmpi eq, %get3A_10, %eq3A_188 : vector<128x1024xi32>
    %jit3A_190 = arith.constant -3.40282347E+38 : f32
    %broadcast_in_dim3A_191 = vector.broadcast %jit3A_190 : f32 to vector<128x1024xf32>
    %select_n3A_192 = arith.select %eq3A_189, %get3A_7, %broadcast_in_dim3A_191 : vector<128x1024xi1>, vector<128x1024xf32>
    %reduce_max3A_193 = arith.constant dense<0xFF800000> : vector<1024xf32>
    %reduce_max3A_194 = vector.multi_reduction <maximumf>, %select_n3A_192, %reduce_max3A_193 [0] : vector<128x1024xf32> to vector<1024xf32>
    %broadcast_in_dim3A_195 = vector.shape_cast %reduce_max3A_194 : vector<1024xf32> to vector<1x1024xf32>
    %eq3A_196 = vector.broadcast %broadcast_in_dim3A_195 : vector<1x1024xf32> to vector<128x1024xf32>
    %eq3A_197 = arith.cmpf oeq, %select_n3A_192, %eq3A_196 : vector<128x1024xf32>
    %jit3A_198 = arith.constant 131072 : i32
    %broadcast_in_dim3A_199 = vector.broadcast %jit3A_198 : i32 to vector<128x1024xi32>
    %select_n3A_200 = arith.select %eq3A_197, %add3A_22, %broadcast_in_dim3A_199 : vector<128x1024xi1>, vector<128x1024xi32>
    %reduce_min3A_201 = arith.constant dense<2147483647> : vector<1024xi32>
    %reduce_min3A_202 = vector.multi_reduction <minsi>, %select_n3A_200, %reduce_min3A_201 [0] : vector<128x1024xi32> to vector<1024xi32>
    %broadcast_in_dim3A_203 = vector.shape_cast %reduce_min3A_202 : vector<1024xi32> to vector<1x1024xi32>
    %eq3A_204 = arith.constant 11 : i32
    %eq3A_205 = vector.broadcast %eq3A_204 : i32 to vector<128x1024xi32>
    %eq3A_206 = arith.cmpi eq, %get3A_10, %eq3A_205 : vector<128x1024xi32>
    %jit3A_207 = arith.constant -3.40282347E+38 : f32
    %broadcast_in_dim3A_208 = vector.broadcast %jit3A_207 : f32 to vector<128x1024xf32>
    %select_n3A_209 = arith.select %eq3A_206, %get3A_7, %broadcast_in_dim3A_208 : vector<128x1024xi1>, vector<128x1024xf32>
    %reduce_max3A_210 = arith.constant dense<0xFF800000> : vector<1024xf32>
    %reduce_max3A_211 = vector.multi_reduction <maximumf>, %select_n3A_209, %reduce_max3A_210 [0] : vector<128x1024xf32> to vector<1024xf32>
    %broadcast_in_dim3A_212 = vector.shape_cast %reduce_max3A_211 : vector<1024xf32> to vector<1x1024xf32>
    %eq3A_213 = vector.broadcast %broadcast_in_dim3A_212 : vector<1x1024xf32> to vector<128x1024xf32>
    %eq3A_214 = arith.cmpf oeq, %select_n3A_209, %eq3A_213 : vector<128x1024xf32>
    %jit3A_215 = arith.constant 131072 : i32
    %broadcast_in_dim3A_216 = vector.broadcast %jit3A_215 : i32 to vector<128x1024xi32>
    %select_n3A_217 = arith.select %eq3A_214, %add3A_22, %broadcast_in_dim3A_216 : vector<128x1024xi1>, vector<128x1024xi32>
    %reduce_min3A_218 = arith.constant dense<2147483647> : vector<1024xi32>
    %reduce_min3A_219 = vector.multi_reduction <minsi>, %select_n3A_217, %reduce_min3A_218 [0] : vector<128x1024xi32> to vector<1024xi32>
    %broadcast_in_dim3A_220 = vector.shape_cast %reduce_min3A_219 : vector<1024xi32> to vector<1x1024xi32>
    %eq3A_221 = arith.constant 12 : i32
    %eq3A_222 = vector.broadcast %eq3A_221 : i32 to vector<128x1024xi32>
    %eq3A_223 = arith.cmpi eq, %get3A_10, %eq3A_222 : vector<128x1024xi32>
    %jit3A_224 = arith.constant -3.40282347E+38 : f32
    %broadcast_in_dim3A_225 = vector.broadcast %jit3A_224 : f32 to vector<128x1024xf32>
    %select_n3A_226 = arith.select %eq3A_223, %get3A_7, %broadcast_in_dim3A_225 : vector<128x1024xi1>, vector<128x1024xf32>
    %reduce_max3A_227 = arith.constant dense<0xFF800000> : vector<1024xf32>
    %reduce_max3A_228 = vector.multi_reduction <maximumf>, %select_n3A_226, %reduce_max3A_227 [0] : vector<128x1024xf32> to vector<1024xf32>
    %broadcast_in_dim3A_229 = vector.shape_cast %reduce_max3A_228 : vector<1024xf32> to vector<1x1024xf32>
    %eq3A_230 = vector.broadcast %broadcast_in_dim3A_229 : vector<1x1024xf32> to vector<128x1024xf32>
    %eq3A_231 = arith.cmpf oeq, %select_n3A_226, %eq3A_230 : vector<128x1024xf32>
    %jit3A_232 = arith.constant 131072 : i32
    %broadcast_in_dim3A_233 = vector.broadcast %jit3A_232 : i32 to vector<128x1024xi32>
    %select_n3A_234 = arith.select %eq3A_231, %add3A_22, %broadcast_in_dim3A_233 : vector<128x1024xi1>, vector<128x1024xi32>
    %reduce_min3A_235 = arith.constant dense<2147483647> : vector<1024xi32>
    %reduce_min3A_236 = vector.multi_reduction <minsi>, %select_n3A_234, %reduce_min3A_235 [0] : vector<128x1024xi32> to vector<1024xi32>
    %broadcast_in_dim3A_237 = vector.shape_cast %reduce_min3A_236 : vector<1024xi32> to vector<1x1024xi32>
    %eq3A_238 = arith.constant 13 : i32
    %eq3A_239 = vector.broadcast %eq3A_238 : i32 to vector<128x1024xi32>
    %eq3A_240 = arith.cmpi eq, %get3A_10, %eq3A_239 : vector<128x1024xi32>
    %jit3A_241 = arith.constant -3.40282347E+38 : f32
    %broadcast_in_dim3A_242 = vector.broadcast %jit3A_241 : f32 to vector<128x1024xf32>
    %select_n3A_243 = arith.select %eq3A_240, %get3A_7, %broadcast_in_dim3A_242 : vector<128x1024xi1>, vector<128x1024xf32>
    %reduce_max3A_244 = arith.constant dense<0xFF800000> : vector<1024xf32>
    %reduce_max3A_245 = vector.multi_reduction <maximumf>, %select_n3A_243, %reduce_max3A_244 [0] : vector<128x1024xf32> to vector<1024xf32>
    %broadcast_in_dim3A_246 = vector.shape_cast %reduce_max3A_245 : vector<1024xf32> to vector<1x1024xf32>
    %eq3A_247 = vector.broadcast %broadcast_in_dim3A_246 : vector<1x1024xf32> to vector<128x1024xf32>
    %eq3A_248 = arith.cmpf oeq, %select_n3A_243, %eq3A_247 : vector<128x1024xf32>
    %jit3A_249 = arith.constant 131072 : i32
    %broadcast_in_dim3A_250 = vector.broadcast %jit3A_249 : i32 to vector<128x1024xi32>
    %select_n3A_251 = arith.select %eq3A_248, %add3A_22, %broadcast_in_dim3A_250 : vector<128x1024xi1>, vector<128x1024xi32>
    %reduce_min3A_252 = arith.constant dense<2147483647> : vector<1024xi32>
    %reduce_min3A_253 = vector.multi_reduction <minsi>, %select_n3A_251, %reduce_min3A_252 [0] : vector<128x1024xi32> to vector<1024xi32>
    %broadcast_in_dim3A_254 = vector.shape_cast %reduce_min3A_253 : vector<1024xi32> to vector<1x1024xi32>
    %eq3A_255 = arith.constant 14 : i32
    %eq3A_256 = vector.broadcast %eq3A_255 : i32 to vector<128x1024xi32>
    %eq3A_257 = arith.cmpi eq, %get3A_10, %eq3A_256 : vector<128x1024xi32>
    %jit3A_258 = arith.constant -3.40282347E+38 : f32
    %broadcast_in_dim3A_259 = vector.broadcast %jit3A_258 : f32 to vector<128x1024xf32>
    %select_n3A_260 = arith.select %eq3A_257, %get3A_7, %broadcast_in_dim3A_259 : vector<128x1024xi1>, vector<128x1024xf32>
    %reduce_max3A_261 = arith.constant dense<0xFF800000> : vector<1024xf32>
    %reduce_max3A_262 = vector.multi_reduction <maximumf>, %select_n3A_260, %reduce_max3A_261 [0] : vector<128x1024xf32> to vector<1024xf32>
    %broadcast_in_dim3A_263 = vector.shape_cast %reduce_max3A_262 : vector<1024xf32> to vector<1x1024xf32>
    %eq3A_264 = vector.broadcast %broadcast_in_dim3A_263 : vector<1x1024xf32> to vector<128x1024xf32>
    %eq3A_265 = arith.cmpf oeq, %select_n3A_260, %eq3A_264 : vector<128x1024xf32>
    %jit3A_266 = arith.constant 131072 : i32
    %broadcast_in_dim3A_267 = vector.broadcast %jit3A_266 : i32 to vector<128x1024xi32>
    %select_n3A_268 = arith.select %eq3A_265, %add3A_22, %broadcast_in_dim3A_267 : vector<128x1024xi1>, vector<128x1024xi32>
    %reduce_min3A_269 = arith.constant dense<2147483647> : vector<1024xi32>
    %reduce_min3A_270 = vector.multi_reduction <minsi>, %select_n3A_268, %reduce_min3A_269 [0] : vector<128x1024xi32> to vector<1024xi32>
    %broadcast_in_dim3A_271 = vector.shape_cast %reduce_min3A_270 : vector<1024xi32> to vector<1x1024xi32>
    %eq3A_272 = arith.constant 15 : i32
    %eq3A_273 = vector.broadcast %eq3A_272 : i32 to vector<128x1024xi32>
    %eq3A_274 = arith.cmpi eq, %get3A_10, %eq3A_273 : vector<128x1024xi32>
    %jit3A_275 = arith.constant -3.40282347E+38 : f32
    %broadcast_in_dim3A_276 = vector.broadcast %jit3A_275 : f32 to vector<128x1024xf32>
    %select_n3A_277 = arith.select %eq3A_274, %get3A_7, %broadcast_in_dim3A_276 : vector<128x1024xi1>, vector<128x1024xf32>
    %reduce_max3A_278 = arith.constant dense<0xFF800000> : vector<1024xf32>
    %reduce_max3A_279 = vector.multi_reduction <maximumf>, %select_n3A_277, %reduce_max3A_278 [0] : vector<128x1024xf32> to vector<1024xf32>
    %broadcast_in_dim3A_280 = vector.shape_cast %reduce_max3A_279 : vector<1024xf32> to vector<1x1024xf32>
    %eq3A_281 = vector.broadcast %broadcast_in_dim3A_280 : vector<1x1024xf32> to vector<128x1024xf32>
    %eq3A_282 = arith.cmpf oeq, %select_n3A_277, %eq3A_281 : vector<128x1024xf32>
    %jit3A_283 = arith.constant 131072 : i32
    %broadcast_in_dim3A_284 = vector.broadcast %jit3A_283 : i32 to vector<128x1024xi32>
    %select_n3A_285 = arith.select %eq3A_282, %add3A_22, %broadcast_in_dim3A_284 : vector<128x1024xi1>, vector<128x1024xi32>
    %reduce_min3A_286 = arith.constant dense<2147483647> : vector<1024xi32>
    %reduce_min3A_287 = vector.multi_reduction <minsi>, %select_n3A_285, %reduce_min3A_286 [0] : vector<128x1024xi32> to vector<1024xi32>
    %broadcast_in_dim3A_288 = vector.shape_cast %reduce_min3A_287 : vector<1024xi32> to vector<1x1024xi32>
    %eq3A_289 = arith.constant 16 : i32
    %eq3A_290 = vector.broadcast %eq3A_289 : i32 to vector<128x1024xi32>
    %eq3A_291 = arith.cmpi eq, %get3A_10, %eq3A_290 : vector<128x1024xi32>
    %jit3A_292 = arith.constant -3.40282347E+38 : f32
    %broadcast_in_dim3A_293 = vector.broadcast %jit3A_292 : f32 to vector<128x1024xf32>
    %select_n3A_294 = arith.select %eq3A_291, %get3A_7, %broadcast_in_dim3A_293 : vector<128x1024xi1>, vector<128x1024xf32>
    %reduce_max3A_295 = arith.constant dense<0xFF800000> : vector<1024xf32>
    %reduce_max3A_296 = vector.multi_reduction <maximumf>, %select_n3A_294, %reduce_max3A_295 [0] : vector<128x1024xf32> to vector<1024xf32>
    %broadcast_in_dim3A_297 = vector.shape_cast %reduce_max3A_296 : vector<1024xf32> to vector<1x1024xf32>
    %eq3A_298 = vector.broadcast %broadcast_in_dim3A_297 : vector<1x1024xf32> to vector<128x1024xf32>
    %eq3A_299 = arith.cmpf oeq, %select_n3A_294, %eq3A_298 : vector<128x1024xf32>
    %jit3A_300 = arith.constant 131072 : i32
    %broadcast_in_dim3A_301 = vector.broadcast %jit3A_300 : i32 to vector<128x1024xi32>
    %select_n3A_302 = arith.select %eq3A_299, %add3A_22, %broadcast_in_dim3A_301 : vector<128x1024xi1>, vector<128x1024xi32>
    %reduce_min3A_303 = arith.constant dense<2147483647> : vector<1024xi32>
    %reduce_min3A_304 = vector.multi_reduction <minsi>, %select_n3A_302, %reduce_min3A_303 [0] : vector<128x1024xi32> to vector<1024xi32>
    %broadcast_in_dim3A_305 = vector.shape_cast %reduce_min3A_304 : vector<1024xi32> to vector<1x1024xi32>
    %eq3A_306 = arith.constant 17 : i32
    %eq3A_307 = vector.broadcast %eq3A_306 : i32 to vector<128x1024xi32>
    %eq3A_308 = arith.cmpi eq, %get3A_10, %eq3A_307 : vector<128x1024xi32>
    %jit3A_309 = arith.constant -3.40282347E+38 : f32
    %broadcast_in_dim3A_310 = vector.broadcast %jit3A_309 : f32 to vector<128x1024xf32>
    %select_n3A_311 = arith.select %eq3A_308, %get3A_7, %broadcast_in_dim3A_310 : vector<128x1024xi1>, vector<128x1024xf32>
    %reduce_max3A_312 = arith.constant dense<0xFF800000> : vector<1024xf32>
    %reduce_max3A_313 = vector.multi_reduction <maximumf>, %select_n3A_311, %reduce_max3A_312 [0] : vector<128x1024xf32> to vector<1024xf32>
    %broadcast_in_dim3A_314 = vector.shape_cast %reduce_max3A_313 : vector<1024xf32> to vector<1x1024xf32>
    %eq3A_315 = vector.broadcast %broadcast_in_dim3A_314 : vector<1x1024xf32> to vector<128x1024xf32>
    %eq3A_316 = arith.cmpf oeq, %select_n3A_311, %eq3A_315 : vector<128x1024xf32>
    %jit3A_317 = arith.constant 131072 : i32
    %broadcast_in_dim3A_318 = vector.broadcast %jit3A_317 : i32 to vector<128x1024xi32>
    %select_n3A_319 = arith.select %eq3A_316, %add3A_22, %broadcast_in_dim3A_318 : vector<128x1024xi1>, vector<128x1024xi32>
    %reduce_min3A_320 = arith.constant dense<2147483647> : vector<1024xi32>
    %reduce_min3A_321 = vector.multi_reduction <minsi>, %select_n3A_319, %reduce_min3A_320 [0] : vector<128x1024xi32> to vector<1024xi32>
    %broadcast_in_dim3A_322 = vector.shape_cast %reduce_min3A_321 : vector<1024xi32> to vector<1x1024xi32>
    %eq3A_323 = arith.constant 18 : i32
    %eq3A_324 = vector.broadcast %eq3A_323 : i32 to vector<128x1024xi32>
    %eq3A_325 = arith.cmpi eq, %get3A_10, %eq3A_324 : vector<128x1024xi32>
    %jit3A_326 = arith.constant -3.40282347E+38 : f32
    %broadcast_in_dim3A_327 = vector.broadcast %jit3A_326 : f32 to vector<128x1024xf32>
    %select_n3A_328 = arith.select %eq3A_325, %get3A_7, %broadcast_in_dim3A_327 : vector<128x1024xi1>, vector<128x1024xf32>
    %reduce_max3A_329 = arith.constant dense<0xFF800000> : vector<1024xf32>
    %reduce_max3A_330 = vector.multi_reduction <maximumf>, %select_n3A_328, %reduce_max3A_329 [0] : vector<128x1024xf32> to vector<1024xf32>
    %broadcast_in_dim3A_331 = vector.shape_cast %reduce_max3A_330 : vector<1024xf32> to vector<1x1024xf32>
    %eq3A_332 = vector.broadcast %broadcast_in_dim3A_331 : vector<1x1024xf32> to vector<128x1024xf32>
    %eq3A_333 = arith.cmpf oeq, %select_n3A_328, %eq3A_332 : vector<128x1024xf32>
    %jit3A_334 = arith.constant 131072 : i32
    %broadcast_in_dim3A_335 = vector.broadcast %jit3A_334 : i32 to vector<128x1024xi32>
    %select_n3A_336 = arith.select %eq3A_333, %add3A_22, %broadcast_in_dim3A_335 : vector<128x1024xi1>, vector<128x1024xi32>
    %reduce_min3A_337 = arith.constant dense<2147483647> : vector<1024xi32>
    %reduce_min3A_338 = vector.multi_reduction <minsi>, %select_n3A_336, %reduce_min3A_337 [0] : vector<128x1024xi32> to vector<1024xi32>
    %broadcast_in_dim3A_339 = vector.shape_cast %reduce_min3A_338 : vector<1024xi32> to vector<1x1024xi32>
    %eq3A_340 = arith.constant 19 : i32
    %eq3A_341 = vector.broadcast %eq3A_340 : i32 to vector<128x1024xi32>
    %eq3A_342 = arith.cmpi eq, %get3A_10, %eq3A_341 : vector<128x1024xi32>
    %jit3A_343 = arith.constant -3.40282347E+38 : f32
    %broadcast_in_dim3A_344 = vector.broadcast %jit3A_343 : f32 to vector<128x1024xf32>
    %select_n3A_345 = arith.select %eq3A_342, %get3A_7, %broadcast_in_dim3A_344 : vector<128x1024xi1>, vector<128x1024xf32>
    %reduce_max3A_346 = arith.constant dense<0xFF800000> : vector<1024xf32>
    %reduce_max3A_347 = vector.multi_reduction <maximumf>, %select_n3A_345, %reduce_max3A_346 [0] : vector<128x1024xf32> to vector<1024xf32>
    %broadcast_in_dim3A_348 = vector.shape_cast %reduce_max3A_347 : vector<1024xf32> to vector<1x1024xf32>
    %eq3A_349 = vector.broadcast %broadcast_in_dim3A_348 : vector<1x1024xf32> to vector<128x1024xf32>
    %eq3A_350 = arith.cmpf oeq, %select_n3A_345, %eq3A_349 : vector<128x1024xf32>
    %jit3A_351 = arith.constant 131072 : i32
    %broadcast_in_dim3A_352 = vector.broadcast %jit3A_351 : i32 to vector<128x1024xi32>
    %select_n3A_353 = arith.select %eq3A_350, %add3A_22, %broadcast_in_dim3A_352 : vector<128x1024xi1>, vector<128x1024xi32>
    %reduce_min3A_354 = arith.constant dense<2147483647> : vector<1024xi32>
    %reduce_min3A_355 = vector.multi_reduction <minsi>, %select_n3A_353, %reduce_min3A_354 [0] : vector<128x1024xi32> to vector<1024xi32>
    %broadcast_in_dim3A_356 = vector.shape_cast %reduce_min3A_355 : vector<1024xi32> to vector<1x1024xi32>
    %eq3A_357 = arith.constant 20 : i32
    %eq3A_358 = vector.broadcast %eq3A_357 : i32 to vector<128x1024xi32>
    %eq3A_359 = arith.cmpi eq, %get3A_10, %eq3A_358 : vector<128x1024xi32>
    %jit3A_360 = arith.constant -3.40282347E+38 : f32
    %broadcast_in_dim3A_361 = vector.broadcast %jit3A_360 : f32 to vector<128x1024xf32>
    %select_n3A_362 = arith.select %eq3A_359, %get3A_7, %broadcast_in_dim3A_361 : vector<128x1024xi1>, vector<128x1024xf32>
    %reduce_max3A_363 = arith.constant dense<0xFF800000> : vector<1024xf32>
    %reduce_max3A_364 = vector.multi_reduction <maximumf>, %select_n3A_362, %reduce_max3A_363 [0] : vector<128x1024xf32> to vector<1024xf32>
    %broadcast_in_dim3A_365 = vector.shape_cast %reduce_max3A_364 : vector<1024xf32> to vector<1x1024xf32>
    %eq3A_366 = vector.broadcast %broadcast_in_dim3A_365 : vector<1x1024xf32> to vector<128x1024xf32>
    %eq3A_367 = arith.cmpf oeq, %select_n3A_362, %eq3A_366 : vector<128x1024xf32>
    %jit3A_368 = arith.constant 131072 : i32
    %broadcast_in_dim3A_369 = vector.broadcast %jit3A_368 : i32 to vector<128x1024xi32>
    %select_n3A_370 = arith.select %eq3A_367, %add3A_22, %broadcast_in_dim3A_369 : vector<128x1024xi1>, vector<128x1024xi32>
    %reduce_min3A_371 = arith.constant dense<2147483647> : vector<1024xi32>
    %reduce_min3A_372 = vector.multi_reduction <minsi>, %select_n3A_370, %reduce_min3A_371 [0] : vector<128x1024xi32> to vector<1024xi32>
    %broadcast_in_dim3A_373 = vector.shape_cast %reduce_min3A_372 : vector<1024xi32> to vector<1x1024xi32>
    %broadcast_in_dim3A_374 = arith.constant 0 : i32
    %broadcast_in_dim3A_375 = vector.broadcast %broadcast_in_dim3A_374 : i32 to vector<64x1xi32>
    %broadcast_in_dim3A_376 = arith.constant 0 : i32
    %broadcast_in_dim3A_377 = vector.broadcast %broadcast_in_dim3A_376 : i32 to vector<64x1xi32>
    %broadcast_in_dim3A_378 = arith.constant 0 : i32
    %broadcast_in_dim3A_379 = vector.broadcast %broadcast_in_dim3A_378 : i32 to vector<64x1xi32>
    %broadcast_in_dim3A_380 = arith.constant 0 : i32
    %broadcast_in_dim3A_381 = vector.broadcast %broadcast_in_dim3A_380 : i32 to vector<64x1xi32>
    %broadcast_in_dim3A_382 = arith.constant 0 : i32
    %broadcast_in_dim3A_383 = vector.broadcast %broadcast_in_dim3A_382 : i32 to vector<64x1xi32>
    %broadcast_in_dim3A_384 = arith.constant 0 : i32
    %broadcast_in_dim3A_385 = vector.broadcast %broadcast_in_dim3A_384 : i32 to vector<64x1xi32>
    %broadcast_in_dim3A_386 = arith.constant 0 : i32
    %broadcast_in_dim3A_387 = vector.broadcast %broadcast_in_dim3A_386 : i32 to vector<64x1xi32>
    %broadcast_in_dim3A_388 = arith.constant 0 : i32
    %broadcast_in_dim3A_389 = vector.broadcast %broadcast_in_dim3A_388 : i32 to vector<64x1xi32>
    %broadcast_in_dim3A_390 = arith.constant 0 : i32
    %broadcast_in_dim3A_391 = vector.broadcast %broadcast_in_dim3A_390 : i32 to vector<64x1xi32>
    %broadcast_in_dim3A_392 = arith.constant 0 : i32
    %broadcast_in_dim3A_393 = vector.broadcast %broadcast_in_dim3A_392 : i32 to vector<64x1xi32>
    %broadcast_in_dim3A_394 = arith.constant 0 : i32
    %broadcast_in_dim3A_395 = vector.broadcast %broadcast_in_dim3A_394 : i32 to vector<64x1xi32>
    %broadcast_in_dim3A_396 = arith.constant 0 : i32
    %broadcast_in_dim3A_397 = vector.broadcast %broadcast_in_dim3A_396 : i32 to vector<64x1xi32>
    %broadcast_in_dim3A_398 = arith.constant 0 : i32
    %broadcast_in_dim3A_399 = vector.broadcast %broadcast_in_dim3A_398 : i32 to vector<64x1xi32>
    %broadcast_in_dim3A_400 = arith.constant 0 : i32
    %broadcast_in_dim3A_401 = vector.broadcast %broadcast_in_dim3A_400 : i32 to vector<64x1xi32>
    %broadcast_in_dim3A_402 = arith.constant 0 : i32
    %broadcast_in_dim3A_403 = vector.broadcast %broadcast_in_dim3A_402 : i32 to vector<64x1xi32>
    %broadcast_in_dim3A_404 = arith.constant 0 : i32
    %broadcast_in_dim3A_405 = vector.broadcast %broadcast_in_dim3A_404 : i32 to vector<64x1xi32>
    %broadcast_in_dim3A_406 = arith.constant 0 : i32
    %broadcast_in_dim3A_407 = vector.broadcast %broadcast_in_dim3A_406 : i32 to vector<64x1xi32>
    %broadcast_in_dim3A_408 = arith.constant 0 : i32
    %broadcast_in_dim3A_409 = vector.broadcast %broadcast_in_dim3A_408 : i32 to vector<64x1xi32>
    %broadcast_in_dim3A_410 = arith.constant 0 : i32
    %broadcast_in_dim3A_411 = vector.broadcast %broadcast_in_dim3A_410 : i32 to vector<64x1xi32>
    %broadcast_in_dim3A_412 = arith.constant 0 : i32
    %broadcast_in_dim3A_413 = vector.broadcast %broadcast_in_dim3A_412 : i32 to vector<64x1xi32>
    %broadcast_in_dim3A_414 = arith.constant 0 : i32
    %broadcast_in_dim3A_415 = vector.broadcast %broadcast_in_dim3A_414 : i32 to vector<64x1xi32>
    %scan3A = arith.constant 131072 : i32
    %scan3A_416 = arith.constant 0 : i32
    %scan3A_417 = arith.constant 64 : i32
    %scan3A_418 = arith.addi %scan3A_416, %scan3A_417 : i32
    %scan3A_419 = arith.constant 1 : i32
    %scan3A_420:42 = scf.for %scan3A_934 = %scan3A_416 to %scan3A_418 step %scan3A_419 iter_args(%scan3A_935 = %broadcast_in_dim3A_26, %scan3A_936 = %broadcast_in_dim3A_42, %scan3A_937 = %broadcast_in_dim3A_59, %scan3A_938 = %broadcast_in_dim3A_76, %scan3A_939 = %broadcast_in_dim3A_93, %scan3A_940 = %broadcast_in_dim3A_110, %scan3A_941 = %broadcast_in_dim3A_127, %scan3A_942 = %broadcast_in_dim3A_144, %scan3A_943 = %broadcast_in_dim3A_161, %scan3A_944 = %broadcast_in_dim3A_178, %scan3A_945 = %broadcast_in_dim3A_195, %scan3A_946 = %broadcast_in_dim3A_212, %scan3A_947 = %broadcast_in_dim3A_229, %scan3A_948 = %broadcast_in_dim3A_246, %scan3A_949 = %broadcast_in_dim3A_263, %scan3A_950 = %broadcast_in_dim3A_280, %scan3A_951 = %broadcast_in_dim3A_297, %scan3A_952 = %broadcast_in_dim3A_314, %scan3A_953 = %broadcast_in_dim3A_331, %scan3A_954 = %broadcast_in_dim3A_348, %scan3A_955 = %broadcast_in_dim3A_365, %scan3A_956 = %broadcast_in_dim3A_375, %scan3A_957 = %broadcast_in_dim3A_377, %scan3A_958 = %broadcast_in_dim3A_379, %scan3A_959 = %broadcast_in_dim3A_381, %scan3A_960 = %broadcast_in_dim3A_383, %scan3A_961 = %broadcast_in_dim3A_385, %scan3A_962 = %broadcast_in_dim3A_387, %scan3A_963 = %broadcast_in_dim3A_389, %scan3A_964 = %broadcast_in_dim3A_391, %scan3A_965 = %broadcast_in_dim3A_393, %scan3A_966 = %broadcast_in_dim3A_395, %scan3A_967 = %broadcast_in_dim3A_397, %scan3A_968 = %broadcast_in_dim3A_399, %scan3A_969 = %broadcast_in_dim3A_401, %scan3A_970 = %broadcast_in_dim3A_403, %scan3A_971 = %broadcast_in_dim3A_405, %scan3A_972 = %broadcast_in_dim3A_407, %scan3A_973 = %broadcast_in_dim3A_409, %scan3A_974 = %broadcast_in_dim3A_411, %scan3A_975 = %broadcast_in_dim3A_413, %scan3A_976 = %broadcast_in_dim3A_415) -> (vector<1x1024xf32>, vector<1x1024xf32>, vector<1x1024xf32>, vector<1x1024xf32>, vector<1x1024xf32>, vector<1x1024xf32>, vector<1x1024xf32>, vector<1x1024xf32>, vector<1x1024xf32>, vector<1x1024xf32>, vector<1x1024xf32>, vector<1x1024xf32>, vector<1x1024xf32>, vector<1x1024xf32>, vector<1x1024xf32>, vector<1x1024xf32>, vector<1x1024xf32>, vector<1x1024xf32>, vector<1x1024xf32>, vector<1x1024xf32>, vector<1x1024xf32>, vector<64x1xi32>, vector<64x1xi32>, vector<64x1xi32>, vector<64x1xi32>, vector<64x1xi32>, vector<64x1xi32>, vector<64x1xi32>, vector<64x1xi32>, vector<64x1xi32>, vector<64x1xi32>, vector<64x1xi32>, vector<64x1xi32>, vector<64x1xi32>, vector<64x1xi32>, vector<64x1xi32>, vector<64x1xi32>, vector<64x1xi32>, vector<64x1xi32>, vector<64x1xi32>, vector<64x1xi32>, vector<64x1xi32>)  : i32 {
      %reduce_max3A_977 = vector.shape_cast %scan3A_935 : vector<1x1024xf32> to vector<1x1x1024xf32>
      %reduce_max3A_978 = arith.constant dense<0xFF800000> : vector<1xf32>
      %reduce_max3A_979 = vector.multi_reduction <maximumf>, %reduce_max3A_977, %reduce_max3A_978 [1, 2] : vector<1x1x1024xf32> to vector<1xf32>
      %reduce_max3A_980 = vector.shape_cast %reduce_max3A_979 : vector<1xf32> to vector<1x1x1xf32>
      %reduce_max3A_981 = vector.extract %reduce_max3A_980[0, 0, 0] : f32 from vector<1x1x1xf32>
      %eq3A_982 = vector.broadcast %reduce_max3A_981 : f32 to vector<1x1024xf32>
      %eq3A_983 = arith.cmpf oeq, %scan3A_935, %eq3A_982 : vector<1x1024xf32>
      %broadcast_in_dim3A_984 = vector.broadcast %scan3A : i32 to vector<1x1024xi32>
      %select_n3A_985 = arith.select %eq3A_983, %broadcast_in_dim3A_33, %broadcast_in_dim3A_984 : vector<1x1024xi1>, vector<1x1024xi32>
      %reduce_min3A_986 = vector.shape_cast %select_n3A_985 : vector<1x1024xi32> to vector<1x1x1024xi32>
      %reduce_min3A_987 = arith.constant dense<2147483647> : vector<1xi32>
      %reduce_min3A_988 = vector.multi_reduction <minsi>, %reduce_min3A_986, %reduce_min3A_987 [1, 2] : vector<1x1x1024xi32> to vector<1xi32>
      %reduce_min3A_989 = vector.shape_cast %reduce_min3A_988 : vector<1xi32> to vector<1x1x1xi32>
      %reduce_min3A_990 = vector.extract %reduce_min3A_989[0, 0, 0] : i32 from vector<1x1x1xi32>
      %eq3A_991 = vector.broadcast %reduce_min3A_990 : i32 to vector<1x1024xi32>
      %eq3A_992 = arith.cmpi eq, %broadcast_in_dim3A_33, %eq3A_991 : vector<1x1024xi32>
      %jit3A_993 = arith.constant -3.40282347E+38 : f32
      %broadcast_in_dim3A_994 = vector.broadcast %jit3A_993 : f32 to vector<1x1024xf32>
      %select_n3A_995 = arith.select %eq3A_992, %broadcast_in_dim3A_994, %scan3A_935 : vector<1x1024xi1>, vector<1x1024xf32>
      %eq3A_996 = vector.broadcast %scan3A_934 : i32 to vector<64x1xi32>
      %eq3A_997 = arith.cmpi eq, %iota3A_16, %eq3A_996 : vector<64x1xi32>
      %shift_right_arithmetic3A = arith.constant 7 : i32
      %shift_right_arithmetic3A_998 = arith.shrsi %reduce_min3A_990, %shift_right_arithmetic3A : i32
      %broadcast_in_dim3A_999 = vector.broadcast %shift_right_arithmetic3A_998 : i32 to vector<64x1xi32>
      %select_n3A_1000 = arith.select %eq3A_997, %broadcast_in_dim3A_999, %scan3A_956 : vector<64x1xi1>, vector<64x1xi32>
      %reduce_max3A_1001 = vector.shape_cast %scan3A_936 : vector<1x1024xf32> to vector<1x1x1024xf32>
      %reduce_max3A_1002 = arith.constant dense<0xFF800000> : vector<1xf32>
      %reduce_max3A_1003 = vector.multi_reduction <maximumf>, %reduce_max3A_1001, %reduce_max3A_1002 [1, 2] : vector<1x1x1024xf32> to vector<1xf32>
      %reduce_max3A_1004 = vector.shape_cast %reduce_max3A_1003 : vector<1xf32> to vector<1x1x1xf32>
      %reduce_max3A_1005 = vector.extract %reduce_max3A_1004[0, 0, 0] : f32 from vector<1x1x1xf32>
      %eq3A_1006 = vector.broadcast %reduce_max3A_1005 : f32 to vector<1x1024xf32>
      %eq3A_1007 = arith.cmpf oeq, %scan3A_936, %eq3A_1006 : vector<1x1024xf32>
      %broadcast_in_dim3A_1008 = vector.broadcast %scan3A : i32 to vector<1x1024xi32>
      %select_n3A_1009 = arith.select %eq3A_1007, %broadcast_in_dim3A_50, %broadcast_in_dim3A_1008 : vector<1x1024xi1>, vector<1x1024xi32>
      %reduce_min3A_1010 = vector.shape_cast %select_n3A_1009 : vector<1x1024xi32> to vector<1x1x1024xi32>
      %reduce_min3A_1011 = arith.constant dense<2147483647> : vector<1xi32>
      %reduce_min3A_1012 = vector.multi_reduction <minsi>, %reduce_min3A_1010, %reduce_min3A_1011 [1, 2] : vector<1x1x1024xi32> to vector<1xi32>
      %reduce_min3A_1013 = vector.shape_cast %reduce_min3A_1012 : vector<1xi32> to vector<1x1x1xi32>
      %reduce_min3A_1014 = vector.extract %reduce_min3A_1013[0, 0, 0] : i32 from vector<1x1x1xi32>
      %eq3A_1015 = vector.broadcast %reduce_min3A_1014 : i32 to vector<1x1024xi32>
      %eq3A_1016 = arith.cmpi eq, %broadcast_in_dim3A_50, %eq3A_1015 : vector<1x1024xi32>
      %jit3A_1017 = arith.constant -3.40282347E+38 : f32
      %broadcast_in_dim3A_1018 = vector.broadcast %jit3A_1017 : f32 to vector<1x1024xf32>
      %select_n3A_1019 = arith.select %eq3A_1016, %broadcast_in_dim3A_1018, %scan3A_936 : vector<1x1024xi1>, vector<1x1024xf32>
      %eq3A_1020 = vector.broadcast %scan3A_934 : i32 to vector<64x1xi32>
      %eq3A_1021 = arith.cmpi eq, %iota3A_16, %eq3A_1020 : vector<64x1xi32>
      %shift_right_arithmetic3A_1022 = arith.constant 7 : i32
      %shift_right_arithmetic3A_1023 = arith.shrsi %reduce_min3A_1014, %shift_right_arithmetic3A_1022 : i32
      %broadcast_in_dim3A_1024 = vector.broadcast %shift_right_arithmetic3A_1023 : i32 to vector<64x1xi32>
      %select_n3A_1025 = arith.select %eq3A_1021, %broadcast_in_dim3A_1024, %scan3A_957 : vector<64x1xi1>, vector<64x1xi32>
      %reduce_max3A_1026 = vector.shape_cast %scan3A_937 : vector<1x1024xf32> to vector<1x1x1024xf32>
      %reduce_max3A_1027 = arith.constant dense<0xFF800000> : vector<1xf32>
      %reduce_max3A_1028 = vector.multi_reduction <maximumf>, %reduce_max3A_1026, %reduce_max3A_1027 [1, 2] : vector<1x1x1024xf32> to vector<1xf32>
      %reduce_max3A_1029 = vector.shape_cast %reduce_max3A_1028 : vector<1xf32> to vector<1x1x1xf32>
      %reduce_max3A_1030 = vector.extract %reduce_max3A_1029[0, 0, 0] : f32 from vector<1x1x1xf32>
      %eq3A_1031 = vector.broadcast %reduce_max3A_1030 : f32 to vector<1x1024xf32>
      %eq3A_1032 = arith.cmpf oeq, %scan3A_937, %eq3A_1031 : vector<1x1024xf32>
      %broadcast_in_dim3A_1033 = vector.broadcast %scan3A : i32 to vector<1x1024xi32>
      %select_n3A_1034 = arith.select %eq3A_1032, %broadcast_in_dim3A_67, %broadcast_in_dim3A_1033 : vector<1x1024xi1>, vector<1x1024xi32>
      %reduce_min3A_1035 = vector.shape_cast %select_n3A_1034 : vector<1x1024xi32> to vector<1x1x1024xi32>
      %reduce_min3A_1036 = arith.constant dense<2147483647> : vector<1xi32>
      %reduce_min3A_1037 = vector.multi_reduction <minsi>, %reduce_min3A_1035, %reduce_min3A_1036 [1, 2] : vector<1x1x1024xi32> to vector<1xi32>
      %reduce_min3A_1038 = vector.shape_cast %reduce_min3A_1037 : vector<1xi32> to vector<1x1x1xi32>
      %reduce_min3A_1039 = vector.extract %reduce_min3A_1038[0, 0, 0] : i32 from vector<1x1x1xi32>
      %eq3A_1040 = vector.broadcast %reduce_min3A_1039 : i32 to vector<1x1024xi32>
      %eq3A_1041 = arith.cmpi eq, %broadcast_in_dim3A_67, %eq3A_1040 : vector<1x1024xi32>
      %jit3A_1042 = arith.constant -3.40282347E+38 : f32
      %broadcast_in_dim3A_1043 = vector.broadcast %jit3A_1042 : f32 to vector<1x1024xf32>
      %select_n3A_1044 = arith.select %eq3A_1041, %broadcast_in_dim3A_1043, %scan3A_937 : vector<1x1024xi1>, vector<1x1024xf32>
      %eq3A_1045 = vector.broadcast %scan3A_934 : i32 to vector<64x1xi32>
      %eq3A_1046 = arith.cmpi eq, %iota3A_16, %eq3A_1045 : vector<64x1xi32>
      %shift_right_arithmetic3A_1047 = arith.constant 7 : i32
      %shift_right_arithmetic3A_1048 = arith.shrsi %reduce_min3A_1039, %shift_right_arithmetic3A_1047 : i32
      %broadcast_in_dim3A_1049 = vector.broadcast %shift_right_arithmetic3A_1048 : i32 to vector<64x1xi32>
      %select_n3A_1050 = arith.select %eq3A_1046, %broadcast_in_dim3A_1049, %scan3A_958 : vector<64x1xi1>, vector<64x1xi32>
      %reduce_max3A_1051 = vector.shape_cast %scan3A_938 : vector<1x1024xf32> to vector<1x1x1024xf32>
      %reduce_max3A_1052 = arith.constant dense<0xFF800000> : vector<1xf32>
      %reduce_max3A_1053 = vector.multi_reduction <maximumf>, %reduce_max3A_1051, %reduce_max3A_1052 [1, 2] : vector<1x1x1024xf32> to vector<1xf32>
      %reduce_max3A_1054 = vector.shape_cast %reduce_max3A_1053 : vector<1xf32> to vector<1x1x1xf32>
      %reduce_max3A_1055 = vector.extract %reduce_max3A_1054[0, 0, 0] : f32 from vector<1x1x1xf32>
      %eq3A_1056 = vector.broadcast %reduce_max3A_1055 : f32 to vector<1x1024xf32>
      %eq3A_1057 = arith.cmpf oeq, %scan3A_938, %eq3A_1056 : vector<1x1024xf32>
      %broadcast_in_dim3A_1058 = vector.broadcast %scan3A : i32 to vector<1x1024xi32>
      %select_n3A_1059 = arith.select %eq3A_1057, %broadcast_in_dim3A_84, %broadcast_in_dim3A_1058 : vector<1x1024xi1>, vector<1x1024xi32>
      %reduce_min3A_1060 = vector.shape_cast %select_n3A_1059 : vector<1x1024xi32> to vector<1x1x1024xi32>
      %reduce_min3A_1061 = arith.constant dense<2147483647> : vector<1xi32>
      %reduce_min3A_1062 = vector.multi_reduction <minsi>, %reduce_min3A_1060, %reduce_min3A_1061 [1, 2] : vector<1x1x1024xi32> to vector<1xi32>
      %reduce_min3A_1063 = vector.shape_cast %reduce_min3A_1062 : vector<1xi32> to vector<1x1x1xi32>
      %reduce_min3A_1064 = vector.extract %reduce_min3A_1063[0, 0, 0] : i32 from vector<1x1x1xi32>
      %eq3A_1065 = vector.broadcast %reduce_min3A_1064 : i32 to vector<1x1024xi32>
      %eq3A_1066 = arith.cmpi eq, %broadcast_in_dim3A_84, %eq3A_1065 : vector<1x1024xi32>
      %jit3A_1067 = arith.constant -3.40282347E+38 : f32
      %broadcast_in_dim3A_1068 = vector.broadcast %jit3A_1067 : f32 to vector<1x1024xf32>
      %select_n3A_1069 = arith.select %eq3A_1066, %broadcast_in_dim3A_1068, %scan3A_938 : vector<1x1024xi1>, vector<1x1024xf32>
      %eq3A_1070 = vector.broadcast %scan3A_934 : i32 to vector<64x1xi32>
      %eq3A_1071 = arith.cmpi eq, %iota3A_16, %eq3A_1070 : vector<64x1xi32>
      %shift_right_arithmetic3A_1072 = arith.constant 7 : i32
      %shift_right_arithmetic3A_1073 = arith.shrsi %reduce_min3A_1064, %shift_right_arithmetic3A_1072 : i32
      %broadcast_in_dim3A_1074 = vector.broadcast %shift_right_arithmetic3A_1073 : i32 to vector<64x1xi32>
      %select_n3A_1075 = arith.select %eq3A_1071, %broadcast_in_dim3A_1074, %scan3A_959 : vector<64x1xi1>, vector<64x1xi32>
      %reduce_max3A_1076 = vector.shape_cast %scan3A_939 : vector<1x1024xf32> to vector<1x1x1024xf32>
      %reduce_max3A_1077 = arith.constant dense<0xFF800000> : vector<1xf32>
      %reduce_max3A_1078 = vector.multi_reduction <maximumf>, %reduce_max3A_1076, %reduce_max3A_1077 [1, 2] : vector<1x1x1024xf32> to vector<1xf32>
      %reduce_max3A_1079 = vector.shape_cast %reduce_max3A_1078 : vector<1xf32> to vector<1x1x1xf32>
      %reduce_max3A_1080 = vector.extract %reduce_max3A_1079[0, 0, 0] : f32 from vector<1x1x1xf32>
      %eq3A_1081 = vector.broadcast %reduce_max3A_1080 : f32 to vector<1x1024xf32>
      %eq3A_1082 = arith.cmpf oeq, %scan3A_939, %eq3A_1081 : vector<1x1024xf32>
      %broadcast_in_dim3A_1083 = vector.broadcast %scan3A : i32 to vector<1x1024xi32>
      %select_n3A_1084 = arith.select %eq3A_1082, %broadcast_in_dim3A_101, %broadcast_in_dim3A_1083 : vector<1x1024xi1>, vector<1x1024xi32>
      %reduce_min3A_1085 = vector.shape_cast %select_n3A_1084 : vector<1x1024xi32> to vector<1x1x1024xi32>
      %reduce_min3A_1086 = arith.constant dense<2147483647> : vector<1xi32>
      %reduce_min3A_1087 = vector.multi_reduction <minsi>, %reduce_min3A_1085, %reduce_min3A_1086 [1, 2] : vector<1x1x1024xi32> to vector<1xi32>
      %reduce_min3A_1088 = vector.shape_cast %reduce_min3A_1087 : vector<1xi32> to vector<1x1x1xi32>
      %reduce_min3A_1089 = vector.extract %reduce_min3A_1088[0, 0, 0] : i32 from vector<1x1x1xi32>
      %eq3A_1090 = vector.broadcast %reduce_min3A_1089 : i32 to vector<1x1024xi32>
      %eq3A_1091 = arith.cmpi eq, %broadcast_in_dim3A_101, %eq3A_1090 : vector<1x1024xi32>
      %jit3A_1092 = arith.constant -3.40282347E+38 : f32
      %broadcast_in_dim3A_1093 = vector.broadcast %jit3A_1092 : f32 to vector<1x1024xf32>
      %select_n3A_1094 = arith.select %eq3A_1091, %broadcast_in_dim3A_1093, %scan3A_939 : vector<1x1024xi1>, vector<1x1024xf32>
      %eq3A_1095 = vector.broadcast %scan3A_934 : i32 to vector<64x1xi32>
      %eq3A_1096 = arith.cmpi eq, %iota3A_16, %eq3A_1095 : vector<64x1xi32>
      %shift_right_arithmetic3A_1097 = arith.constant 7 : i32
      %shift_right_arithmetic3A_1098 = arith.shrsi %reduce_min3A_1089, %shift_right_arithmetic3A_1097 : i32
      %broadcast_in_dim3A_1099 = vector.broadcast %shift_right_arithmetic3A_1098 : i32 to vector<64x1xi32>
      %select_n3A_1100 = arith.select %eq3A_1096, %broadcast_in_dim3A_1099, %scan3A_960 : vector<64x1xi1>, vector<64x1xi32>
      %reduce_max3A_1101 = vector.shape_cast %scan3A_940 : vector<1x1024xf32> to vector<1x1x1024xf32>
      %reduce_max3A_1102 = arith.constant dense<0xFF800000> : vector<1xf32>
      %reduce_max3A_1103 = vector.multi_reduction <maximumf>, %reduce_max3A_1101, %reduce_max3A_1102 [1, 2] : vector<1x1x1024xf32> to vector<1xf32>
      %reduce_max3A_1104 = vector.shape_cast %reduce_max3A_1103 : vector<1xf32> to vector<1x1x1xf32>
      %reduce_max3A_1105 = vector.extract %reduce_max3A_1104[0, 0, 0] : f32 from vector<1x1x1xf32>
      %eq3A_1106 = vector.broadcast %reduce_max3A_1105 : f32 to vector<1x1024xf32>
      %eq3A_1107 = arith.cmpf oeq, %scan3A_940, %eq3A_1106 : vector<1x1024xf32>
      %broadcast_in_dim3A_1108 = vector.broadcast %scan3A : i32 to vector<1x1024xi32>
      %select_n3A_1109 = arith.select %eq3A_1107, %broadcast_in_dim3A_118, %broadcast_in_dim3A_1108 : vector<1x1024xi1>, vector<1x1024xi32>
      %reduce_min3A_1110 = vector.shape_cast %select_n3A_1109 : vector<1x1024xi32> to vector<1x1x1024xi32>
      %reduce_min3A_1111 = arith.constant dense<2147483647> : vector<1xi32>
      %reduce_min3A_1112 = vector.multi_reduction <minsi>, %reduce_min3A_1110, %reduce_min3A_1111 [1, 2] : vector<1x1x1024xi32> to vector<1xi32>
      %reduce_min3A_1113 = vector.shape_cast %reduce_min3A_1112 : vector<1xi32> to vector<1x1x1xi32>
      %reduce_min3A_1114 = vector.extract %reduce_min3A_1113[0, 0, 0] : i32 from vector<1x1x1xi32>
      %eq3A_1115 = vector.broadcast %reduce_min3A_1114 : i32 to vector<1x1024xi32>
      %eq3A_1116 = arith.cmpi eq, %broadcast_in_dim3A_118, %eq3A_1115 : vector<1x1024xi32>
      %jit3A_1117 = arith.constant -3.40282347E+38 : f32
      %broadcast_in_dim3A_1118 = vector.broadcast %jit3A_1117 : f32 to vector<1x1024xf32>
      %select_n3A_1119 = arith.select %eq3A_1116, %broadcast_in_dim3A_1118, %scan3A_940 : vector<1x1024xi1>, vector<1x1024xf32>
      %eq3A_1120 = vector.broadcast %scan3A_934 : i32 to vector<64x1xi32>
      %eq3A_1121 = arith.cmpi eq, %iota3A_16, %eq3A_1120 : vector<64x1xi32>
      %shift_right_arithmetic3A_1122 = arith.constant 7 : i32
      %shift_right_arithmetic3A_1123 = arith.shrsi %reduce_min3A_1114, %shift_right_arithmetic3A_1122 : i32
      %broadcast_in_dim3A_1124 = vector.broadcast %shift_right_arithmetic3A_1123 : i32 to vector<64x1xi32>
      %select_n3A_1125 = arith.select %eq3A_1121, %broadcast_in_dim3A_1124, %scan3A_961 : vector<64x1xi1>, vector<64x1xi32>
      %reduce_max3A_1126 = vector.shape_cast %scan3A_941 : vector<1x1024xf32> to vector<1x1x1024xf32>
      %reduce_max3A_1127 = arith.constant dense<0xFF800000> : vector<1xf32>
      %reduce_max3A_1128 = vector.multi_reduction <maximumf>, %reduce_max3A_1126, %reduce_max3A_1127 [1, 2] : vector<1x1x1024xf32> to vector<1xf32>
      %reduce_max3A_1129 = vector.shape_cast %reduce_max3A_1128 : vector<1xf32> to vector<1x1x1xf32>
      %reduce_max3A_1130 = vector.extract %reduce_max3A_1129[0, 0, 0] : f32 from vector<1x1x1xf32>
      %eq3A_1131 = vector.broadcast %reduce_max3A_1130 : f32 to vector<1x1024xf32>
      %eq3A_1132 = arith.cmpf oeq, %scan3A_941, %eq3A_1131 : vector<1x1024xf32>
      %broadcast_in_dim3A_1133 = vector.broadcast %scan3A : i32 to vector<1x1024xi32>
      %select_n3A_1134 = arith.select %eq3A_1132, %broadcast_in_dim3A_135, %broadcast_in_dim3A_1133 : vector<1x1024xi1>, vector<1x1024xi32>
      %reduce_min3A_1135 = vector.shape_cast %select_n3A_1134 : vector<1x1024xi32> to vector<1x1x1024xi32>
      %reduce_min3A_1136 = arith.constant dense<2147483647> : vector<1xi32>
      %reduce_min3A_1137 = vector.multi_reduction <minsi>, %reduce_min3A_1135, %reduce_min3A_1136 [1, 2] : vector<1x1x1024xi32> to vector<1xi32>
      %reduce_min3A_1138 = vector.shape_cast %reduce_min3A_1137 : vector<1xi32> to vector<1x1x1xi32>
      %reduce_min3A_1139 = vector.extract %reduce_min3A_1138[0, 0, 0] : i32 from vector<1x1x1xi32>
      %eq3A_1140 = vector.broadcast %reduce_min3A_1139 : i32 to vector<1x1024xi32>
      %eq3A_1141 = arith.cmpi eq, %broadcast_in_dim3A_135, %eq3A_1140 : vector<1x1024xi32>
      %jit3A_1142 = arith.constant -3.40282347E+38 : f32
      %broadcast_in_dim3A_1143 = vector.broadcast %jit3A_1142 : f32 to vector<1x1024xf32>
      %select_n3A_1144 = arith.select %eq3A_1141, %broadcast_in_dim3A_1143, %scan3A_941 : vector<1x1024xi1>, vector<1x1024xf32>
      %eq3A_1145 = vector.broadcast %scan3A_934 : i32 to vector<64x1xi32>
      %eq3A_1146 = arith.cmpi eq, %iota3A_16, %eq3A_1145 : vector<64x1xi32>
      %shift_right_arithmetic3A_1147 = arith.constant 7 : i32
      %shift_right_arithmetic3A_1148 = arith.shrsi %reduce_min3A_1139, %shift_right_arithmetic3A_1147 : i32
      %broadcast_in_dim3A_1149 = vector.broadcast %shift_right_arithmetic3A_1148 : i32 to vector<64x1xi32>
      %select_n3A_1150 = arith.select %eq3A_1146, %broadcast_in_dim3A_1149, %scan3A_962 : vector<64x1xi1>, vector<64x1xi32>
      %reduce_max3A_1151 = vector.shape_cast %scan3A_942 : vector<1x1024xf32> to vector<1x1x1024xf32>
      %reduce_max3A_1152 = arith.constant dense<0xFF800000> : vector<1xf32>
      %reduce_max3A_1153 = vector.multi_reduction <maximumf>, %reduce_max3A_1151, %reduce_max3A_1152 [1, 2] : vector<1x1x1024xf32> to vector<1xf32>
      %reduce_max3A_1154 = vector.shape_cast %reduce_max3A_1153 : vector<1xf32> to vector<1x1x1xf32>
      %reduce_max3A_1155 = vector.extract %reduce_max3A_1154[0, 0, 0] : f32 from vector<1x1x1xf32>
      %eq3A_1156 = vector.broadcast %reduce_max3A_1155 : f32 to vector<1x1024xf32>
      %eq3A_1157 = arith.cmpf oeq, %scan3A_942, %eq3A_1156 : vector<1x1024xf32>
      %broadcast_in_dim3A_1158 = vector.broadcast %scan3A : i32 to vector<1x1024xi32>
      %select_n3A_1159 = arith.select %eq3A_1157, %broadcast_in_dim3A_152, %broadcast_in_dim3A_1158 : vector<1x1024xi1>, vector<1x1024xi32>
      %reduce_min3A_1160 = vector.shape_cast %select_n3A_1159 : vector<1x1024xi32> to vector<1x1x1024xi32>
      %reduce_min3A_1161 = arith.constant dense<2147483647> : vector<1xi32>
      %reduce_min3A_1162 = vector.multi_reduction <minsi>, %reduce_min3A_1160, %reduce_min3A_1161 [1, 2] : vector<1x1x1024xi32> to vector<1xi32>
      %reduce_min3A_1163 = vector.shape_cast %reduce_min3A_1162 : vector<1xi32> to vector<1x1x1xi32>
      %reduce_min3A_1164 = vector.extract %reduce_min3A_1163[0, 0, 0] : i32 from vector<1x1x1xi32>
      %eq3A_1165 = vector.broadcast %reduce_min3A_1164 : i32 to vector<1x1024xi32>
      %eq3A_1166 = arith.cmpi eq, %broadcast_in_dim3A_152, %eq3A_1165 : vector<1x1024xi32>
      %jit3A_1167 = arith.constant -3.40282347E+38 : f32
      %broadcast_in_dim3A_1168 = vector.broadcast %jit3A_1167 : f32 to vector<1x1024xf32>
      %select_n3A_1169 = arith.select %eq3A_1166, %broadcast_in_dim3A_1168, %scan3A_942 : vector<1x1024xi1>, vector<1x1024xf32>
      %eq3A_1170 = vector.broadcast %scan3A_934 : i32 to vector<64x1xi32>
      %eq3A_1171 = arith.cmpi eq, %iota3A_16, %eq3A_1170 : vector<64x1xi32>
      %shift_right_arithmetic3A_1172 = arith.constant 7 : i32
      %shift_right_arithmetic3A_1173 = arith.shrsi %reduce_min3A_1164, %shift_right_arithmetic3A_1172 : i32
      %broadcast_in_dim3A_1174 = vector.broadcast %shift_right_arithmetic3A_1173 : i32 to vector<64x1xi32>
      %select_n3A_1175 = arith.select %eq3A_1171, %broadcast_in_dim3A_1174, %scan3A_963 : vector<64x1xi1>, vector<64x1xi32>
      %reduce_max3A_1176 = vector.shape_cast %scan3A_943 : vector<1x1024xf32> to vector<1x1x1024xf32>
      %reduce_max3A_1177 = arith.constant dense<0xFF800000> : vector<1xf32>
      %reduce_max3A_1178 = vector.multi_reduction <maximumf>, %reduce_max3A_1176, %reduce_max3A_1177 [1, 2] : vector<1x1x1024xf32> to vector<1xf32>
      %reduce_max3A_1179 = vector.shape_cast %reduce_max3A_1178 : vector<1xf32> to vector<1x1x1xf32>
      %reduce_max3A_1180 = vector.extract %reduce_max3A_1179[0, 0, 0] : f32 from vector<1x1x1xf32>
      %eq3A_1181 = vector.broadcast %reduce_max3A_1180 : f32 to vector<1x1024xf32>
      %eq3A_1182 = arith.cmpf oeq, %scan3A_943, %eq3A_1181 : vector<1x1024xf32>
      %broadcast_in_dim3A_1183 = vector.broadcast %scan3A : i32 to vector<1x1024xi32>
      %select_n3A_1184 = arith.select %eq3A_1182, %broadcast_in_dim3A_169, %broadcast_in_dim3A_1183 : vector<1x1024xi1>, vector<1x1024xi32>
      %reduce_min3A_1185 = vector.shape_cast %select_n3A_1184 : vector<1x1024xi32> to vector<1x1x1024xi32>
      %reduce_min3A_1186 = arith.constant dense<2147483647> : vector<1xi32>
      %reduce_min3A_1187 = vector.multi_reduction <minsi>, %reduce_min3A_1185, %reduce_min3A_1186 [1, 2] : vector<1x1x1024xi32> to vector<1xi32>
      %reduce_min3A_1188 = vector.shape_cast %reduce_min3A_1187 : vector<1xi32> to vector<1x1x1xi32>
      %reduce_min3A_1189 = vector.extract %reduce_min3A_1188[0, 0, 0] : i32 from vector<1x1x1xi32>
      %eq3A_1190 = vector.broadcast %reduce_min3A_1189 : i32 to vector<1x1024xi32>
      %eq3A_1191 = arith.cmpi eq, %broadcast_in_dim3A_169, %eq3A_1190 : vector<1x1024xi32>
      %jit3A_1192 = arith.constant -3.40282347E+38 : f32
      %broadcast_in_dim3A_1193 = vector.broadcast %jit3A_1192 : f32 to vector<1x1024xf32>
      %select_n3A_1194 = arith.select %eq3A_1191, %broadcast_in_dim3A_1193, %scan3A_943 : vector<1x1024xi1>, vector<1x1024xf32>
      %eq3A_1195 = vector.broadcast %scan3A_934 : i32 to vector<64x1xi32>
      %eq3A_1196 = arith.cmpi eq, %iota3A_16, %eq3A_1195 : vector<64x1xi32>
      %shift_right_arithmetic3A_1197 = arith.constant 7 : i32
      %shift_right_arithmetic3A_1198 = arith.shrsi %reduce_min3A_1189, %shift_right_arithmetic3A_1197 : i32
      %broadcast_in_dim3A_1199 = vector.broadcast %shift_right_arithmetic3A_1198 : i32 to vector<64x1xi32>
      %select_n3A_1200 = arith.select %eq3A_1196, %broadcast_in_dim3A_1199, %scan3A_964 : vector<64x1xi1>, vector<64x1xi32>
      %reduce_max3A_1201 = vector.shape_cast %scan3A_944 : vector<1x1024xf32> to vector<1x1x1024xf32>
      %reduce_max3A_1202 = arith.constant dense<0xFF800000> : vector<1xf32>
      %reduce_max3A_1203 = vector.multi_reduction <maximumf>, %reduce_max3A_1201, %reduce_max3A_1202 [1, 2] : vector<1x1x1024xf32> to vector<1xf32>
      %reduce_max3A_1204 = vector.shape_cast %reduce_max3A_1203 : vector<1xf32> to vector<1x1x1xf32>
      %reduce_max3A_1205 = vector.extract %reduce_max3A_1204[0, 0, 0] : f32 from vector<1x1x1xf32>
      %eq3A_1206 = vector.broadcast %reduce_max3A_1205 : f32 to vector<1x1024xf32>
      %eq3A_1207 = arith.cmpf oeq, %scan3A_944, %eq3A_1206 : vector<1x1024xf32>
      %broadcast_in_dim3A_1208 = vector.broadcast %scan3A : i32 to vector<1x1024xi32>
      %select_n3A_1209 = arith.select %eq3A_1207, %broadcast_in_dim3A_186, %broadcast_in_dim3A_1208 : vector<1x1024xi1>, vector<1x1024xi32>
      %reduce_min3A_1210 = vector.shape_cast %select_n3A_1209 : vector<1x1024xi32> to vector<1x1x1024xi32>
      %reduce_min3A_1211 = arith.constant dense<2147483647> : vector<1xi32>
      %reduce_min3A_1212 = vector.multi_reduction <minsi>, %reduce_min3A_1210, %reduce_min3A_1211 [1, 2] : vector<1x1x1024xi32> to vector<1xi32>
      %reduce_min3A_1213 = vector.shape_cast %reduce_min3A_1212 : vector<1xi32> to vector<1x1x1xi32>
      %reduce_min3A_1214 = vector.extract %reduce_min3A_1213[0, 0, 0] : i32 from vector<1x1x1xi32>
      %eq3A_1215 = vector.broadcast %reduce_min3A_1214 : i32 to vector<1x1024xi32>
      %eq3A_1216 = arith.cmpi eq, %broadcast_in_dim3A_186, %eq3A_1215 : vector<1x1024xi32>
      %jit3A_1217 = arith.constant -3.40282347E+38 : f32
      %broadcast_in_dim3A_1218 = vector.broadcast %jit3A_1217 : f32 to vector<1x1024xf32>
      %select_n3A_1219 = arith.select %eq3A_1216, %broadcast_in_dim3A_1218, %scan3A_944 : vector<1x1024xi1>, vector<1x1024xf32>
      %eq3A_1220 = vector.broadcast %scan3A_934 : i32 to vector<64x1xi32>
      %eq3A_1221 = arith.cmpi eq, %iota3A_16, %eq3A_1220 : vector<64x1xi32>
      %shift_right_arithmetic3A_1222 = arith.constant 7 : i32
      %shift_right_arithmetic3A_1223 = arith.shrsi %reduce_min3A_1214, %shift_right_arithmetic3A_1222 : i32
      %broadcast_in_dim3A_1224 = vector.broadcast %shift_right_arithmetic3A_1223 : i32 to vector<64x1xi32>
      %select_n3A_1225 = arith.select %eq3A_1221, %broadcast_in_dim3A_1224, %scan3A_965 : vector<64x1xi1>, vector<64x1xi32>
      %reduce_max3A_1226 = vector.shape_cast %scan3A_945 : vector<1x1024xf32> to vector<1x1x1024xf32>
      %reduce_max3A_1227 = arith.constant dense<0xFF800000> : vector<1xf32>
      %reduce_max3A_1228 = vector.multi_reduction <maximumf>, %reduce_max3A_1226, %reduce_max3A_1227 [1, 2] : vector<1x1x1024xf32> to vector<1xf32>
      %reduce_max3A_1229 = vector.shape_cast %reduce_max3A_1228 : vector<1xf32> to vector<1x1x1xf32>
      %reduce_max3A_1230 = vector.extract %reduce_max3A_1229[0, 0, 0] : f32 from vector<1x1x1xf32>
      %eq3A_1231 = vector.broadcast %reduce_max3A_1230 : f32 to vector<1x1024xf32>
      %eq3A_1232 = arith.cmpf oeq, %scan3A_945, %eq3A_1231 : vector<1x1024xf32>
      %broadcast_in_dim3A_1233 = vector.broadcast %scan3A : i32 to vector<1x1024xi32>
      %select_n3A_1234 = arith.select %eq3A_1232, %broadcast_in_dim3A_203, %broadcast_in_dim3A_1233 : vector<1x1024xi1>, vector<1x1024xi32>
      %reduce_min3A_1235 = vector.shape_cast %select_n3A_1234 : vector<1x1024xi32> to vector<1x1x1024xi32>
      %reduce_min3A_1236 = arith.constant dense<2147483647> : vector<1xi32>
      %reduce_min3A_1237 = vector.multi_reduction <minsi>, %reduce_min3A_1235, %reduce_min3A_1236 [1, 2] : vector<1x1x1024xi32> to vector<1xi32>
      %reduce_min3A_1238 = vector.shape_cast %reduce_min3A_1237 : vector<1xi32> to vector<1x1x1xi32>
      %reduce_min3A_1239 = vector.extract %reduce_min3A_1238[0, 0, 0] : i32 from vector<1x1x1xi32>
      %eq3A_1240 = vector.broadcast %reduce_min3A_1239 : i32 to vector<1x1024xi32>
      %eq3A_1241 = arith.cmpi eq, %broadcast_in_dim3A_203, %eq3A_1240 : vector<1x1024xi32>
      %jit3A_1242 = arith.constant -3.40282347E+38 : f32
      %broadcast_in_dim3A_1243 = vector.broadcast %jit3A_1242 : f32 to vector<1x1024xf32>
      %select_n3A_1244 = arith.select %eq3A_1241, %broadcast_in_dim3A_1243, %scan3A_945 : vector<1x1024xi1>, vector<1x1024xf32>
      %eq3A_1245 = vector.broadcast %scan3A_934 : i32 to vector<64x1xi32>
      %eq3A_1246 = arith.cmpi eq, %iota3A_16, %eq3A_1245 : vector<64x1xi32>
      %shift_right_arithmetic3A_1247 = arith.constant 7 : i32
      %shift_right_arithmetic3A_1248 = arith.shrsi %reduce_min3A_1239, %shift_right_arithmetic3A_1247 : i32
      %broadcast_in_dim3A_1249 = vector.broadcast %shift_right_arithmetic3A_1248 : i32 to vector<64x1xi32>
      %select_n3A_1250 = arith.select %eq3A_1246, %broadcast_in_dim3A_1249, %scan3A_966 : vector<64x1xi1>, vector<64x1xi32>
      %reduce_max3A_1251 = vector.shape_cast %scan3A_946 : vector<1x1024xf32> to vector<1x1x1024xf32>
      %reduce_max3A_1252 = arith.constant dense<0xFF800000> : vector<1xf32>
      %reduce_max3A_1253 = vector.multi_reduction <maximumf>, %reduce_max3A_1251, %reduce_max3A_1252 [1, 2] : vector<1x1x1024xf32> to vector<1xf32>
      %reduce_max3A_1254 = vector.shape_cast %reduce_max3A_1253 : vector<1xf32> to vector<1x1x1xf32>
      %reduce_max3A_1255 = vector.extract %reduce_max3A_1254[0, 0, 0] : f32 from vector<1x1x1xf32>
      %eq3A_1256 = vector.broadcast %reduce_max3A_1255 : f32 to vector<1x1024xf32>
      %eq3A_1257 = arith.cmpf oeq, %scan3A_946, %eq3A_1256 : vector<1x1024xf32>
      %broadcast_in_dim3A_1258 = vector.broadcast %scan3A : i32 to vector<1x1024xi32>
      %select_n3A_1259 = arith.select %eq3A_1257, %broadcast_in_dim3A_220, %broadcast_in_dim3A_1258 : vector<1x1024xi1>, vector<1x1024xi32>
      %reduce_min3A_1260 = vector.shape_cast %select_n3A_1259 : vector<1x1024xi32> to vector<1x1x1024xi32>
      %reduce_min3A_1261 = arith.constant dense<2147483647> : vector<1xi32>
      %reduce_min3A_1262 = vector.multi_reduction <minsi>, %reduce_min3A_1260, %reduce_min3A_1261 [1, 2] : vector<1x1x1024xi32> to vector<1xi32>
      %reduce_min3A_1263 = vector.shape_cast %reduce_min3A_1262 : vector<1xi32> to vector<1x1x1xi32>
      %reduce_min3A_1264 = vector.extract %reduce_min3A_1263[0, 0, 0] : i32 from vector<1x1x1xi32>
      %eq3A_1265 = vector.broadcast %reduce_min3A_1264 : i32 to vector<1x1024xi32>
      %eq3A_1266 = arith.cmpi eq, %broadcast_in_dim3A_220, %eq3A_1265 : vector<1x1024xi32>
      %jit3A_1267 = arith.constant -3.40282347E+38 : f32
      %broadcast_in_dim3A_1268 = vector.broadcast %jit3A_1267 : f32 to vector<1x1024xf32>
      %select_n3A_1269 = arith.select %eq3A_1266, %broadcast_in_dim3A_1268, %scan3A_946 : vector<1x1024xi1>, vector<1x1024xf32>
      %eq3A_1270 = vector.broadcast %scan3A_934 : i32 to vector<64x1xi32>
      %eq3A_1271 = arith.cmpi eq, %iota3A_16, %eq3A_1270 : vector<64x1xi32>
      %shift_right_arithmetic3A_1272 = arith.constant 7 : i32
      %shift_right_arithmetic3A_1273 = arith.shrsi %reduce_min3A_1264, %shift_right_arithmetic3A_1272 : i32
      %broadcast_in_dim3A_1274 = vector.broadcast %shift_right_arithmetic3A_1273 : i32 to vector<64x1xi32>
      %select_n3A_1275 = arith.select %eq3A_1271, %broadcast_in_dim3A_1274, %scan3A_967 : vector<64x1xi1>, vector<64x1xi32>
      %reduce_max3A_1276 = vector.shape_cast %scan3A_947 : vector<1x1024xf32> to vector<1x1x1024xf32>
      %reduce_max3A_1277 = arith.constant dense<0xFF800000> : vector<1xf32>
      %reduce_max3A_1278 = vector.multi_reduction <maximumf>, %reduce_max3A_1276, %reduce_max3A_1277 [1, 2] : vector<1x1x1024xf32> to vector<1xf32>
      %reduce_max3A_1279 = vector.shape_cast %reduce_max3A_1278 : vector<1xf32> to vector<1x1x1xf32>
      %reduce_max3A_1280 = vector.extract %reduce_max3A_1279[0, 0, 0] : f32 from vector<1x1x1xf32>
      %eq3A_1281 = vector.broadcast %reduce_max3A_1280 : f32 to vector<1x1024xf32>
      %eq3A_1282 = arith.cmpf oeq, %scan3A_947, %eq3A_1281 : vector<1x1024xf32>
      %broadcast_in_dim3A_1283 = vector.broadcast %scan3A : i32 to vector<1x1024xi32>
      %select_n3A_1284 = arith.select %eq3A_1282, %broadcast_in_dim3A_237, %broadcast_in_dim3A_1283 : vector<1x1024xi1>, vector<1x1024xi32>
      %reduce_min3A_1285 = vector.shape_cast %select_n3A_1284 : vector<1x1024xi32> to vector<1x1x1024xi32>
      %reduce_min3A_1286 = arith.constant dense<2147483647> : vector<1xi32>
      %reduce_min3A_1287 = vector.multi_reduction <minsi>, %reduce_min3A_1285, %reduce_min3A_1286 [1, 2] : vector<1x1x1024xi32> to vector<1xi32>
      %reduce_min3A_1288 = vector.shape_cast %reduce_min3A_1287 : vector<1xi32> to vector<1x1x1xi32>
      %reduce_min3A_1289 = vector.extract %reduce_min3A_1288[0, 0, 0] : i32 from vector<1x1x1xi32>
      %eq3A_1290 = vector.broadcast %reduce_min3A_1289 : i32 to vector<1x1024xi32>
      %eq3A_1291 = arith.cmpi eq, %broadcast_in_dim3A_237, %eq3A_1290 : vector<1x1024xi32>
      %jit3A_1292 = arith.constant -3.40282347E+38 : f32
      %broadcast_in_dim3A_1293 = vector.broadcast %jit3A_1292 : f32 to vector<1x1024xf32>
      %select_n3A_1294 = arith.select %eq3A_1291, %broadcast_in_dim3A_1293, %scan3A_947 : vector<1x1024xi1>, vector<1x1024xf32>
      %eq3A_1295 = vector.broadcast %scan3A_934 : i32 to vector<64x1xi32>
      %eq3A_1296 = arith.cmpi eq, %iota3A_16, %eq3A_1295 : vector<64x1xi32>
      %shift_right_arithmetic3A_1297 = arith.constant 7 : i32
      %shift_right_arithmetic3A_1298 = arith.shrsi %reduce_min3A_1289, %shift_right_arithmetic3A_1297 : i32
      %broadcast_in_dim3A_1299 = vector.broadcast %shift_right_arithmetic3A_1298 : i32 to vector<64x1xi32>
      %select_n3A_1300 = arith.select %eq3A_1296, %broadcast_in_dim3A_1299, %scan3A_968 : vector<64x1xi1>, vector<64x1xi32>
      %reduce_max3A_1301 = vector.shape_cast %scan3A_948 : vector<1x1024xf32> to vector<1x1x1024xf32>
      %reduce_max3A_1302 = arith.constant dense<0xFF800000> : vector<1xf32>
      %reduce_max3A_1303 = vector.multi_reduction <maximumf>, %reduce_max3A_1301, %reduce_max3A_1302 [1, 2] : vector<1x1x1024xf32> to vector<1xf32>
      %reduce_max3A_1304 = vector.shape_cast %reduce_max3A_1303 : vector<1xf32> to vector<1x1x1xf32>
      %reduce_max3A_1305 = vector.extract %reduce_max3A_1304[0, 0, 0] : f32 from vector<1x1x1xf32>
      %eq3A_1306 = vector.broadcast %reduce_max3A_1305 : f32 to vector<1x1024xf32>
      %eq3A_1307 = arith.cmpf oeq, %scan3A_948, %eq3A_1306 : vector<1x1024xf32>
      %broadcast_in_dim3A_1308 = vector.broadcast %scan3A : i32 to vector<1x1024xi32>
      %select_n3A_1309 = arith.select %eq3A_1307, %broadcast_in_dim3A_254, %broadcast_in_dim3A_1308 : vector<1x1024xi1>, vector<1x1024xi32>
      %reduce_min3A_1310 = vector.shape_cast %select_n3A_1309 : vector<1x1024xi32> to vector<1x1x1024xi32>
      %reduce_min3A_1311 = arith.constant dense<2147483647> : vector<1xi32>
      %reduce_min3A_1312 = vector.multi_reduction <minsi>, %reduce_min3A_1310, %reduce_min3A_1311 [1, 2] : vector<1x1x1024xi32> to vector<1xi32>
      %reduce_min3A_1313 = vector.shape_cast %reduce_min3A_1312 : vector<1xi32> to vector<1x1x1xi32>
      %reduce_min3A_1314 = vector.extract %reduce_min3A_1313[0, 0, 0] : i32 from vector<1x1x1xi32>
      %eq3A_1315 = vector.broadcast %reduce_min3A_1314 : i32 to vector<1x1024xi32>
      %eq3A_1316 = arith.cmpi eq, %broadcast_in_dim3A_254, %eq3A_1315 : vector<1x1024xi32>
      %jit3A_1317 = arith.constant -3.40282347E+38 : f32
      %broadcast_in_dim3A_1318 = vector.broadcast %jit3A_1317 : f32 to vector<1x1024xf32>
      %select_n3A_1319 = arith.select %eq3A_1316, %broadcast_in_dim3A_1318, %scan3A_948 : vector<1x1024xi1>, vector<1x1024xf32>
      %eq3A_1320 = vector.broadcast %scan3A_934 : i32 to vector<64x1xi32>
      %eq3A_1321 = arith.cmpi eq, %iota3A_16, %eq3A_1320 : vector<64x1xi32>
      %shift_right_arithmetic3A_1322 = arith.constant 7 : i32
      %shift_right_arithmetic3A_1323 = arith.shrsi %reduce_min3A_1314, %shift_right_arithmetic3A_1322 : i32
      %broadcast_in_dim3A_1324 = vector.broadcast %shift_right_arithmetic3A_1323 : i32 to vector<64x1xi32>
      %select_n3A_1325 = arith.select %eq3A_1321, %broadcast_in_dim3A_1324, %scan3A_969 : vector<64x1xi1>, vector<64x1xi32>
      %reduce_max3A_1326 = vector.shape_cast %scan3A_949 : vector<1x1024xf32> to vector<1x1x1024xf32>
      %reduce_max3A_1327 = arith.constant dense<0xFF800000> : vector<1xf32>
      %reduce_max3A_1328 = vector.multi_reduction <maximumf>, %reduce_max3A_1326, %reduce_max3A_1327 [1, 2] : vector<1x1x1024xf32> to vector<1xf32>
      %reduce_max3A_1329 = vector.shape_cast %reduce_max3A_1328 : vector<1xf32> to vector<1x1x1xf32>
      %reduce_max3A_1330 = vector.extract %reduce_max3A_1329[0, 0, 0] : f32 from vector<1x1x1xf32>
      %eq3A_1331 = vector.broadcast %reduce_max3A_1330 : f32 to vector<1x1024xf32>
      %eq3A_1332 = arith.cmpf oeq, %scan3A_949, %eq3A_1331 : vector<1x1024xf32>
      %broadcast_in_dim3A_1333 = vector.broadcast %scan3A : i32 to vector<1x1024xi32>
      %select_n3A_1334 = arith.select %eq3A_1332, %broadcast_in_dim3A_271, %broadcast_in_dim3A_1333 : vector<1x1024xi1>, vector<1x1024xi32>
      %reduce_min3A_1335 = vector.shape_cast %select_n3A_1334 : vector<1x1024xi32> to vector<1x1x1024xi32>
      %reduce_min3A_1336 = arith.constant dense<2147483647> : vector<1xi32>
      %reduce_min3A_1337 = vector.multi_reduction <minsi>, %reduce_min3A_1335, %reduce_min3A_1336 [1, 2] : vector<1x1x1024xi32> to vector<1xi32>
      %reduce_min3A_1338 = vector.shape_cast %reduce_min3A_1337 : vector<1xi32> to vector<1x1x1xi32>
      %reduce_min3A_1339 = vector.extract %reduce_min3A_1338[0, 0, 0] : i32 from vector<1x1x1xi32>
      %eq3A_1340 = vector.broadcast %reduce_min3A_1339 : i32 to vector<1x1024xi32>
      %eq3A_1341 = arith.cmpi eq, %broadcast_in_dim3A_271, %eq3A_1340 : vector<1x1024xi32>
      %jit3A_1342 = arith.constant -3.40282347E+38 : f32
      %broadcast_in_dim3A_1343 = vector.broadcast %jit3A_1342 : f32 to vector<1x1024xf32>
      %select_n3A_1344 = arith.select %eq3A_1341, %broadcast_in_dim3A_1343, %scan3A_949 : vector<1x1024xi1>, vector<1x1024xf32>
      %eq3A_1345 = vector.broadcast %scan3A_934 : i32 to vector<64x1xi32>
      %eq3A_1346 = arith.cmpi eq, %iota3A_16, %eq3A_1345 : vector<64x1xi32>
      %shift_right_arithmetic3A_1347 = arith.constant 7 : i32
      %shift_right_arithmetic3A_1348 = arith.shrsi %reduce_min3A_1339, %shift_right_arithmetic3A_1347 : i32
      %broadcast_in_dim3A_1349 = vector.broadcast %shift_right_arithmetic3A_1348 : i32 to vector<64x1xi32>
      %select_n3A_1350 = arith.select %eq3A_1346, %broadcast_in_dim3A_1349, %scan3A_970 : vector<64x1xi1>, vector<64x1xi32>
      %reduce_max3A_1351 = vector.shape_cast %scan3A_950 : vector<1x1024xf32> to vector<1x1x1024xf32>
      %reduce_max3A_1352 = arith.constant dense<0xFF800000> : vector<1xf32>
      %reduce_max3A_1353 = vector.multi_reduction <maximumf>, %reduce_max3A_1351, %reduce_max3A_1352 [1, 2] : vector<1x1x1024xf32> to vector<1xf32>
      %reduce_max3A_1354 = vector.shape_cast %reduce_max3A_1353 : vector<1xf32> to vector<1x1x1xf32>
      %reduce_max3A_1355 = vector.extract %reduce_max3A_1354[0, 0, 0] : f32 from vector<1x1x1xf32>
      %eq3A_1356 = vector.broadcast %reduce_max3A_1355 : f32 to vector<1x1024xf32>
      %eq3A_1357 = arith.cmpf oeq, %scan3A_950, %eq3A_1356 : vector<1x1024xf32>
      %broadcast_in_dim3A_1358 = vector.broadcast %scan3A : i32 to vector<1x1024xi32>
      %select_n3A_1359 = arith.select %eq3A_1357, %broadcast_in_dim3A_288, %broadcast_in_dim3A_1358 : vector<1x1024xi1>, vector<1x1024xi32>
      %reduce_min3A_1360 = vector.shape_cast %select_n3A_1359 : vector<1x1024xi32> to vector<1x1x1024xi32>
      %reduce_min3A_1361 = arith.constant dense<2147483647> : vector<1xi32>
      %reduce_min3A_1362 = vector.multi_reduction <minsi>, %reduce_min3A_1360, %reduce_min3A_1361 [1, 2] : vector<1x1x1024xi32> to vector<1xi32>
      %reduce_min3A_1363 = vector.shape_cast %reduce_min3A_1362 : vector<1xi32> to vector<1x1x1xi32>
      %reduce_min3A_1364 = vector.extract %reduce_min3A_1363[0, 0, 0] : i32 from vector<1x1x1xi32>
      %eq3A_1365 = vector.broadcast %reduce_min3A_1364 : i32 to vector<1x1024xi32>
      %eq3A_1366 = arith.cmpi eq, %broadcast_in_dim3A_288, %eq3A_1365 : vector<1x1024xi32>
      %jit3A_1367 = arith.constant -3.40282347E+38 : f32
      %broadcast_in_dim3A_1368 = vector.broadcast %jit3A_1367 : f32 to vector<1x1024xf32>
      %select_n3A_1369 = arith.select %eq3A_1366, %broadcast_in_dim3A_1368, %scan3A_950 : vector<1x1024xi1>, vector<1x1024xf32>
      %eq3A_1370 = vector.broadcast %scan3A_934 : i32 to vector<64x1xi32>
      %eq3A_1371 = arith.cmpi eq, %iota3A_16, %eq3A_1370 : vector<64x1xi32>
      %shift_right_arithmetic3A_1372 = arith.constant 7 : i32
      %shift_right_arithmetic3A_1373 = arith.shrsi %reduce_min3A_1364, %shift_right_arithmetic3A_1372 : i32
      %broadcast_in_dim3A_1374 = vector.broadcast %shift_right_arithmetic3A_1373 : i32 to vector<64x1xi32>
      %select_n3A_1375 = arith.select %eq3A_1371, %broadcast_in_dim3A_1374, %scan3A_971 : vector<64x1xi1>, vector<64x1xi32>
      %reduce_max3A_1376 = vector.shape_cast %scan3A_951 : vector<1x1024xf32> to vector<1x1x1024xf32>
      %reduce_max3A_1377 = arith.constant dense<0xFF800000> : vector<1xf32>
      %reduce_max3A_1378 = vector.multi_reduction <maximumf>, %reduce_max3A_1376, %reduce_max3A_1377 [1, 2] : vector<1x1x1024xf32> to vector<1xf32>
      %reduce_max3A_1379 = vector.shape_cast %reduce_max3A_1378 : vector<1xf32> to vector<1x1x1xf32>
      %reduce_max3A_1380 = vector.extract %reduce_max3A_1379[0, 0, 0] : f32 from vector<1x1x1xf32>
      %eq3A_1381 = vector.broadcast %reduce_max3A_1380 : f32 to vector<1x1024xf32>
      %eq3A_1382 = arith.cmpf oeq, %scan3A_951, %eq3A_1381 : vector<1x1024xf32>
      %broadcast_in_dim3A_1383 = vector.broadcast %scan3A : i32 to vector<1x1024xi32>
      %select_n3A_1384 = arith.select %eq3A_1382, %broadcast_in_dim3A_305, %broadcast_in_dim3A_1383 : vector<1x1024xi1>, vector<1x1024xi32>
      %reduce_min3A_1385 = vector.shape_cast %select_n3A_1384 : vector<1x1024xi32> to vector<1x1x1024xi32>
      %reduce_min3A_1386 = arith.constant dense<2147483647> : vector<1xi32>
      %reduce_min3A_1387 = vector.multi_reduction <minsi>, %reduce_min3A_1385, %reduce_min3A_1386 [1, 2] : vector<1x1x1024xi32> to vector<1xi32>
      %reduce_min3A_1388 = vector.shape_cast %reduce_min3A_1387 : vector<1xi32> to vector<1x1x1xi32>
      %reduce_min3A_1389 = vector.extract %reduce_min3A_1388[0, 0, 0] : i32 from vector<1x1x1xi32>
      %eq3A_1390 = vector.broadcast %reduce_min3A_1389 : i32 to vector<1x1024xi32>
      %eq3A_1391 = arith.cmpi eq, %broadcast_in_dim3A_305, %eq3A_1390 : vector<1x1024xi32>
      %jit3A_1392 = arith.constant -3.40282347E+38 : f32
      %broadcast_in_dim3A_1393 = vector.broadcast %jit3A_1392 : f32 to vector<1x1024xf32>
      %select_n3A_1394 = arith.select %eq3A_1391, %broadcast_in_dim3A_1393, %scan3A_951 : vector<1x1024xi1>, vector<1x1024xf32>
      %eq3A_1395 = vector.broadcast %scan3A_934 : i32 to vector<64x1xi32>
      %eq3A_1396 = arith.cmpi eq, %iota3A_16, %eq3A_1395 : vector<64x1xi32>
      %shift_right_arithmetic3A_1397 = arith.constant 7 : i32
      %shift_right_arithmetic3A_1398 = arith.shrsi %reduce_min3A_1389, %shift_right_arithmetic3A_1397 : i32
      %broadcast_in_dim3A_1399 = vector.broadcast %shift_right_arithmetic3A_1398 : i32 to vector<64x1xi32>
      %select_n3A_1400 = arith.select %eq3A_1396, %broadcast_in_dim3A_1399, %scan3A_972 : vector<64x1xi1>, vector<64x1xi32>
      %reduce_max3A_1401 = vector.shape_cast %scan3A_952 : vector<1x1024xf32> to vector<1x1x1024xf32>
      %reduce_max3A_1402 = arith.constant dense<0xFF800000> : vector<1xf32>
      %reduce_max3A_1403 = vector.multi_reduction <maximumf>, %reduce_max3A_1401, %reduce_max3A_1402 [1, 2] : vector<1x1x1024xf32> to vector<1xf32>
      %reduce_max3A_1404 = vector.shape_cast %reduce_max3A_1403 : vector<1xf32> to vector<1x1x1xf32>
      %reduce_max3A_1405 = vector.extract %reduce_max3A_1404[0, 0, 0] : f32 from vector<1x1x1xf32>
      %eq3A_1406 = vector.broadcast %reduce_max3A_1405 : f32 to vector<1x1024xf32>
      %eq3A_1407 = arith.cmpf oeq, %scan3A_952, %eq3A_1406 : vector<1x1024xf32>
      %broadcast_in_dim3A_1408 = vector.broadcast %scan3A : i32 to vector<1x1024xi32>
      %select_n3A_1409 = arith.select %eq3A_1407, %broadcast_in_dim3A_322, %broadcast_in_dim3A_1408 : vector<1x1024xi1>, vector<1x1024xi32>
      %reduce_min3A_1410 = vector.shape_cast %select_n3A_1409 : vector<1x1024xi32> to vector<1x1x1024xi32>
      %reduce_min3A_1411 = arith.constant dense<2147483647> : vector<1xi32>
      %reduce_min3A_1412 = vector.multi_reduction <minsi>, %reduce_min3A_1410, %reduce_min3A_1411 [1, 2] : vector<1x1x1024xi32> to vector<1xi32>
      %reduce_min3A_1413 = vector.shape_cast %reduce_min3A_1412 : vector<1xi32> to vector<1x1x1xi32>
      %reduce_min3A_1414 = vector.extract %reduce_min3A_1413[0, 0, 0] : i32 from vector<1x1x1xi32>
      %eq3A_1415 = vector.broadcast %reduce_min3A_1414 : i32 to vector<1x1024xi32>
      %eq3A_1416 = arith.cmpi eq, %broadcast_in_dim3A_322, %eq3A_1415 : vector<1x1024xi32>
      %jit3A_1417 = arith.constant -3.40282347E+38 : f32
      %broadcast_in_dim3A_1418 = vector.broadcast %jit3A_1417 : f32 to vector<1x1024xf32>
      %select_n3A_1419 = arith.select %eq3A_1416, %broadcast_in_dim3A_1418, %scan3A_952 : vector<1x1024xi1>, vector<1x1024xf32>
      %eq3A_1420 = vector.broadcast %scan3A_934 : i32 to vector<64x1xi32>
      %eq3A_1421 = arith.cmpi eq, %iota3A_16, %eq3A_1420 : vector<64x1xi32>
      %shift_right_arithmetic3A_1422 = arith.constant 7 : i32
      %shift_right_arithmetic3A_1423 = arith.shrsi %reduce_min3A_1414, %shift_right_arithmetic3A_1422 : i32
      %broadcast_in_dim3A_1424 = vector.broadcast %shift_right_arithmetic3A_1423 : i32 to vector<64x1xi32>
      %select_n3A_1425 = arith.select %eq3A_1421, %broadcast_in_dim3A_1424, %scan3A_973 : vector<64x1xi1>, vector<64x1xi32>
      %reduce_max3A_1426 = vector.shape_cast %scan3A_953 : vector<1x1024xf32> to vector<1x1x1024xf32>
      %reduce_max3A_1427 = arith.constant dense<0xFF800000> : vector<1xf32>
      %reduce_max3A_1428 = vector.multi_reduction <maximumf>, %reduce_max3A_1426, %reduce_max3A_1427 [1, 2] : vector<1x1x1024xf32> to vector<1xf32>
      %reduce_max3A_1429 = vector.shape_cast %reduce_max3A_1428 : vector<1xf32> to vector<1x1x1xf32>
      %reduce_max3A_1430 = vector.extract %reduce_max3A_1429[0, 0, 0] : f32 from vector<1x1x1xf32>
      %eq3A_1431 = vector.broadcast %reduce_max3A_1430 : f32 to vector<1x1024xf32>
      %eq3A_1432 = arith.cmpf oeq, %scan3A_953, %eq3A_1431 : vector<1x1024xf32>
      %broadcast_in_dim3A_1433 = vector.broadcast %scan3A : i32 to vector<1x1024xi32>
      %select_n3A_1434 = arith.select %eq3A_1432, %broadcast_in_dim3A_339, %broadcast_in_dim3A_1433 : vector<1x1024xi1>, vector<1x1024xi32>
      %reduce_min3A_1435 = vector.shape_cast %select_n3A_1434 : vector<1x1024xi32> to vector<1x1x1024xi32>
      %reduce_min3A_1436 = arith.constant dense<2147483647> : vector<1xi32>
      %reduce_min3A_1437 = vector.multi_reduction <minsi>, %reduce_min3A_1435, %reduce_min3A_1436 [1, 2] : vector<1x1x1024xi32> to vector<1xi32>
      %reduce_min3A_1438 = vector.shape_cast %reduce_min3A_1437 : vector<1xi32> to vector<1x1x1xi32>
      %reduce_min3A_1439 = vector.extract %reduce_min3A_1438[0, 0, 0] : i32 from vector<1x1x1xi32>
      %eq3A_1440 = vector.broadcast %reduce_min3A_1439 : i32 to vector<1x1024xi32>
      %eq3A_1441 = arith.cmpi eq, %broadcast_in_dim3A_339, %eq3A_1440 : vector<1x1024xi32>
      %jit3A_1442 = arith.constant -3.40282347E+38 : f32
      %broadcast_in_dim3A_1443 = vector.broadcast %jit3A_1442 : f32 to vector<1x1024xf32>
      %select_n3A_1444 = arith.select %eq3A_1441, %broadcast_in_dim3A_1443, %scan3A_953 : vector<1x1024xi1>, vector<1x1024xf32>
      %eq3A_1445 = vector.broadcast %scan3A_934 : i32 to vector<64x1xi32>
      %eq3A_1446 = arith.cmpi eq, %iota3A_16, %eq3A_1445 : vector<64x1xi32>
      %shift_right_arithmetic3A_1447 = arith.constant 7 : i32
      %shift_right_arithmetic3A_1448 = arith.shrsi %reduce_min3A_1439, %shift_right_arithmetic3A_1447 : i32
      %broadcast_in_dim3A_1449 = vector.broadcast %shift_right_arithmetic3A_1448 : i32 to vector<64x1xi32>
      %select_n3A_1450 = arith.select %eq3A_1446, %broadcast_in_dim3A_1449, %scan3A_974 : vector<64x1xi1>, vector<64x1xi32>
      %reduce_max3A_1451 = vector.shape_cast %scan3A_954 : vector<1x1024xf32> to vector<1x1x1024xf32>
      %reduce_max3A_1452 = arith.constant dense<0xFF800000> : vector<1xf32>
      %reduce_max3A_1453 = vector.multi_reduction <maximumf>, %reduce_max3A_1451, %reduce_max3A_1452 [1, 2] : vector<1x1x1024xf32> to vector<1xf32>
      %reduce_max3A_1454 = vector.shape_cast %reduce_max3A_1453 : vector<1xf32> to vector<1x1x1xf32>
      %reduce_max3A_1455 = vector.extract %reduce_max3A_1454[0, 0, 0] : f32 from vector<1x1x1xf32>
      %eq3A_1456 = vector.broadcast %reduce_max3A_1455 : f32 to vector<1x1024xf32>
      %eq3A_1457 = arith.cmpf oeq, %scan3A_954, %eq3A_1456 : vector<1x1024xf32>
      %broadcast_in_dim3A_1458 = vector.broadcast %scan3A : i32 to vector<1x1024xi32>
      %select_n3A_1459 = arith.select %eq3A_1457, %broadcast_in_dim3A_356, %broadcast_in_dim3A_1458 : vector<1x1024xi1>, vector<1x1024xi32>
      %reduce_min3A_1460 = vector.shape_cast %select_n3A_1459 : vector<1x1024xi32> to vector<1x1x1024xi32>
      %reduce_min3A_1461 = arith.constant dense<2147483647> : vector<1xi32>
      %reduce_min3A_1462 = vector.multi_reduction <minsi>, %reduce_min3A_1460, %reduce_min3A_1461 [1, 2] : vector<1x1x1024xi32> to vector<1xi32>
      %reduce_min3A_1463 = vector.shape_cast %reduce_min3A_1462 : vector<1xi32> to vector<1x1x1xi32>
      %reduce_min3A_1464 = vector.extract %reduce_min3A_1463[0, 0, 0] : i32 from vector<1x1x1xi32>
      %eq3A_1465 = vector.broadcast %reduce_min3A_1464 : i32 to vector<1x1024xi32>
      %eq3A_1466 = arith.cmpi eq, %broadcast_in_dim3A_356, %eq3A_1465 : vector<1x1024xi32>
      %jit3A_1467 = arith.constant -3.40282347E+38 : f32
      %broadcast_in_dim3A_1468 = vector.broadcast %jit3A_1467 : f32 to vector<1x1024xf32>
      %select_n3A_1469 = arith.select %eq3A_1466, %broadcast_in_dim3A_1468, %scan3A_954 : vector<1x1024xi1>, vector<1x1024xf32>
      %eq3A_1470 = vector.broadcast %scan3A_934 : i32 to vector<64x1xi32>
      %eq3A_1471 = arith.cmpi eq, %iota3A_16, %eq3A_1470 : vector<64x1xi32>
      %shift_right_arithmetic3A_1472 = arith.constant 7 : i32
      %shift_right_arithmetic3A_1473 = arith.shrsi %reduce_min3A_1464, %shift_right_arithmetic3A_1472 : i32
      %broadcast_in_dim3A_1474 = vector.broadcast %shift_right_arithmetic3A_1473 : i32 to vector<64x1xi32>
      %select_n3A_1475 = arith.select %eq3A_1471, %broadcast_in_dim3A_1474, %scan3A_975 : vector<64x1xi1>, vector<64x1xi32>
      %reduce_max3A_1476 = vector.shape_cast %scan3A_955 : vector<1x1024xf32> to vector<1x1x1024xf32>
      %reduce_max3A_1477 = arith.constant dense<0xFF800000> : vector<1xf32>
      %reduce_max3A_1478 = vector.multi_reduction <maximumf>, %reduce_max3A_1476, %reduce_max3A_1477 [1, 2] : vector<1x1x1024xf32> to vector<1xf32>
      %reduce_max3A_1479 = vector.shape_cast %reduce_max3A_1478 : vector<1xf32> to vector<1x1x1xf32>
      %reduce_max3A_1480 = vector.extract %reduce_max3A_1479[0, 0, 0] : f32 from vector<1x1x1xf32>
      %eq3A_1481 = vector.broadcast %reduce_max3A_1480 : f32 to vector<1x1024xf32>
      %eq3A_1482 = arith.cmpf oeq, %scan3A_955, %eq3A_1481 : vector<1x1024xf32>
      %broadcast_in_dim3A_1483 = vector.broadcast %scan3A : i32 to vector<1x1024xi32>
      %select_n3A_1484 = arith.select %eq3A_1482, %broadcast_in_dim3A_373, %broadcast_in_dim3A_1483 : vector<1x1024xi1>, vector<1x1024xi32>
      %reduce_min3A_1485 = vector.shape_cast %select_n3A_1484 : vector<1x1024xi32> to vector<1x1x1024xi32>
      %reduce_min3A_1486 = arith.constant dense<2147483647> : vector<1xi32>
      %reduce_min3A_1487 = vector.multi_reduction <minsi>, %reduce_min3A_1485, %reduce_min3A_1486 [1, 2] : vector<1x1x1024xi32> to vector<1xi32>
      %reduce_min3A_1488 = vector.shape_cast %reduce_min3A_1487 : vector<1xi32> to vector<1x1x1xi32>
      %reduce_min3A_1489 = vector.extract %reduce_min3A_1488[0, 0, 0] : i32 from vector<1x1x1xi32>
      %eq3A_1490 = vector.broadcast %reduce_min3A_1489 : i32 to vector<1x1024xi32>
      %eq3A_1491 = arith.cmpi eq, %broadcast_in_dim3A_373, %eq3A_1490 : vector<1x1024xi32>
      %jit3A_1492 = arith.constant -3.40282347E+38 : f32
      %broadcast_in_dim3A_1493 = vector.broadcast %jit3A_1492 : f32 to vector<1x1024xf32>
      %select_n3A_1494 = arith.select %eq3A_1491, %broadcast_in_dim3A_1493, %scan3A_955 : vector<1x1024xi1>, vector<1x1024xf32>
      %eq3A_1495 = vector.broadcast %scan3A_934 : i32 to vector<64x1xi32>
      %eq3A_1496 = arith.cmpi eq, %iota3A_16, %eq3A_1495 : vector<64x1xi32>
      %shift_right_arithmetic3A_1497 = arith.constant 7 : i32
      %shift_right_arithmetic3A_1498 = arith.shrsi %reduce_min3A_1489, %shift_right_arithmetic3A_1497 : i32
      %broadcast_in_dim3A_1499 = vector.broadcast %shift_right_arithmetic3A_1498 : i32 to vector<64x1xi32>
      %select_n3A_1500 = arith.select %eq3A_1496, %broadcast_in_dim3A_1499, %scan3A_976 : vector<64x1xi1>, vector<64x1xi32>
      scf.yield %select_n3A_995, %select_n3A_1019, %select_n3A_1044, %select_n3A_1069, %select_n3A_1094, %select_n3A_1119, %select_n3A_1144, %select_n3A_1169, %select_n3A_1194, %select_n3A_1219, %select_n3A_1244, %select_n3A_1269, %select_n3A_1294, %select_n3A_1319, %select_n3A_1344, %select_n3A_1369, %select_n3A_1394, %select_n3A_1419, %select_n3A_1444, %select_n3A_1469, %select_n3A_1494, %select_n3A_1000, %select_n3A_1025, %select_n3A_1050, %select_n3A_1075, %select_n3A_1100, %select_n3A_1125, %select_n3A_1150, %select_n3A_1175, %select_n3A_1200, %select_n3A_1225, %select_n3A_1250, %select_n3A_1275, %select_n3A_1300, %select_n3A_1325, %select_n3A_1350, %select_n3A_1375, %select_n3A_1400, %select_n3A_1425, %select_n3A_1450, %select_n3A_1475, %select_n3A_1500 : vector<1x1024xf32>, vector<1x1024xf32>, vector<1x1024xf32>, vector<1x1024xf32>, vector<1x1024xf32>, vector<1x1024xf32>, vector<1x1024xf32>, vector<1x1024xf32>, vector<1x1024xf32>, vector<1x1024xf32>, vector<1x1024xf32>, vector<1x1024xf32>, vector<1x1024xf32>, vector<1x1024xf32>, vector<1x1024xf32>, vector<1x1024xf32>, vector<1x1024xf32>, vector<1x1024xf32>, vector<1x1024xf32>, vector<1x1024xf32>, vector<1x1024xf32>, vector<64x1xi32>, vector<64x1xi32>, vector<64x1xi32>, vector<64x1xi32>, vector<64x1xi32>, vector<64x1xi32>, vector<64x1xi32>, vector<64x1xi32>, vector<64x1xi32>, vector<64x1xi32>, vector<64x1xi32>, vector<64x1xi32>, vector<64x1xi32>, vector<64x1xi32>, vector<64x1xi32>, vector<64x1xi32>, vector<64x1xi32>, vector<64x1xi32>, vector<64x1xi32>, vector<64x1xi32>, vector<64x1xi32>
    }
    %scan3A_421 = arith.constant 64 : i32
    %convert_element_type3A = arith.sitofp %get3A_4 : vector<1024x128xi32> to vector<1024x128xf32>
    %eq3A_422 = vector.broadcast %scan3A_420#21 : vector<64x1xi32> to vector<64x1024xi32>
    %eq3A_423 = vector.broadcast %iota3A_15 : vector<1x1024xi32> to vector<64x1024xi32>
    %eq3A_424 = arith.cmpi eq, %eq3A_422, %eq3A_423 : vector<64x1024xi32>
    %jit3A_425 = arith.constant 1.000000e+00 : f32
    %jit3A_426 = arith.constant 0.000000e+00 : f32
    %broadcast_in_dim3A_427 = vector.broadcast %jit3A_425 : f32 to vector<64x1024xf32>
    %broadcast_in_dim3A_428 = vector.broadcast %jit3A_426 : f32 to vector<64x1024xf32>
    %select_n3A_429 = arith.select %eq3A_424, %broadcast_in_dim3A_427, %broadcast_in_dim3A_428 : vector<64x1024xi1>, vector<64x1024xf32>
    %dot_general3A = arith.constant dense<0.000000e+00> : vector<64x128xf32>
    %dot_general3A_430 = tpu.matmul %select_n3A_429, %get3A_1, %dot_general3A {dimension_numbers = #tpu.dot_dimension_numbers<[1], [0], [0], [1], [0, 0, 1, 1], [], []>, precision = #tpu.contract_precision<fp32>, transpose_lhs_hint = false} : vector<64x1024xf32>, vector<1024x128xf32>, vector<64x128xf32> -> vector<64x128xf32>
    %dot_general3A_431 = arith.constant dense<0.000000e+00> : vector<64x128xf32>
    %dot_general3A_432 = tpu.matmul %select_n3A_429, %convert_element_type3A, %dot_general3A_431 {dimension_numbers = #tpu.dot_dimension_numbers<[1], [0], [0], [1], [0, 0, 1, 1], [], []>, precision = #tpu.contract_precision<fp32>, transpose_lhs_hint = false} : vector<64x1024xf32>, vector<1024x128xf32>, vector<64x128xf32> -> vector<64x128xf32>
    %eq3A_433 = arith.constant 0.000000e+00 : f32
    %eq3A_434 = vector.broadcast %eq3A_433 : f32 to vector<64x128xf32>
    %eq3A_435 = arith.cmpf oeq, %dot_general3A_432, %eq3A_434 : vector<64x128xf32>
    %jit3A_436 = arith.constant -3.40282347E+38 : f32
    %broadcast_in_dim3A_437 = vector.broadcast %jit3A_436 : f32 to vector<64x128xf32>
    %select_n3A_438 = arith.select %eq3A_435, %dot_general3A_430, %broadcast_in_dim3A_437 : vector<64x128xi1>, vector<64x128xf32>
    %mul3A_439 = arith.constant 128 : i32
    %mul3A_440 = vector.broadcast %mul3A_439 : i32 to vector<64x1xi32>
    %mul3A_441 = arith.muli %scan3A_420#21, %mul3A_440 : vector<64x1xi32>
    %add3A_442 = vector.broadcast %mul3A_441 : vector<64x1xi32> to vector<64x128xi32>
    %add3A_443 = vector.broadcast %iota3A_14 : vector<1x128xi32> to vector<64x128xi32>
    %add3A_444 = arith.addi %add3A_442, %add3A_443 : vector<64x128xi32>
    %eq3A_445 = vector.broadcast %scan3A_420#22 : vector<64x1xi32> to vector<64x1024xi32>
    %eq3A_446 = vector.broadcast %iota3A_15 : vector<1x1024xi32> to vector<64x1024xi32>
    %eq3A_447 = arith.cmpi eq, %eq3A_445, %eq3A_446 : vector<64x1024xi32>
    %jit3A_448 = arith.constant 1.000000e+00 : f32
    %jit3A_449 = arith.constant 0.000000e+00 : f32
    %broadcast_in_dim3A_450 = vector.broadcast %jit3A_448 : f32 to vector<64x1024xf32>
    %broadcast_in_dim3A_451 = vector.broadcast %jit3A_449 : f32 to vector<64x1024xf32>
    %select_n3A_452 = arith.select %eq3A_447, %broadcast_in_dim3A_450, %broadcast_in_dim3A_451 : vector<64x1024xi1>, vector<64x1024xf32>
    %dot_general3A_453 = arith.constant dense<0.000000e+00> : vector<64x128xf32>
    %dot_general3A_454 = tpu.matmul %select_n3A_452, %get3A_1, %dot_general3A_453 {dimension_numbers = #tpu.dot_dimension_numbers<[1], [0], [0], [1], [0, 0, 1, 1], [], []>, precision = #tpu.contract_precision<fp32>, transpose_lhs_hint = false} : vector<64x1024xf32>, vector<1024x128xf32>, vector<64x128xf32> -> vector<64x128xf32>
    %dot_general3A_455 = arith.constant dense<0.000000e+00> : vector<64x128xf32>
    %dot_general3A_456 = tpu.matmul %select_n3A_452, %convert_element_type3A, %dot_general3A_455 {dimension_numbers = #tpu.dot_dimension_numbers<[1], [0], [0], [1], [0, 0, 1, 1], [], []>, precision = #tpu.contract_precision<fp32>, transpose_lhs_hint = false} : vector<64x1024xf32>, vector<1024x128xf32>, vector<64x128xf32> -> vector<64x128xf32>
    %eq3A_457 = arith.constant 1.000000e+00 : f32
    %eq3A_458 = vector.broadcast %eq3A_457 : f32 to vector<64x128xf32>
    %eq3A_459 = arith.cmpf oeq, %dot_general3A_456, %eq3A_458 : vector<64x128xf32>
    %jit3A_460 = arith.constant -3.40282347E+38 : f32
    %broadcast_in_dim3A_461 = vector.broadcast %jit3A_460 : f32 to vector<64x128xf32>
    %select_n3A_462 = arith.select %eq3A_459, %dot_general3A_454, %broadcast_in_dim3A_461 : vector<64x128xi1>, vector<64x128xf32>
    %mul3A_463 = arith.constant 128 : i32
    %mul3A_464 = vector.broadcast %mul3A_463 : i32 to vector<64x1xi32>
    %mul3A_465 = arith.muli %scan3A_420#22, %mul3A_464 : vector<64x1xi32>
    %add3A_466 = vector.broadcast %mul3A_465 : vector<64x1xi32> to vector<64x128xi32>
    %add3A_467 = vector.broadcast %iota3A_14 : vector<1x128xi32> to vector<64x128xi32>
    %add3A_468 = arith.addi %add3A_466, %add3A_467 : vector<64x128xi32>
    %eq3A_469 = vector.broadcast %scan3A_420#23 : vector<64x1xi32> to vector<64x1024xi32>
    %eq3A_470 = vector.broadcast %iota3A_15 : vector<1x1024xi32> to vector<64x1024xi32>
    %eq3A_471 = arith.cmpi eq, %eq3A_469, %eq3A_470 : vector<64x1024xi32>
    %jit3A_472 = arith.constant 1.000000e+00 : f32
    %jit3A_473 = arith.constant 0.000000e+00 : f32
    %broadcast_in_dim3A_474 = vector.broadcast %jit3A_472 : f32 to vector<64x1024xf32>
    %broadcast_in_dim3A_475 = vector.broadcast %jit3A_473 : f32 to vector<64x1024xf32>
    %select_n3A_476 = arith.select %eq3A_471, %broadcast_in_dim3A_474, %broadcast_in_dim3A_475 : vector<64x1024xi1>, vector<64x1024xf32>
    %dot_general3A_477 = arith.constant dense<0.000000e+00> : vector<64x128xf32>
    %dot_general3A_478 = tpu.matmul %select_n3A_476, %get3A_1, %dot_general3A_477 {dimension_numbers = #tpu.dot_dimension_numbers<[1], [0], [0], [1], [0, 0, 1, 1], [], []>, precision = #tpu.contract_precision<fp32>, transpose_lhs_hint = false} : vector<64x1024xf32>, vector<1024x128xf32>, vector<64x128xf32> -> vector<64x128xf32>
    %dot_general3A_479 = arith.constant dense<0.000000e+00> : vector<64x128xf32>
    %dot_general3A_480 = tpu.matmul %select_n3A_476, %convert_element_type3A, %dot_general3A_479 {dimension_numbers = #tpu.dot_dimension_numbers<[1], [0], [0], [1], [0, 0, 1, 1], [], []>, precision = #tpu.contract_precision<fp32>, transpose_lhs_hint = false} : vector<64x1024xf32>, vector<1024x128xf32>, vector<64x128xf32> -> vector<64x128xf32>
    %eq3A_481 = arith.constant 2.000000e+00 : f32
    %eq3A_482 = vector.broadcast %eq3A_481 : f32 to vector<64x128xf32>
    %eq3A_483 = arith.cmpf oeq, %dot_general3A_480, %eq3A_482 : vector<64x128xf32>
    %jit3A_484 = arith.constant -3.40282347E+38 : f32
    %broadcast_in_dim3A_485 = vector.broadcast %jit3A_484 : f32 to vector<64x128xf32>
    %select_n3A_486 = arith.select %eq3A_483, %dot_general3A_478, %broadcast_in_dim3A_485 : vector<64x128xi1>, vector<64x128xf32>
    %mul3A_487 = arith.constant 128 : i32
    %mul3A_488 = vector.broadcast %mul3A_487 : i32 to vector<64x1xi32>
    %mul3A_489 = arith.muli %scan3A_420#23, %mul3A_488 : vector<64x1xi32>
    %add3A_490 = vector.broadcast %mul3A_489 : vector<64x1xi32> to vector<64x128xi32>
    %add3A_491 = vector.broadcast %iota3A_14 : vector<1x128xi32> to vector<64x128xi32>
    %add3A_492 = arith.addi %add3A_490, %add3A_491 : vector<64x128xi32>
    %eq3A_493 = vector.broadcast %scan3A_420#24 : vector<64x1xi32> to vector<64x1024xi32>
    %eq3A_494 = vector.broadcast %iota3A_15 : vector<1x1024xi32> to vector<64x1024xi32>
    %eq3A_495 = arith.cmpi eq, %eq3A_493, %eq3A_494 : vector<64x1024xi32>
    %jit3A_496 = arith.constant 1.000000e+00 : f32
    %jit3A_497 = arith.constant 0.000000e+00 : f32
    %broadcast_in_dim3A_498 = vector.broadcast %jit3A_496 : f32 to vector<64x1024xf32>
    %broadcast_in_dim3A_499 = vector.broadcast %jit3A_497 : f32 to vector<64x1024xf32>
    %select_n3A_500 = arith.select %eq3A_495, %broadcast_in_dim3A_498, %broadcast_in_dim3A_499 : vector<64x1024xi1>, vector<64x1024xf32>
    %dot_general3A_501 = arith.constant dense<0.000000e+00> : vector<64x128xf32>
    %dot_general3A_502 = tpu.matmul %select_n3A_500, %get3A_1, %dot_general3A_501 {dimension_numbers = #tpu.dot_dimension_numbers<[1], [0], [0], [1], [0, 0, 1, 1], [], []>, precision = #tpu.contract_precision<fp32>, transpose_lhs_hint = false} : vector<64x1024xf32>, vector<1024x128xf32>, vector<64x128xf32> -> vector<64x128xf32>
    %dot_general3A_503 = arith.constant dense<0.000000e+00> : vector<64x128xf32>
    %dot_general3A_504 = tpu.matmul %select_n3A_500, %convert_element_type3A, %dot_general3A_503 {dimension_numbers = #tpu.dot_dimension_numbers<[1], [0], [0], [1], [0, 0, 1, 1], [], []>, precision = #tpu.contract_precision<fp32>, transpose_lhs_hint = false} : vector<64x1024xf32>, vector<1024x128xf32>, vector<64x128xf32> -> vector<64x128xf32>
    %eq3A_505 = arith.constant 3.000000e+00 : f32
    %eq3A_506 = vector.broadcast %eq3A_505 : f32 to vector<64x128xf32>
    %eq3A_507 = arith.cmpf oeq, %dot_general3A_504, %eq3A_506 : vector<64x128xf32>
    %jit3A_508 = arith.constant -3.40282347E+38 : f32
    %broadcast_in_dim3A_509 = vector.broadcast %jit3A_508 : f32 to vector<64x128xf32>
    %select_n3A_510 = arith.select %eq3A_507, %dot_general3A_502, %broadcast_in_dim3A_509 : vector<64x128xi1>, vector<64x128xf32>
    %mul3A_511 = arith.constant 128 : i32
    %mul3A_512 = vector.broadcast %mul3A_511 : i32 to vector<64x1xi32>
    %mul3A_513 = arith.muli %scan3A_420#24, %mul3A_512 : vector<64x1xi32>
    %add3A_514 = vector.broadcast %mul3A_513 : vector<64x1xi32> to vector<64x128xi32>
    %add3A_515 = vector.broadcast %iota3A_14 : vector<1x128xi32> to vector<64x128xi32>
    %add3A_516 = arith.addi %add3A_514, %add3A_515 : vector<64x128xi32>
    %eq3A_517 = vector.broadcast %scan3A_420#25 : vector<64x1xi32> to vector<64x1024xi32>
    %eq3A_518 = vector.broadcast %iota3A_15 : vector<1x1024xi32> to vector<64x1024xi32>
    %eq3A_519 = arith.cmpi eq, %eq3A_517, %eq3A_518 : vector<64x1024xi32>
    %jit3A_520 = arith.constant 1.000000e+00 : f32
    %jit3A_521 = arith.constant 0.000000e+00 : f32
    %broadcast_in_dim3A_522 = vector.broadcast %jit3A_520 : f32 to vector<64x1024xf32>
    %broadcast_in_dim3A_523 = vector.broadcast %jit3A_521 : f32 to vector<64x1024xf32>
    %select_n3A_524 = arith.select %eq3A_519, %broadcast_in_dim3A_522, %broadcast_in_dim3A_523 : vector<64x1024xi1>, vector<64x1024xf32>
    %dot_general3A_525 = arith.constant dense<0.000000e+00> : vector<64x128xf32>
    %dot_general3A_526 = tpu.matmul %select_n3A_524, %get3A_1, %dot_general3A_525 {dimension_numbers = #tpu.dot_dimension_numbers<[1], [0], [0], [1], [0, 0, 1, 1], [], []>, precision = #tpu.contract_precision<fp32>, transpose_lhs_hint = false} : vector<64x1024xf32>, vector<1024x128xf32>, vector<64x128xf32> -> vector<64x128xf32>
    %dot_general3A_527 = arith.constant dense<0.000000e+00> : vector<64x128xf32>
    %dot_general3A_528 = tpu.matmul %select_n3A_524, %convert_element_type3A, %dot_general3A_527 {dimension_numbers = #tpu.dot_dimension_numbers<[1], [0], [0], [1], [0, 0, 1, 1], [], []>, precision = #tpu.contract_precision<fp32>, transpose_lhs_hint = false} : vector<64x1024xf32>, vector<1024x128xf32>, vector<64x128xf32> -> vector<64x128xf32>
    %eq3A_529 = arith.constant 4.000000e+00 : f32
    %eq3A_530 = vector.broadcast %eq3A_529 : f32 to vector<64x128xf32>
    %eq3A_531 = arith.cmpf oeq, %dot_general3A_528, %eq3A_530 : vector<64x128xf32>
    %jit3A_532 = arith.constant -3.40282347E+38 : f32
    %broadcast_in_dim3A_533 = vector.broadcast %jit3A_532 : f32 to vector<64x128xf32>
    %select_n3A_534 = arith.select %eq3A_531, %dot_general3A_526, %broadcast_in_dim3A_533 : vector<64x128xi1>, vector<64x128xf32>
    %mul3A_535 = arith.constant 128 : i32
    %mul3A_536 = vector.broadcast %mul3A_535 : i32 to vector<64x1xi32>
    %mul3A_537 = arith.muli %scan3A_420#25, %mul3A_536 : vector<64x1xi32>
    %add3A_538 = vector.broadcast %mul3A_537 : vector<64x1xi32> to vector<64x128xi32>
    %add3A_539 = vector.broadcast %iota3A_14 : vector<1x128xi32> to vector<64x128xi32>
    %add3A_540 = arith.addi %add3A_538, %add3A_539 : vector<64x128xi32>
    %eq3A_541 = vector.broadcast %scan3A_420#26 : vector<64x1xi32> to vector<64x1024xi32>
    %eq3A_542 = vector.broadcast %iota3A_15 : vector<1x1024xi32> to vector<64x1024xi32>
    %eq3A_543 = arith.cmpi eq, %eq3A_541, %eq3A_542 : vector<64x1024xi32>
    %jit3A_544 = arith.constant 1.000000e+00 : f32
    %jit3A_545 = arith.constant 0.000000e+00 : f32
    %broadcast_in_dim3A_546 = vector.broadcast %jit3A_544 : f32 to vector<64x1024xf32>
    %broadcast_in_dim3A_547 = vector.broadcast %jit3A_545 : f32 to vector<64x1024xf32>
    %select_n3A_548 = arith.select %eq3A_543, %broadcast_in_dim3A_546, %broadcast_in_dim3A_547 : vector<64x1024xi1>, vector<64x1024xf32>
    %dot_general3A_549 = arith.constant dense<0.000000e+00> : vector<64x128xf32>
    %dot_general3A_550 = tpu.matmul %select_n3A_548, %get3A_1, %dot_general3A_549 {dimension_numbers = #tpu.dot_dimension_numbers<[1], [0], [0], [1], [0, 0, 1, 1], [], []>, precision = #tpu.contract_precision<fp32>, transpose_lhs_hint = false} : vector<64x1024xf32>, vector<1024x128xf32>, vector<64x128xf32> -> vector<64x128xf32>
    %dot_general3A_551 = arith.constant dense<0.000000e+00> : vector<64x128xf32>
    %dot_general3A_552 = tpu.matmul %select_n3A_548, %convert_element_type3A, %dot_general3A_551 {dimension_numbers = #tpu.dot_dimension_numbers<[1], [0], [0], [1], [0, 0, 1, 1], [], []>, precision = #tpu.contract_precision<fp32>, transpose_lhs_hint = false} : vector<64x1024xf32>, vector<1024x128xf32>, vector<64x128xf32> -> vector<64x128xf32>
    %eq3A_553 = arith.constant 5.000000e+00 : f32
    %eq3A_554 = vector.broadcast %eq3A_553 : f32 to vector<64x128xf32>
    %eq3A_555 = arith.cmpf oeq, %dot_general3A_552, %eq3A_554 : vector<64x128xf32>
    %jit3A_556 = arith.constant -3.40282347E+38 : f32
    %broadcast_in_dim3A_557 = vector.broadcast %jit3A_556 : f32 to vector<64x128xf32>
    %select_n3A_558 = arith.select %eq3A_555, %dot_general3A_550, %broadcast_in_dim3A_557 : vector<64x128xi1>, vector<64x128xf32>
    %mul3A_559 = arith.constant 128 : i32
    %mul3A_560 = vector.broadcast %mul3A_559 : i32 to vector<64x1xi32>
    %mul3A_561 = arith.muli %scan3A_420#26, %mul3A_560 : vector<64x1xi32>
    %add3A_562 = vector.broadcast %mul3A_561 : vector<64x1xi32> to vector<64x128xi32>
    %add3A_563 = vector.broadcast %iota3A_14 : vector<1x128xi32> to vector<64x128xi32>
    %add3A_564 = arith.addi %add3A_562, %add3A_563 : vector<64x128xi32>
    %eq3A_565 = vector.broadcast %scan3A_420#27 : vector<64x1xi32> to vector<64x1024xi32>
    %eq3A_566 = vector.broadcast %iota3A_15 : vector<1x1024xi32> to vector<64x1024xi32>
    %eq3A_567 = arith.cmpi eq, %eq3A_565, %eq3A_566 : vector<64x1024xi32>
    %jit3A_568 = arith.constant 1.000000e+00 : f32
    %jit3A_569 = arith.constant 0.000000e+00 : f32
    %broadcast_in_dim3A_570 = vector.broadcast %jit3A_568 : f32 to vector<64x1024xf32>
    %broadcast_in_dim3A_571 = vector.broadcast %jit3A_569 : f32 to vector<64x1024xf32>
    %select_n3A_572 = arith.select %eq3A_567, %broadcast_in_dim3A_570, %broadcast_in_dim3A_571 : vector<64x1024xi1>, vector<64x1024xf32>
    %dot_general3A_573 = arith.constant dense<0.000000e+00> : vector<64x128xf32>
    %dot_general3A_574 = tpu.matmul %select_n3A_572, %get3A_1, %dot_general3A_573 {dimension_numbers = #tpu.dot_dimension_numbers<[1], [0], [0], [1], [0, 0, 1, 1], [], []>, precision = #tpu.contract_precision<fp32>, transpose_lhs_hint = false} : vector<64x1024xf32>, vector<1024x128xf32>, vector<64x128xf32> -> vector<64x128xf32>
    %dot_general3A_575 = arith.constant dense<0.000000e+00> : vector<64x128xf32>
    %dot_general3A_576 = tpu.matmul %select_n3A_572, %convert_element_type3A, %dot_general3A_575 {dimension_numbers = #tpu.dot_dimension_numbers<[1], [0], [0], [1], [0, 0, 1, 1], [], []>, precision = #tpu.contract_precision<fp32>, transpose_lhs_hint = false} : vector<64x1024xf32>, vector<1024x128xf32>, vector<64x128xf32> -> vector<64x128xf32>
    %eq3A_577 = arith.constant 6.000000e+00 : f32
    %eq3A_578 = vector.broadcast %eq3A_577 : f32 to vector<64x128xf32>
    %eq3A_579 = arith.cmpf oeq, %dot_general3A_576, %eq3A_578 : vector<64x128xf32>
    %jit3A_580 = arith.constant -3.40282347E+38 : f32
    %broadcast_in_dim3A_581 = vector.broadcast %jit3A_580 : f32 to vector<64x128xf32>
    %select_n3A_582 = arith.select %eq3A_579, %dot_general3A_574, %broadcast_in_dim3A_581 : vector<64x128xi1>, vector<64x128xf32>
    %mul3A_583 = arith.constant 128 : i32
    %mul3A_584 = vector.broadcast %mul3A_583 : i32 to vector<64x1xi32>
    %mul3A_585 = arith.muli %scan3A_420#27, %mul3A_584 : vector<64x1xi32>
    %add3A_586 = vector.broadcast %mul3A_585 : vector<64x1xi32> to vector<64x128xi32>
    %add3A_587 = vector.broadcast %iota3A_14 : vector<1x128xi32> to vector<64x128xi32>
    %add3A_588 = arith.addi %add3A_586, %add3A_587 : vector<64x128xi32>
    %eq3A_589 = vector.broadcast %scan3A_420#28 : vector<64x1xi32> to vector<64x1024xi32>
    %eq3A_590 = vector.broadcast %iota3A_15 : vector<1x1024xi32> to vector<64x1024xi32>
    %eq3A_591 = arith.cmpi eq, %eq3A_589, %eq3A_590 : vector<64x1024xi32>
    %jit3A_592 = arith.constant 1.000000e+00 : f32
    %jit3A_593 = arith.constant 0.000000e+00 : f32
    %broadcast_in_dim3A_594 = vector.broadcast %jit3A_592 : f32 to vector<64x1024xf32>
    %broadcast_in_dim3A_595 = vector.broadcast %jit3A_593 : f32 to vector<64x1024xf32>
    %select_n3A_596 = arith.select %eq3A_591, %broadcast_in_dim3A_594, %broadcast_in_dim3A_595 : vector<64x1024xi1>, vector<64x1024xf32>
    %dot_general3A_597 = arith.constant dense<0.000000e+00> : vector<64x128xf32>
    %dot_general3A_598 = tpu.matmul %select_n3A_596, %get3A_1, %dot_general3A_597 {dimension_numbers = #tpu.dot_dimension_numbers<[1], [0], [0], [1], [0, 0, 1, 1], [], []>, precision = #tpu.contract_precision<fp32>, transpose_lhs_hint = false} : vector<64x1024xf32>, vector<1024x128xf32>, vector<64x128xf32> -> vector<64x128xf32>
    %dot_general3A_599 = arith.constant dense<0.000000e+00> : vector<64x128xf32>
    %dot_general3A_600 = tpu.matmul %select_n3A_596, %convert_element_type3A, %dot_general3A_599 {dimension_numbers = #tpu.dot_dimension_numbers<[1], [0], [0], [1], [0, 0, 1, 1], [], []>, precision = #tpu.contract_precision<fp32>, transpose_lhs_hint = false} : vector<64x1024xf32>, vector<1024x128xf32>, vector<64x128xf32> -> vector<64x128xf32>
    %eq3A_601 = arith.constant 7.000000e+00 : f32
    %eq3A_602 = vector.broadcast %eq3A_601 : f32 to vector<64x128xf32>
    %eq3A_603 = arith.cmpf oeq, %dot_general3A_600, %eq3A_602 : vector<64x128xf32>
    %jit3A_604 = arith.constant -3.40282347E+38 : f32
    %broadcast_in_dim3A_605 = vector.broadcast %jit3A_604 : f32 to vector<64x128xf32>
    %select_n3A_606 = arith.select %eq3A_603, %dot_general3A_598, %broadcast_in_dim3A_605 : vector<64x128xi1>, vector<64x128xf32>
    %mul3A_607 = arith.constant 128 : i32
    %mul3A_608 = vector.broadcast %mul3A_607 : i32 to vector<64x1xi32>
    %mul3A_609 = arith.muli %scan3A_420#28, %mul3A_608 : vector<64x1xi32>
    %add3A_610 = vector.broadcast %mul3A_609 : vector<64x1xi32> to vector<64x128xi32>
    %add3A_611 = vector.broadcast %iota3A_14 : vector<1x128xi32> to vector<64x128xi32>
    %add3A_612 = arith.addi %add3A_610, %add3A_611 : vector<64x128xi32>
    %eq3A_613 = vector.broadcast %scan3A_420#29 : vector<64x1xi32> to vector<64x1024xi32>
    %eq3A_614 = vector.broadcast %iota3A_15 : vector<1x1024xi32> to vector<64x1024xi32>
    %eq3A_615 = arith.cmpi eq, %eq3A_613, %eq3A_614 : vector<64x1024xi32>
    %jit3A_616 = arith.constant 1.000000e+00 : f32
    %jit3A_617 = arith.constant 0.000000e+00 : f32
    %broadcast_in_dim3A_618 = vector.broadcast %jit3A_616 : f32 to vector<64x1024xf32>
    %broadcast_in_dim3A_619 = vector.broadcast %jit3A_617 : f32 to vector<64x1024xf32>
    %select_n3A_620 = arith.select %eq3A_615, %broadcast_in_dim3A_618, %broadcast_in_dim3A_619 : vector<64x1024xi1>, vector<64x1024xf32>
    %dot_general3A_621 = arith.constant dense<0.000000e+00> : vector<64x128xf32>
    %dot_general3A_622 = tpu.matmul %select_n3A_620, %get3A_1, %dot_general3A_621 {dimension_numbers = #tpu.dot_dimension_numbers<[1], [0], [0], [1], [0, 0, 1, 1], [], []>, precision = #tpu.contract_precision<fp32>, transpose_lhs_hint = false} : vector<64x1024xf32>, vector<1024x128xf32>, vector<64x128xf32> -> vector<64x128xf32>
    %dot_general3A_623 = arith.constant dense<0.000000e+00> : vector<64x128xf32>
    %dot_general3A_624 = tpu.matmul %select_n3A_620, %convert_element_type3A, %dot_general3A_623 {dimension_numbers = #tpu.dot_dimension_numbers<[1], [0], [0], [1], [0, 0, 1, 1], [], []>, precision = #tpu.contract_precision<fp32>, transpose_lhs_hint = false} : vector<64x1024xf32>, vector<1024x128xf32>, vector<64x128xf32> -> vector<64x128xf32>
    %eq3A_625 = arith.constant 8.000000e+00 : f32
    %eq3A_626 = vector.broadcast %eq3A_625 : f32 to vector<64x128xf32>
    %eq3A_627 = arith.cmpf oeq, %dot_general3A_624, %eq3A_626 : vector<64x128xf32>
    %jit3A_628 = arith.constant -3.40282347E+38 : f32
    %broadcast_in_dim3A_629 = vector.broadcast %jit3A_628 : f32 to vector<64x128xf32>
    %select_n3A_630 = arith.select %eq3A_627, %dot_general3A_622, %broadcast_in_dim3A_629 : vector<64x128xi1>, vector<64x128xf32>
    %mul3A_631 = arith.constant 128 : i32
    %mul3A_632 = vector.broadcast %mul3A_631 : i32 to vector<64x1xi32>
    %mul3A_633 = arith.muli %scan3A_420#29, %mul3A_632 : vector<64x1xi32>
    %add3A_634 = vector.broadcast %mul3A_633 : vector<64x1xi32> to vector<64x128xi32>
    %add3A_635 = vector.broadcast %iota3A_14 : vector<1x128xi32> to vector<64x128xi32>
    %add3A_636 = arith.addi %add3A_634, %add3A_635 : vector<64x128xi32>
    %eq3A_637 = vector.broadcast %scan3A_420#30 : vector<64x1xi32> to vector<64x1024xi32>
    %eq3A_638 = vector.broadcast %iota3A_15 : vector<1x1024xi32> to vector<64x1024xi32>
    %eq3A_639 = arith.cmpi eq, %eq3A_637, %eq3A_638 : vector<64x1024xi32>
    %jit3A_640 = arith.constant 1.000000e+00 : f32
    %jit3A_641 = arith.constant 0.000000e+00 : f32
    %broadcast_in_dim3A_642 = vector.broadcast %jit3A_640 : f32 to vector<64x1024xf32>
    %broadcast_in_dim3A_643 = vector.broadcast %jit3A_641 : f32 to vector<64x1024xf32>
    %select_n3A_644 = arith.select %eq3A_639, %broadcast_in_dim3A_642, %broadcast_in_dim3A_643 : vector<64x1024xi1>, vector<64x1024xf32>
    %dot_general3A_645 = arith.constant dense<0.000000e+00> : vector<64x128xf32>
    %dot_general3A_646 = tpu.matmul %select_n3A_644, %get3A_1, %dot_general3A_645 {dimension_numbers = #tpu.dot_dimension_numbers<[1], [0], [0], [1], [0, 0, 1, 1], [], []>, precision = #tpu.contract_precision<fp32>, transpose_lhs_hint = false} : vector<64x1024xf32>, vector<1024x128xf32>, vector<64x128xf32> -> vector<64x128xf32>
    %dot_general3A_647 = arith.constant dense<0.000000e+00> : vector<64x128xf32>
    %dot_general3A_648 = tpu.matmul %select_n3A_644, %convert_element_type3A, %dot_general3A_647 {dimension_numbers = #tpu.dot_dimension_numbers<[1], [0], [0], [1], [0, 0, 1, 1], [], []>, precision = #tpu.contract_precision<fp32>, transpose_lhs_hint = false} : vector<64x1024xf32>, vector<1024x128xf32>, vector<64x128xf32> -> vector<64x128xf32>
    %eq3A_649 = arith.constant 9.000000e+00 : f32
    %eq3A_650 = vector.broadcast %eq3A_649 : f32 to vector<64x128xf32>
    %eq3A_651 = arith.cmpf oeq, %dot_general3A_648, %eq3A_650 : vector<64x128xf32>
    %jit3A_652 = arith.constant -3.40282347E+38 : f32
    %broadcast_in_dim3A_653 = vector.broadcast %jit3A_652 : f32 to vector<64x128xf32>
    %select_n3A_654 = arith.select %eq3A_651, %dot_general3A_646, %broadcast_in_dim3A_653 : vector<64x128xi1>, vector<64x128xf32>
    %mul3A_655 = arith.constant 128 : i32
    %mul3A_656 = vector.broadcast %mul3A_655 : i32 to vector<64x1xi32>
    %mul3A_657 = arith.muli %scan3A_420#30, %mul3A_656 : vector<64x1xi32>
    %add3A_658 = vector.broadcast %mul3A_657 : vector<64x1xi32> to vector<64x128xi32>
    %add3A_659 = vector.broadcast %iota3A_14 : vector<1x128xi32> to vector<64x128xi32>
    %add3A_660 = arith.addi %add3A_658, %add3A_659 : vector<64x128xi32>
    %eq3A_661 = vector.broadcast %scan3A_420#31 : vector<64x1xi32> to vector<64x1024xi32>
    %eq3A_662 = vector.broadcast %iota3A_15 : vector<1x1024xi32> to vector<64x1024xi32>
    %eq3A_663 = arith.cmpi eq, %eq3A_661, %eq3A_662 : vector<64x1024xi32>
    %jit3A_664 = arith.constant 1.000000e+00 : f32
    %jit3A_665 = arith.constant 0.000000e+00 : f32
    %broadcast_in_dim3A_666 = vector.broadcast %jit3A_664 : f32 to vector<64x1024xf32>
    %broadcast_in_dim3A_667 = vector.broadcast %jit3A_665 : f32 to vector<64x1024xf32>
    %select_n3A_668 = arith.select %eq3A_663, %broadcast_in_dim3A_666, %broadcast_in_dim3A_667 : vector<64x1024xi1>, vector<64x1024xf32>
    %dot_general3A_669 = arith.constant dense<0.000000e+00> : vector<64x128xf32>
    %dot_general3A_670 = tpu.matmul %select_n3A_668, %get3A_1, %dot_general3A_669 {dimension_numbers = #tpu.dot_dimension_numbers<[1], [0], [0], [1], [0, 0, 1, 1], [], []>, precision = #tpu.contract_precision<fp32>, transpose_lhs_hint = false} : vector<64x1024xf32>, vector<1024x128xf32>, vector<64x128xf32> -> vector<64x128xf32>
    %dot_general3A_671 = arith.constant dense<0.000000e+00> : vector<64x128xf32>
    %dot_general3A_672 = tpu.matmul %select_n3A_668, %convert_element_type3A, %dot_general3A_671 {dimension_numbers = #tpu.dot_dimension_numbers<[1], [0], [0], [1], [0, 0, 1, 1], [], []>, precision = #tpu.contract_precision<fp32>, transpose_lhs_hint = false} : vector<64x1024xf32>, vector<1024x128xf32>, vector<64x128xf32> -> vector<64x128xf32>
    %eq3A_673 = arith.constant 1.000000e+01 : f32
    %eq3A_674 = vector.broadcast %eq3A_673 : f32 to vector<64x128xf32>
    %eq3A_675 = arith.cmpf oeq, %dot_general3A_672, %eq3A_674 : vector<64x128xf32>
    %jit3A_676 = arith.constant -3.40282347E+38 : f32
    %broadcast_in_dim3A_677 = vector.broadcast %jit3A_676 : f32 to vector<64x128xf32>
    %select_n3A_678 = arith.select %eq3A_675, %dot_general3A_670, %broadcast_in_dim3A_677 : vector<64x128xi1>, vector<64x128xf32>
    %mul3A_679 = arith.constant 128 : i32
    %mul3A_680 = vector.broadcast %mul3A_679 : i32 to vector<64x1xi32>
    %mul3A_681 = arith.muli %scan3A_420#31, %mul3A_680 : vector<64x1xi32>
    %add3A_682 = vector.broadcast %mul3A_681 : vector<64x1xi32> to vector<64x128xi32>
    %add3A_683 = vector.broadcast %iota3A_14 : vector<1x128xi32> to vector<64x128xi32>
    %add3A_684 = arith.addi %add3A_682, %add3A_683 : vector<64x128xi32>
    %eq3A_685 = vector.broadcast %scan3A_420#32 : vector<64x1xi32> to vector<64x1024xi32>
    %eq3A_686 = vector.broadcast %iota3A_15 : vector<1x1024xi32> to vector<64x1024xi32>
    %eq3A_687 = arith.cmpi eq, %eq3A_685, %eq3A_686 : vector<64x1024xi32>
    %jit3A_688 = arith.constant 1.000000e+00 : f32
    %jit3A_689 = arith.constant 0.000000e+00 : f32
    %broadcast_in_dim3A_690 = vector.broadcast %jit3A_688 : f32 to vector<64x1024xf32>
    %broadcast_in_dim3A_691 = vector.broadcast %jit3A_689 : f32 to vector<64x1024xf32>
    %select_n3A_692 = arith.select %eq3A_687, %broadcast_in_dim3A_690, %broadcast_in_dim3A_691 : vector<64x1024xi1>, vector<64x1024xf32>
    %dot_general3A_693 = arith.constant dense<0.000000e+00> : vector<64x128xf32>
    %dot_general3A_694 = tpu.matmul %select_n3A_692, %get3A_1, %dot_general3A_693 {dimension_numbers = #tpu.dot_dimension_numbers<[1], [0], [0], [1], [0, 0, 1, 1], [], []>, precision = #tpu.contract_precision<fp32>, transpose_lhs_hint = false} : vector<64x1024xf32>, vector<1024x128xf32>, vector<64x128xf32> -> vector<64x128xf32>
    %dot_general3A_695 = arith.constant dense<0.000000e+00> : vector<64x128xf32>
    %dot_general3A_696 = tpu.matmul %select_n3A_692, %convert_element_type3A, %dot_general3A_695 {dimension_numbers = #tpu.dot_dimension_numbers<[1], [0], [0], [1], [0, 0, 1, 1], [], []>, precision = #tpu.contract_precision<fp32>, transpose_lhs_hint = false} : vector<64x1024xf32>, vector<1024x128xf32>, vector<64x128xf32> -> vector<64x128xf32>
    %eq3A_697 = arith.constant 1.100000e+01 : f32
    %eq3A_698 = vector.broadcast %eq3A_697 : f32 to vector<64x128xf32>
    %eq3A_699 = arith.cmpf oeq, %dot_general3A_696, %eq3A_698 : vector<64x128xf32>
    %jit3A_700 = arith.constant -3.40282347E+38 : f32
    %broadcast_in_dim3A_701 = vector.broadcast %jit3A_700 : f32 to vector<64x128xf32>
    %select_n3A_702 = arith.select %eq3A_699, %dot_general3A_694, %broadcast_in_dim3A_701 : vector<64x128xi1>, vector<64x128xf32>
    %mul3A_703 = arith.constant 128 : i32
    %mul3A_704 = vector.broadcast %mul3A_703 : i32 to vector<64x1xi32>
    %mul3A_705 = arith.muli %scan3A_420#32, %mul3A_704 : vector<64x1xi32>
    %add3A_706 = vector.broadcast %mul3A_705 : vector<64x1xi32> to vector<64x128xi32>
    %add3A_707 = vector.broadcast %iota3A_14 : vector<1x128xi32> to vector<64x128xi32>
    %add3A_708 = arith.addi %add3A_706, %add3A_707 : vector<64x128xi32>
    %eq3A_709 = vector.broadcast %scan3A_420#33 : vector<64x1xi32> to vector<64x1024xi32>
    %eq3A_710 = vector.broadcast %iota3A_15 : vector<1x1024xi32> to vector<64x1024xi32>
    %eq3A_711 = arith.cmpi eq, %eq3A_709, %eq3A_710 : vector<64x1024xi32>
    %jit3A_712 = arith.constant 1.000000e+00 : f32
    %jit3A_713 = arith.constant 0.000000e+00 : f32
    %broadcast_in_dim3A_714 = vector.broadcast %jit3A_712 : f32 to vector<64x1024xf32>
    %broadcast_in_dim3A_715 = vector.broadcast %jit3A_713 : f32 to vector<64x1024xf32>
    %select_n3A_716 = arith.select %eq3A_711, %broadcast_in_dim3A_714, %broadcast_in_dim3A_715 : vector<64x1024xi1>, vector<64x1024xf32>
    %dot_general3A_717 = arith.constant dense<0.000000e+00> : vector<64x128xf32>
    %dot_general3A_718 = tpu.matmul %select_n3A_716, %get3A_1, %dot_general3A_717 {dimension_numbers = #tpu.dot_dimension_numbers<[1], [0], [0], [1], [0, 0, 1, 1], [], []>, precision = #tpu.contract_precision<fp32>, transpose_lhs_hint = false} : vector<64x1024xf32>, vector<1024x128xf32>, vector<64x128xf32> -> vector<64x128xf32>
    %dot_general3A_719 = arith.constant dense<0.000000e+00> : vector<64x128xf32>
    %dot_general3A_720 = tpu.matmul %select_n3A_716, %convert_element_type3A, %dot_general3A_719 {dimension_numbers = #tpu.dot_dimension_numbers<[1], [0], [0], [1], [0, 0, 1, 1], [], []>, precision = #tpu.contract_precision<fp32>, transpose_lhs_hint = false} : vector<64x1024xf32>, vector<1024x128xf32>, vector<64x128xf32> -> vector<64x128xf32>
    %eq3A_721 = arith.constant 1.200000e+01 : f32
    %eq3A_722 = vector.broadcast %eq3A_721 : f32 to vector<64x128xf32>
    %eq3A_723 = arith.cmpf oeq, %dot_general3A_720, %eq3A_722 : vector<64x128xf32>
    %jit3A_724 = arith.constant -3.40282347E+38 : f32
    %broadcast_in_dim3A_725 = vector.broadcast %jit3A_724 : f32 to vector<64x128xf32>
    %select_n3A_726 = arith.select %eq3A_723, %dot_general3A_718, %broadcast_in_dim3A_725 : vector<64x128xi1>, vector<64x128xf32>
    %mul3A_727 = arith.constant 128 : i32
    %mul3A_728 = vector.broadcast %mul3A_727 : i32 to vector<64x1xi32>
    %mul3A_729 = arith.muli %scan3A_420#33, %mul3A_728 : vector<64x1xi32>
    %add3A_730 = vector.broadcast %mul3A_729 : vector<64x1xi32> to vector<64x128xi32>
    %add3A_731 = vector.broadcast %iota3A_14 : vector<1x128xi32> to vector<64x128xi32>
    %add3A_732 = arith.addi %add3A_730, %add3A_731 : vector<64x128xi32>
    %eq3A_733 = vector.broadcast %scan3A_420#34 : vector<64x1xi32> to vector<64x1024xi32>
    %eq3A_734 = vector.broadcast %iota3A_15 : vector<1x1024xi32> to vector<64x1024xi32>
    %eq3A_735 = arith.cmpi eq, %eq3A_733, %eq3A_734 : vector<64x1024xi32>
    %jit3A_736 = arith.constant 1.000000e+00 : f32
    %jit3A_737 = arith.constant 0.000000e+00 : f32
    %broadcast_in_dim3A_738 = vector.broadcast %jit3A_736 : f32 to vector<64x1024xf32>
    %broadcast_in_dim3A_739 = vector.broadcast %jit3A_737 : f32 to vector<64x1024xf32>
    %select_n3A_740 = arith.select %eq3A_735, %broadcast_in_dim3A_738, %broadcast_in_dim3A_739 : vector<64x1024xi1>, vector<64x1024xf32>
    %dot_general3A_741 = arith.constant dense<0.000000e+00> : vector<64x128xf32>
    %dot_general3A_742 = tpu.matmul %select_n3A_740, %get3A_1, %dot_general3A_741 {dimension_numbers = #tpu.dot_dimension_numbers<[1], [0], [0], [1], [0, 0, 1, 1], [], []>, precision = #tpu.contract_precision<fp32>, transpose_lhs_hint = false} : vector<64x1024xf32>, vector<1024x128xf32>, vector<64x128xf32> -> vector<64x128xf32>
    %dot_general3A_743 = arith.constant dense<0.000000e+00> : vector<64x128xf32>
    %dot_general3A_744 = tpu.matmul %select_n3A_740, %convert_element_type3A, %dot_general3A_743 {dimension_numbers = #tpu.dot_dimension_numbers<[1], [0], [0], [1], [0, 0, 1, 1], [], []>, precision = #tpu.contract_precision<fp32>, transpose_lhs_hint = false} : vector<64x1024xf32>, vector<1024x128xf32>, vector<64x128xf32> -> vector<64x128xf32>
    %eq3A_745 = arith.constant 1.300000e+01 : f32
    %eq3A_746 = vector.broadcast %eq3A_745 : f32 to vector<64x128xf32>
    %eq3A_747 = arith.cmpf oeq, %dot_general3A_744, %eq3A_746 : vector<64x128xf32>
    %jit3A_748 = arith.constant -3.40282347E+38 : f32
    %broadcast_in_dim3A_749 = vector.broadcast %jit3A_748 : f32 to vector<64x128xf32>
    %select_n3A_750 = arith.select %eq3A_747, %dot_general3A_742, %broadcast_in_dim3A_749 : vector<64x128xi1>, vector<64x128xf32>
    %mul3A_751 = arith.constant 128 : i32
    %mul3A_752 = vector.broadcast %mul3A_751 : i32 to vector<64x1xi32>
    %mul3A_753 = arith.muli %scan3A_420#34, %mul3A_752 : vector<64x1xi32>
    %add3A_754 = vector.broadcast %mul3A_753 : vector<64x1xi32> to vector<64x128xi32>
    %add3A_755 = vector.broadcast %iota3A_14 : vector<1x128xi32> to vector<64x128xi32>
    %add3A_756 = arith.addi %add3A_754, %add3A_755 : vector<64x128xi32>
    %eq3A_757 = vector.broadcast %scan3A_420#35 : vector<64x1xi32> to vector<64x1024xi32>
    %eq3A_758 = vector.broadcast %iota3A_15 : vector<1x1024xi32> to vector<64x1024xi32>
    %eq3A_759 = arith.cmpi eq, %eq3A_757, %eq3A_758 : vector<64x1024xi32>
    %jit3A_760 = arith.constant 1.000000e+00 : f32
    %jit3A_761 = arith.constant 0.000000e+00 : f32
    %broadcast_in_dim3A_762 = vector.broadcast %jit3A_760 : f32 to vector<64x1024xf32>
    %broadcast_in_dim3A_763 = vector.broadcast %jit3A_761 : f32 to vector<64x1024xf32>
    %select_n3A_764 = arith.select %eq3A_759, %broadcast_in_dim3A_762, %broadcast_in_dim3A_763 : vector<64x1024xi1>, vector<64x1024xf32>
    %dot_general3A_765 = arith.constant dense<0.000000e+00> : vector<64x128xf32>
    %dot_general3A_766 = tpu.matmul %select_n3A_764, %get3A_1, %dot_general3A_765 {dimension_numbers = #tpu.dot_dimension_numbers<[1], [0], [0], [1], [0, 0, 1, 1], [], []>, precision = #tpu.contract_precision<fp32>, transpose_lhs_hint = false} : vector<64x1024xf32>, vector<1024x128xf32>, vector<64x128xf32> -> vector<64x128xf32>
    %dot_general3A_767 = arith.constant dense<0.000000e+00> : vector<64x128xf32>
    %dot_general3A_768 = tpu.matmul %select_n3A_764, %convert_element_type3A, %dot_general3A_767 {dimension_numbers = #tpu.dot_dimension_numbers<[1], [0], [0], [1], [0, 0, 1, 1], [], []>, precision = #tpu.contract_precision<fp32>, transpose_lhs_hint = false} : vector<64x1024xf32>, vector<1024x128xf32>, vector<64x128xf32> -> vector<64x128xf32>
    %eq3A_769 = arith.constant 1.400000e+01 : f32
    %eq3A_770 = vector.broadcast %eq3A_769 : f32 to vector<64x128xf32>
    %eq3A_771 = arith.cmpf oeq, %dot_general3A_768, %eq3A_770 : vector<64x128xf32>
    %jit3A_772 = arith.constant -3.40282347E+38 : f32
    %broadcast_in_dim3A_773 = vector.broadcast %jit3A_772 : f32 to vector<64x128xf32>
    %select_n3A_774 = arith.select %eq3A_771, %dot_general3A_766, %broadcast_in_dim3A_773 : vector<64x128xi1>, vector<64x128xf32>
    %mul3A_775 = arith.constant 128 : i32
    %mul3A_776 = vector.broadcast %mul3A_775 : i32 to vector<64x1xi32>
    %mul3A_777 = arith.muli %scan3A_420#35, %mul3A_776 : vector<64x1xi32>
    %add3A_778 = vector.broadcast %mul3A_777 : vector<64x1xi32> to vector<64x128xi32>
    %add3A_779 = vector.broadcast %iota3A_14 : vector<1x128xi32> to vector<64x128xi32>
    %add3A_780 = arith.addi %add3A_778, %add3A_779 : vector<64x128xi32>
    %eq3A_781 = vector.broadcast %scan3A_420#36 : vector<64x1xi32> to vector<64x1024xi32>
    %eq3A_782 = vector.broadcast %iota3A_15 : vector<1x1024xi32> to vector<64x1024xi32>
    %eq3A_783 = arith.cmpi eq, %eq3A_781, %eq3A_782 : vector<64x1024xi32>
    %jit3A_784 = arith.constant 1.000000e+00 : f32
    %jit3A_785 = arith.constant 0.000000e+00 : f32
    %broadcast_in_dim3A_786 = vector.broadcast %jit3A_784 : f32 to vector<64x1024xf32>
    %broadcast_in_dim3A_787 = vector.broadcast %jit3A_785 : f32 to vector<64x1024xf32>
    %select_n3A_788 = arith.select %eq3A_783, %broadcast_in_dim3A_786, %broadcast_in_dim3A_787 : vector<64x1024xi1>, vector<64x1024xf32>
    %dot_general3A_789 = arith.constant dense<0.000000e+00> : vector<64x128xf32>
    %dot_general3A_790 = tpu.matmul %select_n3A_788, %get3A_1, %dot_general3A_789 {dimension_numbers = #tpu.dot_dimension_numbers<[1], [0], [0], [1], [0, 0, 1, 1], [], []>, precision = #tpu.contract_precision<fp32>, transpose_lhs_hint = false} : vector<64x1024xf32>, vector<1024x128xf32>, vector<64x128xf32> -> vector<64x128xf32>
    %dot_general3A_791 = arith.constant dense<0.000000e+00> : vector<64x128xf32>
    %dot_general3A_792 = tpu.matmul %select_n3A_788, %convert_element_type3A, %dot_general3A_791 {dimension_numbers = #tpu.dot_dimension_numbers<[1], [0], [0], [1], [0, 0, 1, 1], [], []>, precision = #tpu.contract_precision<fp32>, transpose_lhs_hint = false} : vector<64x1024xf32>, vector<1024x128xf32>, vector<64x128xf32> -> vector<64x128xf32>
    %eq3A_793 = arith.constant 1.500000e+01 : f32
    %eq3A_794 = vector.broadcast %eq3A_793 : f32 to vector<64x128xf32>
    %eq3A_795 = arith.cmpf oeq, %dot_general3A_792, %eq3A_794 : vector<64x128xf32>
    %jit3A_796 = arith.constant -3.40282347E+38 : f32
    %broadcast_in_dim3A_797 = vector.broadcast %jit3A_796 : f32 to vector<64x128xf32>
    %select_n3A_798 = arith.select %eq3A_795, %dot_general3A_790, %broadcast_in_dim3A_797 : vector<64x128xi1>, vector<64x128xf32>
    %mul3A_799 = arith.constant 128 : i32
    %mul3A_800 = vector.broadcast %mul3A_799 : i32 to vector<64x1xi32>
    %mul3A_801 = arith.muli %scan3A_420#36, %mul3A_800 : vector<64x1xi32>
    %add3A_802 = vector.broadcast %mul3A_801 : vector<64x1xi32> to vector<64x128xi32>
    %add3A_803 = vector.broadcast %iota3A_14 : vector<1x128xi32> to vector<64x128xi32>
    %add3A_804 = arith.addi %add3A_802, %add3A_803 : vector<64x128xi32>
    %eq3A_805 = vector.broadcast %scan3A_420#37 : vector<64x1xi32> to vector<64x1024xi32>
    %eq3A_806 = vector.broadcast %iota3A_15 : vector<1x1024xi32> to vector<64x1024xi32>
    %eq3A_807 = arith.cmpi eq, %eq3A_805, %eq3A_806 : vector<64x1024xi32>
    %jit3A_808 = arith.constant 1.000000e+00 : f32
    %jit3A_809 = arith.constant 0.000000e+00 : f32
    %broadcast_in_dim3A_810 = vector.broadcast %jit3A_808 : f32 to vector<64x1024xf32>
    %broadcast_in_dim3A_811 = vector.broadcast %jit3A_809 : f32 to vector<64x1024xf32>
    %select_n3A_812 = arith.select %eq3A_807, %broadcast_in_dim3A_810, %broadcast_in_dim3A_811 : vector<64x1024xi1>, vector<64x1024xf32>
    %dot_general3A_813 = arith.constant dense<0.000000e+00> : vector<64x128xf32>
    %dot_general3A_814 = tpu.matmul %select_n3A_812, %get3A_1, %dot_general3A_813 {dimension_numbers = #tpu.dot_dimension_numbers<[1], [0], [0], [1], [0, 0, 1, 1], [], []>, precision = #tpu.contract_precision<fp32>, transpose_lhs_hint = false} : vector<64x1024xf32>, vector<1024x128xf32>, vector<64x128xf32> -> vector<64x128xf32>
    %dot_general3A_815 = arith.constant dense<0.000000e+00> : vector<64x128xf32>
    %dot_general3A_816 = tpu.matmul %select_n3A_812, %convert_element_type3A, %dot_general3A_815 {dimension_numbers = #tpu.dot_dimension_numbers<[1], [0], [0], [1], [0, 0, 1, 1], [], []>, precision = #tpu.contract_precision<fp32>, transpose_lhs_hint = false} : vector<64x1024xf32>, vector<1024x128xf32>, vector<64x128xf32> -> vector<64x128xf32>
    %eq3A_817 = arith.constant 1.600000e+01 : f32
    %eq3A_818 = vector.broadcast %eq3A_817 : f32 to vector<64x128xf32>
    %eq3A_819 = arith.cmpf oeq, %dot_general3A_816, %eq3A_818 : vector<64x128xf32>
    %jit3A_820 = arith.constant -3.40282347E+38 : f32
    %broadcast_in_dim3A_821 = vector.broadcast %jit3A_820 : f32 to vector<64x128xf32>
    %select_n3A_822 = arith.select %eq3A_819, %dot_general3A_814, %broadcast_in_dim3A_821 : vector<64x128xi1>, vector<64x128xf32>
    %mul3A_823 = arith.constant 128 : i32
    %mul3A_824 = vector.broadcast %mul3A_823 : i32 to vector<64x1xi32>
    %mul3A_825 = arith.muli %scan3A_420#37, %mul3A_824 : vector<64x1xi32>
    %add3A_826 = vector.broadcast %mul3A_825 : vector<64x1xi32> to vector<64x128xi32>
    %add3A_827 = vector.broadcast %iota3A_14 : vector<1x128xi32> to vector<64x128xi32>
    %add3A_828 = arith.addi %add3A_826, %add3A_827 : vector<64x128xi32>
    %eq3A_829 = vector.broadcast %scan3A_420#38 : vector<64x1xi32> to vector<64x1024xi32>
    %eq3A_830 = vector.broadcast %iota3A_15 : vector<1x1024xi32> to vector<64x1024xi32>
    %eq3A_831 = arith.cmpi eq, %eq3A_829, %eq3A_830 : vector<64x1024xi32>
    %jit3A_832 = arith.constant 1.000000e+00 : f32
    %jit3A_833 = arith.constant 0.000000e+00 : f32
    %broadcast_in_dim3A_834 = vector.broadcast %jit3A_832 : f32 to vector<64x1024xf32>
    %broadcast_in_dim3A_835 = vector.broadcast %jit3A_833 : f32 to vector<64x1024xf32>
    %select_n3A_836 = arith.select %eq3A_831, %broadcast_in_dim3A_834, %broadcast_in_dim3A_835 : vector<64x1024xi1>, vector<64x1024xf32>
    %dot_general3A_837 = arith.constant dense<0.000000e+00> : vector<64x128xf32>
    %dot_general3A_838 = tpu.matmul %select_n3A_836, %get3A_1, %dot_general3A_837 {dimension_numbers = #tpu.dot_dimension_numbers<[1], [0], [0], [1], [0, 0, 1, 1], [], []>, precision = #tpu.contract_precision<fp32>, transpose_lhs_hint = false} : vector<64x1024xf32>, vector<1024x128xf32>, vector<64x128xf32> -> vector<64x128xf32>
    %dot_general3A_839 = arith.constant dense<0.000000e+00> : vector<64x128xf32>
    %dot_general3A_840 = tpu.matmul %select_n3A_836, %convert_element_type3A, %dot_general3A_839 {dimension_numbers = #tpu.dot_dimension_numbers<[1], [0], [0], [1], [0, 0, 1, 1], [], []>, precision = #tpu.contract_precision<fp32>, transpose_lhs_hint = false} : vector<64x1024xf32>, vector<1024x128xf32>, vector<64x128xf32> -> vector<64x128xf32>
    %eq3A_841 = arith.constant 1.700000e+01 : f32
    %eq3A_842 = vector.broadcast %eq3A_841 : f32 to vector<64x128xf32>
    %eq3A_843 = arith.cmpf oeq, %dot_general3A_840, %eq3A_842 : vector<64x128xf32>
    %jit3A_844 = arith.constant -3.40282347E+38 : f32
    %broadcast_in_dim3A_845 = vector.broadcast %jit3A_844 : f32 to vector<64x128xf32>
    %select_n3A_846 = arith.select %eq3A_843, %dot_general3A_838, %broadcast_in_dim3A_845 : vector<64x128xi1>, vector<64x128xf32>
    %mul3A_847 = arith.constant 128 : i32
    %mul3A_848 = vector.broadcast %mul3A_847 : i32 to vector<64x1xi32>
    %mul3A_849 = arith.muli %scan3A_420#38, %mul3A_848 : vector<64x1xi32>
    %add3A_850 = vector.broadcast %mul3A_849 : vector<64x1xi32> to vector<64x128xi32>
    %add3A_851 = vector.broadcast %iota3A_14 : vector<1x128xi32> to vector<64x128xi32>
    %add3A_852 = arith.addi %add3A_850, %add3A_851 : vector<64x128xi32>
    %eq3A_853 = vector.broadcast %scan3A_420#39 : vector<64x1xi32> to vector<64x1024xi32>
    %eq3A_854 = vector.broadcast %iota3A_15 : vector<1x1024xi32> to vector<64x1024xi32>
    %eq3A_855 = arith.cmpi eq, %eq3A_853, %eq3A_854 : vector<64x1024xi32>
    %jit3A_856 = arith.constant 1.000000e+00 : f32
    %jit3A_857 = arith.constant 0.000000e+00 : f32
    %broadcast_in_dim3A_858 = vector.broadcast %jit3A_856 : f32 to vector<64x1024xf32>
    %broadcast_in_dim3A_859 = vector.broadcast %jit3A_857 : f32 to vector<64x1024xf32>
    %select_n3A_860 = arith.select %eq3A_855, %broadcast_in_dim3A_858, %broadcast_in_dim3A_859 : vector<64x1024xi1>, vector<64x1024xf32>
    %dot_general3A_861 = arith.constant dense<0.000000e+00> : vector<64x128xf32>
    %dot_general3A_862 = tpu.matmul %select_n3A_860, %get3A_1, %dot_general3A_861 {dimension_numbers = #tpu.dot_dimension_numbers<[1], [0], [0], [1], [0, 0, 1, 1], [], []>, precision = #tpu.contract_precision<fp32>, transpose_lhs_hint = false} : vector<64x1024xf32>, vector<1024x128xf32>, vector<64x128xf32> -> vector<64x128xf32>
    %dot_general3A_863 = arith.constant dense<0.000000e+00> : vector<64x128xf32>
    %dot_general3A_864 = tpu.matmul %select_n3A_860, %convert_element_type3A, %dot_general3A_863 {dimension_numbers = #tpu.dot_dimension_numbers<[1], [0], [0], [1], [0, 0, 1, 1], [], []>, precision = #tpu.contract_precision<fp32>, transpose_lhs_hint = false} : vector<64x1024xf32>, vector<1024x128xf32>, vector<64x128xf32> -> vector<64x128xf32>
    %eq3A_865 = arith.constant 1.800000e+01 : f32
    %eq3A_866 = vector.broadcast %eq3A_865 : f32 to vector<64x128xf32>
    %eq3A_867 = arith.cmpf oeq, %dot_general3A_864, %eq3A_866 : vector<64x128xf32>
    %jit3A_868 = arith.constant -3.40282347E+38 : f32
    %broadcast_in_dim3A_869 = vector.broadcast %jit3A_868 : f32 to vector<64x128xf32>
    %select_n3A_870 = arith.select %eq3A_867, %dot_general3A_862, %broadcast_in_dim3A_869 : vector<64x128xi1>, vector<64x128xf32>
    %mul3A_871 = arith.constant 128 : i32
    %mul3A_872 = vector.broadcast %mul3A_871 : i32 to vector<64x1xi32>
    %mul3A_873 = arith.muli %scan3A_420#39, %mul3A_872 : vector<64x1xi32>
    %add3A_874 = vector.broadcast %mul3A_873 : vector<64x1xi32> to vector<64x128xi32>
    %add3A_875 = vector.broadcast %iota3A_14 : vector<1x128xi32> to vector<64x128xi32>
    %add3A_876 = arith.addi %add3A_874, %add3A_875 : vector<64x128xi32>
    %eq3A_877 = vector.broadcast %scan3A_420#40 : vector<64x1xi32> to vector<64x1024xi32>
    %eq3A_878 = vector.broadcast %iota3A_15 : vector<1x1024xi32> to vector<64x1024xi32>
    %eq3A_879 = arith.cmpi eq, %eq3A_877, %eq3A_878 : vector<64x1024xi32>
    %jit3A_880 = arith.constant 1.000000e+00 : f32
    %jit3A_881 = arith.constant 0.000000e+00 : f32
    %broadcast_in_dim3A_882 = vector.broadcast %jit3A_880 : f32 to vector<64x1024xf32>
    %broadcast_in_dim3A_883 = vector.broadcast %jit3A_881 : f32 to vector<64x1024xf32>
    %select_n3A_884 = arith.select %eq3A_879, %broadcast_in_dim3A_882, %broadcast_in_dim3A_883 : vector<64x1024xi1>, vector<64x1024xf32>
    %dot_general3A_885 = arith.constant dense<0.000000e+00> : vector<64x128xf32>
    %dot_general3A_886 = tpu.matmul %select_n3A_884, %get3A_1, %dot_general3A_885 {dimension_numbers = #tpu.dot_dimension_numbers<[1], [0], [0], [1], [0, 0, 1, 1], [], []>, precision = #tpu.contract_precision<fp32>, transpose_lhs_hint = false} : vector<64x1024xf32>, vector<1024x128xf32>, vector<64x128xf32> -> vector<64x128xf32>
    %dot_general3A_887 = arith.constant dense<0.000000e+00> : vector<64x128xf32>
    %dot_general3A_888 = tpu.matmul %select_n3A_884, %convert_element_type3A, %dot_general3A_887 {dimension_numbers = #tpu.dot_dimension_numbers<[1], [0], [0], [1], [0, 0, 1, 1], [], []>, precision = #tpu.contract_precision<fp32>, transpose_lhs_hint = false} : vector<64x1024xf32>, vector<1024x128xf32>, vector<64x128xf32> -> vector<64x128xf32>
    %eq3A_889 = arith.constant 1.900000e+01 : f32
    %eq3A_890 = vector.broadcast %eq3A_889 : f32 to vector<64x128xf32>
    %eq3A_891 = arith.cmpf oeq, %dot_general3A_888, %eq3A_890 : vector<64x128xf32>
    %jit3A_892 = arith.constant -3.40282347E+38 : f32
    %broadcast_in_dim3A_893 = vector.broadcast %jit3A_892 : f32 to vector<64x128xf32>
    %select_n3A_894 = arith.select %eq3A_891, %dot_general3A_886, %broadcast_in_dim3A_893 : vector<64x128xi1>, vector<64x128xf32>
    %mul3A_895 = arith.constant 128 : i32
    %mul3A_896 = vector.broadcast %mul3A_895 : i32 to vector<64x1xi32>
    %mul3A_897 = arith.muli %scan3A_420#40, %mul3A_896 : vector<64x1xi32>
    %add3A_898 = vector.broadcast %mul3A_897 : vector<64x1xi32> to vector<64x128xi32>
    %add3A_899 = vector.broadcast %iota3A_14 : vector<1x128xi32> to vector<64x128xi32>
    %add3A_900 = arith.addi %add3A_898, %add3A_899 : vector<64x128xi32>
    %eq3A_901 = vector.broadcast %scan3A_420#41 : vector<64x1xi32> to vector<64x1024xi32>
    %eq3A_902 = vector.broadcast %iota3A_15 : vector<1x1024xi32> to vector<64x1024xi32>
    %eq3A_903 = arith.cmpi eq, %eq3A_901, %eq3A_902 : vector<64x1024xi32>
    %jit3A_904 = arith.constant 1.000000e+00 : f32
    %jit3A_905 = arith.constant 0.000000e+00 : f32
    %broadcast_in_dim3A_906 = vector.broadcast %jit3A_904 : f32 to vector<64x1024xf32>
    %broadcast_in_dim3A_907 = vector.broadcast %jit3A_905 : f32 to vector<64x1024xf32>
    %select_n3A_908 = arith.select %eq3A_903, %broadcast_in_dim3A_906, %broadcast_in_dim3A_907 : vector<64x1024xi1>, vector<64x1024xf32>
    %dot_general3A_909 = arith.constant dense<0.000000e+00> : vector<64x128xf32>
    %dot_general3A_910 = tpu.matmul %select_n3A_908, %get3A_1, %dot_general3A_909 {dimension_numbers = #tpu.dot_dimension_numbers<[1], [0], [0], [1], [0, 0, 1, 1], [], []>, precision = #tpu.contract_precision<fp32>, transpose_lhs_hint = false} : vector<64x1024xf32>, vector<1024x128xf32>, vector<64x128xf32> -> vector<64x128xf32>
    %dot_general3A_911 = arith.constant dense<0.000000e+00> : vector<64x128xf32>
    %dot_general3A_912 = tpu.matmul %select_n3A_908, %convert_element_type3A, %dot_general3A_911 {dimension_numbers = #tpu.dot_dimension_numbers<[1], [0], [0], [1], [0, 0, 1, 1], [], []>, precision = #tpu.contract_precision<fp32>, transpose_lhs_hint = false} : vector<64x1024xf32>, vector<1024x128xf32>, vector<64x128xf32> -> vector<64x128xf32>
    %eq3A_913 = arith.constant 2.000000e+01 : f32
    %eq3A_914 = vector.broadcast %eq3A_913 : f32 to vector<64x128xf32>
    %eq3A_915 = arith.cmpf oeq, %dot_general3A_912, %eq3A_914 : vector<64x128xf32>
    %jit3A_916 = arith.constant -3.40282347E+38 : f32
    %broadcast_in_dim3A_917 = vector.broadcast %jit3A_916 : f32 to vector<64x128xf32>
    %select_n3A_918 = arith.select %eq3A_915, %dot_general3A_910, %broadcast_in_dim3A_917 : vector<64x128xi1>, vector<64x128xf32>
    %mul3A_919 = arith.constant 128 : i32
    %mul3A_920 = vector.broadcast %mul3A_919 : i32 to vector<64x1xi32>
    %mul3A_921 = arith.muli %scan3A_420#41, %mul3A_920 : vector<64x1xi32>
    %add3A_922 = vector.broadcast %mul3A_921 : vector<64x1xi32> to vector<64x128xi32>
    %add3A_923 = vector.broadcast %iota3A_14 : vector<1x128xi32> to vector<64x128xi32>
    %add3A_924 = arith.addi %add3A_922, %add3A_923 : vector<64x128xi32>
    %scan3A_925 = arith.constant 131072 : i32
    %scan3A_926 = arith.constant 0 : i32
    %scan3A_927 = arith.constant 64 : i32
    %scan3A_928 = arith.addi %scan3A_926, %scan3A_927 : i32
    %scan3A_929 = arith.constant 1 : i32
    %scan3A_930:22 = scf.for %scan3A_934 = %scan3A_926 to %scan3A_928 step %scan3A_929 iter_args(%scan3A_935 = %select_n3A_438, %scan3A_936 = %select_n3A_462, %scan3A_937 = %select_n3A_486, %scan3A_938 = %select_n3A_510, %scan3A_939 = %select_n3A_534, %scan3A_940 = %select_n3A_558, %scan3A_941 = %select_n3A_582, %scan3A_942 = %select_n3A_606, %scan3A_943 = %select_n3A_630, %scan3A_944 = %select_n3A_654, %scan3A_945 = %select_n3A_678, %scan3A_946 = %select_n3A_702, %scan3A_947 = %select_n3A_726, %scan3A_948 = %select_n3A_750, %scan3A_949 = %select_n3A_774, %scan3A_950 = %select_n3A_798, %scan3A_951 = %select_n3A_822, %scan3A_952 = %select_n3A_846, %scan3A_953 = %select_n3A_870, %scan3A_954 = %select_n3A_894, %scan3A_955 = %select_n3A_918, %scan3A_956 = %add3A) -> (vector<64x128xf32>, vector<64x128xf32>, vector<64x128xf32>, vector<64x128xf32>, vector<64x128xf32>, vector<64x128xf32>, vector<64x128xf32>, vector<64x128xf32>, vector<64x128xf32>, vector<64x128xf32>, vector<64x128xf32>, vector<64x128xf32>, vector<64x128xf32>, vector<64x128xf32>, vector<64x128xf32>, vector<64x128xf32>, vector<64x128xf32>, vector<64x128xf32>, vector<64x128xf32>, vector<64x128xf32>, vector<64x128xf32>, vector<16x128xi32>)  : i32 {
      %reduce_max3A_957 = vector.shape_cast %scan3A_935 : vector<64x128xf32> to vector<1x64x128xf32>
      %reduce_max3A_958 = arith.constant dense<0xFF800000> : vector<1xf32>
      %reduce_max3A_959 = vector.multi_reduction <maximumf>, %reduce_max3A_957, %reduce_max3A_958 [1, 2] : vector<1x64x128xf32> to vector<1xf32>
      %reduce_max3A_960 = vector.shape_cast %reduce_max3A_959 : vector<1xf32> to vector<1x1x1xf32>
      %reduce_max3A_961 = vector.extract %reduce_max3A_960[0, 0, 0] : f32 from vector<1x1x1xf32>
      %eq3A_962 = vector.broadcast %reduce_max3A_961 : f32 to vector<64x128xf32>
      %eq3A_963 = arith.cmpf oeq, %scan3A_935, %eq3A_962 : vector<64x128xf32>
      %broadcast_in_dim3A_964 = vector.broadcast %scan3A_925 : i32 to vector<64x128xi32>
      %select_n3A_965 = arith.select %eq3A_963, %add3A_444, %broadcast_in_dim3A_964 : vector<64x128xi1>, vector<64x128xi32>
      %reduce_min3A_966 = vector.shape_cast %select_n3A_965 : vector<64x128xi32> to vector<1x64x128xi32>
      %reduce_min3A_967 = arith.constant dense<2147483647> : vector<1xi32>
      %reduce_min3A_968 = vector.multi_reduction <minsi>, %reduce_min3A_966, %reduce_min3A_967 [1, 2] : vector<1x64x128xi32> to vector<1xi32>
      %reduce_min3A_969 = vector.shape_cast %reduce_min3A_968 : vector<1xi32> to vector<1x1x1xi32>
      %reduce_min3A_970 = vector.extract %reduce_min3A_969[0, 0, 0] : i32 from vector<1x1x1xi32>
      %add3A_971 = arith.constant 0 : i32
      %add3A_972 = arith.addi %add3A_971, %scan3A_934 : i32
      %eq3A_973 = vector.broadcast %add3A_972 : i32 to vector<16x128xi32>
      %eq3A_974 = arith.cmpi eq, %add3A, %eq3A_973 : vector<16x128xi32>
      %broadcast_in_dim3A_975 = vector.broadcast %reduce_min3A_970 : i32 to vector<16x128xi32>
      %select_n3A_976 = arith.select %eq3A_974, %broadcast_in_dim3A_975, %scan3A_956 : vector<16x128xi1>, vector<16x128xi32>
      %eq3A_977 = vector.broadcast %reduce_min3A_970 : i32 to vector<64x128xi32>
      %eq3A_978 = arith.cmpi eq, %add3A_444, %eq3A_977 : vector<64x128xi32>
      %jit3A_979 = arith.constant -3.40282347E+38 : f32
      %broadcast_in_dim3A_980 = vector.broadcast %jit3A_979 : f32 to vector<64x128xf32>
      %select_n3A_981 = arith.select %eq3A_978, %broadcast_in_dim3A_980, %scan3A_935 : vector<64x128xi1>, vector<64x128xf32>
      %reduce_max3A_982 = vector.shape_cast %scan3A_936 : vector<64x128xf32> to vector<1x64x128xf32>
      %reduce_max3A_983 = arith.constant dense<0xFF800000> : vector<1xf32>
      %reduce_max3A_984 = vector.multi_reduction <maximumf>, %reduce_max3A_982, %reduce_max3A_983 [1, 2] : vector<1x64x128xf32> to vector<1xf32>
      %reduce_max3A_985 = vector.shape_cast %reduce_max3A_984 : vector<1xf32> to vector<1x1x1xf32>
      %reduce_max3A_986 = vector.extract %reduce_max3A_985[0, 0, 0] : f32 from vector<1x1x1xf32>
      %eq3A_987 = vector.broadcast %reduce_max3A_986 : f32 to vector<64x128xf32>
      %eq3A_988 = arith.cmpf oeq, %scan3A_936, %eq3A_987 : vector<64x128xf32>
      %broadcast_in_dim3A_989 = vector.broadcast %scan3A_925 : i32 to vector<64x128xi32>
      %select_n3A_990 = arith.select %eq3A_988, %add3A_468, %broadcast_in_dim3A_989 : vector<64x128xi1>, vector<64x128xi32>
      %reduce_min3A_991 = vector.shape_cast %select_n3A_990 : vector<64x128xi32> to vector<1x64x128xi32>
      %reduce_min3A_992 = arith.constant dense<2147483647> : vector<1xi32>
      %reduce_min3A_993 = vector.multi_reduction <minsi>, %reduce_min3A_991, %reduce_min3A_992 [1, 2] : vector<1x64x128xi32> to vector<1xi32>
      %reduce_min3A_994 = vector.shape_cast %reduce_min3A_993 : vector<1xi32> to vector<1x1x1xi32>
      %reduce_min3A_995 = vector.extract %reduce_min3A_994[0, 0, 0] : i32 from vector<1x1x1xi32>
      %add3A_996 = arith.constant 64 : i32
      %add3A_997 = arith.addi %add3A_996, %scan3A_934 : i32
      %eq3A_998 = vector.broadcast %add3A_997 : i32 to vector<16x128xi32>
      %eq3A_999 = arith.cmpi eq, %add3A, %eq3A_998 : vector<16x128xi32>
      %broadcast_in_dim3A_1000 = vector.broadcast %reduce_min3A_995 : i32 to vector<16x128xi32>
      %select_n3A_1001 = arith.select %eq3A_999, %broadcast_in_dim3A_1000, %select_n3A_976 : vector<16x128xi1>, vector<16x128xi32>
      %eq3A_1002 = vector.broadcast %reduce_min3A_995 : i32 to vector<64x128xi32>
      %eq3A_1003 = arith.cmpi eq, %add3A_468, %eq3A_1002 : vector<64x128xi32>
      %jit3A_1004 = arith.constant -3.40282347E+38 : f32
      %broadcast_in_dim3A_1005 = vector.broadcast %jit3A_1004 : f32 to vector<64x128xf32>
      %select_n3A_1006 = arith.select %eq3A_1003, %broadcast_in_dim3A_1005, %scan3A_936 : vector<64x128xi1>, vector<64x128xf32>
      %reduce_max3A_1007 = vector.shape_cast %scan3A_937 : vector<64x128xf32> to vector<1x64x128xf32>
      %reduce_max3A_1008 = arith.constant dense<0xFF800000> : vector<1xf32>
      %reduce_max3A_1009 = vector.multi_reduction <maximumf>, %reduce_max3A_1007, %reduce_max3A_1008 [1, 2] : vector<1x64x128xf32> to vector<1xf32>
      %reduce_max3A_1010 = vector.shape_cast %reduce_max3A_1009 : vector<1xf32> to vector<1x1x1xf32>
      %reduce_max3A_1011 = vector.extract %reduce_max3A_1010[0, 0, 0] : f32 from vector<1x1x1xf32>
      %eq3A_1012 = vector.broadcast %reduce_max3A_1011 : f32 to vector<64x128xf32>
      %eq3A_1013 = arith.cmpf oeq, %scan3A_937, %eq3A_1012 : vector<64x128xf32>
      %broadcast_in_dim3A_1014 = vector.broadcast %scan3A_925 : i32 to vector<64x128xi32>
      %select_n3A_1015 = arith.select %eq3A_1013, %add3A_492, %broadcast_in_dim3A_1014 : vector<64x128xi1>, vector<64x128xi32>
      %reduce_min3A_1016 = vector.shape_cast %select_n3A_1015 : vector<64x128xi32> to vector<1x64x128xi32>
      %reduce_min3A_1017 = arith.constant dense<2147483647> : vector<1xi32>
      %reduce_min3A_1018 = vector.multi_reduction <minsi>, %reduce_min3A_1016, %reduce_min3A_1017 [1, 2] : vector<1x64x128xi32> to vector<1xi32>
      %reduce_min3A_1019 = vector.shape_cast %reduce_min3A_1018 : vector<1xi32> to vector<1x1x1xi32>
      %reduce_min3A_1020 = vector.extract %reduce_min3A_1019[0, 0, 0] : i32 from vector<1x1x1xi32>
      %add3A_1021 = arith.constant 128 : i32
      %add3A_1022 = arith.addi %add3A_1021, %scan3A_934 : i32
      %eq3A_1023 = vector.broadcast %add3A_1022 : i32 to vector<16x128xi32>
      %eq3A_1024 = arith.cmpi eq, %add3A, %eq3A_1023 : vector<16x128xi32>
      %broadcast_in_dim3A_1025 = vector.broadcast %reduce_min3A_1020 : i32 to vector<16x128xi32>
      %select_n3A_1026 = arith.select %eq3A_1024, %broadcast_in_dim3A_1025, %select_n3A_1001 : vector<16x128xi1>, vector<16x128xi32>
      %eq3A_1027 = vector.broadcast %reduce_min3A_1020 : i32 to vector<64x128xi32>
      %eq3A_1028 = arith.cmpi eq, %add3A_492, %eq3A_1027 : vector<64x128xi32>
      %jit3A_1029 = arith.constant -3.40282347E+38 : f32
      %broadcast_in_dim3A_1030 = vector.broadcast %jit3A_1029 : f32 to vector<64x128xf32>
      %select_n3A_1031 = arith.select %eq3A_1028, %broadcast_in_dim3A_1030, %scan3A_937 : vector<64x128xi1>, vector<64x128xf32>
      %reduce_max3A_1032 = vector.shape_cast %scan3A_938 : vector<64x128xf32> to vector<1x64x128xf32>
      %reduce_max3A_1033 = arith.constant dense<0xFF800000> : vector<1xf32>
      %reduce_max3A_1034 = vector.multi_reduction <maximumf>, %reduce_max3A_1032, %reduce_max3A_1033 [1, 2] : vector<1x64x128xf32> to vector<1xf32>
      %reduce_max3A_1035 = vector.shape_cast %reduce_max3A_1034 : vector<1xf32> to vector<1x1x1xf32>
      %reduce_max3A_1036 = vector.extract %reduce_max3A_1035[0, 0, 0] : f32 from vector<1x1x1xf32>
      %eq3A_1037 = vector.broadcast %reduce_max3A_1036 : f32 to vector<64x128xf32>
      %eq3A_1038 = arith.cmpf oeq, %scan3A_938, %eq3A_1037 : vector<64x128xf32>
      %broadcast_in_dim3A_1039 = vector.broadcast %scan3A_925 : i32 to vector<64x128xi32>
      %select_n3A_1040 = arith.select %eq3A_1038, %add3A_516, %broadcast_in_dim3A_1039 : vector<64x128xi1>, vector<64x128xi32>
      %reduce_min3A_1041 = vector.shape_cast %select_n3A_1040 : vector<64x128xi32> to vector<1x64x128xi32>
      %reduce_min3A_1042 = arith.constant dense<2147483647> : vector<1xi32>
      %reduce_min3A_1043 = vector.multi_reduction <minsi>, %reduce_min3A_1041, %reduce_min3A_1042 [1, 2] : vector<1x64x128xi32> to vector<1xi32>
      %reduce_min3A_1044 = vector.shape_cast %reduce_min3A_1043 : vector<1xi32> to vector<1x1x1xi32>
      %reduce_min3A_1045 = vector.extract %reduce_min3A_1044[0, 0, 0] : i32 from vector<1x1x1xi32>
      %add3A_1046 = arith.constant 192 : i32
      %add3A_1047 = arith.addi %add3A_1046, %scan3A_934 : i32
      %eq3A_1048 = vector.broadcast %add3A_1047 : i32 to vector<16x128xi32>
      %eq3A_1049 = arith.cmpi eq, %add3A, %eq3A_1048 : vector<16x128xi32>
      %broadcast_in_dim3A_1050 = vector.broadcast %reduce_min3A_1045 : i32 to vector<16x128xi32>
      %select_n3A_1051 = arith.select %eq3A_1049, %broadcast_in_dim3A_1050, %select_n3A_1026 : vector<16x128xi1>, vector<16x128xi32>
      %eq3A_1052 = vector.broadcast %reduce_min3A_1045 : i32 to vector<64x128xi32>
      %eq3A_1053 = arith.cmpi eq, %add3A_516, %eq3A_1052 : vector<64x128xi32>
      %jit3A_1054 = arith.constant -3.40282347E+38 : f32
      %broadcast_in_dim3A_1055 = vector.broadcast %jit3A_1054 : f32 to vector<64x128xf32>
      %select_n3A_1056 = arith.select %eq3A_1053, %broadcast_in_dim3A_1055, %scan3A_938 : vector<64x128xi1>, vector<64x128xf32>
      %reduce_max3A_1057 = vector.shape_cast %scan3A_939 : vector<64x128xf32> to vector<1x64x128xf32>
      %reduce_max3A_1058 = arith.constant dense<0xFF800000> : vector<1xf32>
      %reduce_max3A_1059 = vector.multi_reduction <maximumf>, %reduce_max3A_1057, %reduce_max3A_1058 [1, 2] : vector<1x64x128xf32> to vector<1xf32>
      %reduce_max3A_1060 = vector.shape_cast %reduce_max3A_1059 : vector<1xf32> to vector<1x1x1xf32>
      %reduce_max3A_1061 = vector.extract %reduce_max3A_1060[0, 0, 0] : f32 from vector<1x1x1xf32>
      %eq3A_1062 = vector.broadcast %reduce_max3A_1061 : f32 to vector<64x128xf32>
      %eq3A_1063 = arith.cmpf oeq, %scan3A_939, %eq3A_1062 : vector<64x128xf32>
      %broadcast_in_dim3A_1064 = vector.broadcast %scan3A_925 : i32 to vector<64x128xi32>
      %select_n3A_1065 = arith.select %eq3A_1063, %add3A_540, %broadcast_in_dim3A_1064 : vector<64x128xi1>, vector<64x128xi32>
      %reduce_min3A_1066 = vector.shape_cast %select_n3A_1065 : vector<64x128xi32> to vector<1x64x128xi32>
      %reduce_min3A_1067 = arith.constant dense<2147483647> : vector<1xi32>
      %reduce_min3A_1068 = vector.multi_reduction <minsi>, %reduce_min3A_1066, %reduce_min3A_1067 [1, 2] : vector<1x64x128xi32> to vector<1xi32>
      %reduce_min3A_1069 = vector.shape_cast %reduce_min3A_1068 : vector<1xi32> to vector<1x1x1xi32>
      %reduce_min3A_1070 = vector.extract %reduce_min3A_1069[0, 0, 0] : i32 from vector<1x1x1xi32>
      %add3A_1071 = arith.constant 256 : i32
      %add3A_1072 = arith.addi %add3A_1071, %scan3A_934 : i32
      %eq3A_1073 = vector.broadcast %add3A_1072 : i32 to vector<16x128xi32>
      %eq3A_1074 = arith.cmpi eq, %add3A, %eq3A_1073 : vector<16x128xi32>
      %broadcast_in_dim3A_1075 = vector.broadcast %reduce_min3A_1070 : i32 to vector<16x128xi32>
      %select_n3A_1076 = arith.select %eq3A_1074, %broadcast_in_dim3A_1075, %select_n3A_1051 : vector<16x128xi1>, vector<16x128xi32>
      %eq3A_1077 = vector.broadcast %reduce_min3A_1070 : i32 to vector<64x128xi32>
      %eq3A_1078 = arith.cmpi eq, %add3A_540, %eq3A_1077 : vector<64x128xi32>
      %jit3A_1079 = arith.constant -3.40282347E+38 : f32
      %broadcast_in_dim3A_1080 = vector.broadcast %jit3A_1079 : f32 to vector<64x128xf32>
      %select_n3A_1081 = arith.select %eq3A_1078, %broadcast_in_dim3A_1080, %scan3A_939 : vector<64x128xi1>, vector<64x128xf32>
      %reduce_max3A_1082 = vector.shape_cast %scan3A_940 : vector<64x128xf32> to vector<1x64x128xf32>
      %reduce_max3A_1083 = arith.constant dense<0xFF800000> : vector<1xf32>
      %reduce_max3A_1084 = vector.multi_reduction <maximumf>, %reduce_max3A_1082, %reduce_max3A_1083 [1, 2] : vector<1x64x128xf32> to vector<1xf32>
      %reduce_max3A_1085 = vector.shape_cast %reduce_max3A_1084 : vector<1xf32> to vector<1x1x1xf32>
      %reduce_max3A_1086 = vector.extract %reduce_max3A_1085[0, 0, 0] : f32 from vector<1x1x1xf32>
      %eq3A_1087 = vector.broadcast %reduce_max3A_1086 : f32 to vector<64x128xf32>
      %eq3A_1088 = arith.cmpf oeq, %scan3A_940, %eq3A_1087 : vector<64x128xf32>
      %broadcast_in_dim3A_1089 = vector.broadcast %scan3A_925 : i32 to vector<64x128xi32>
      %select_n3A_1090 = arith.select %eq3A_1088, %add3A_564, %broadcast_in_dim3A_1089 : vector<64x128xi1>, vector<64x128xi32>
      %reduce_min3A_1091 = vector.shape_cast %select_n3A_1090 : vector<64x128xi32> to vector<1x64x128xi32>
      %reduce_min3A_1092 = arith.constant dense<2147483647> : vector<1xi32>
      %reduce_min3A_1093 = vector.multi_reduction <minsi>, %reduce_min3A_1091, %reduce_min3A_1092 [1, 2] : vector<1x64x128xi32> to vector<1xi32>
      %reduce_min3A_1094 = vector.shape_cast %reduce_min3A_1093 : vector<1xi32> to vector<1x1x1xi32>
      %reduce_min3A_1095 = vector.extract %reduce_min3A_1094[0, 0, 0] : i32 from vector<1x1x1xi32>
      %add3A_1096 = arith.constant 320 : i32
      %add3A_1097 = arith.addi %add3A_1096, %scan3A_934 : i32
      %eq3A_1098 = vector.broadcast %add3A_1097 : i32 to vector<16x128xi32>
      %eq3A_1099 = arith.cmpi eq, %add3A, %eq3A_1098 : vector<16x128xi32>
      %broadcast_in_dim3A_1100 = vector.broadcast %reduce_min3A_1095 : i32 to vector<16x128xi32>
      %select_n3A_1101 = arith.select %eq3A_1099, %broadcast_in_dim3A_1100, %select_n3A_1076 : vector<16x128xi1>, vector<16x128xi32>
      %eq3A_1102 = vector.broadcast %reduce_min3A_1095 : i32 to vector<64x128xi32>
      %eq3A_1103 = arith.cmpi eq, %add3A_564, %eq3A_1102 : vector<64x128xi32>
      %jit3A_1104 = arith.constant -3.40282347E+38 : f32
      %broadcast_in_dim3A_1105 = vector.broadcast %jit3A_1104 : f32 to vector<64x128xf32>
      %select_n3A_1106 = arith.select %eq3A_1103, %broadcast_in_dim3A_1105, %scan3A_940 : vector<64x128xi1>, vector<64x128xf32>
      %reduce_max3A_1107 = vector.shape_cast %scan3A_941 : vector<64x128xf32> to vector<1x64x128xf32>
      %reduce_max3A_1108 = arith.constant dense<0xFF800000> : vector<1xf32>
      %reduce_max3A_1109 = vector.multi_reduction <maximumf>, %reduce_max3A_1107, %reduce_max3A_1108 [1, 2] : vector<1x64x128xf32> to vector<1xf32>
      %reduce_max3A_1110 = vector.shape_cast %reduce_max3A_1109 : vector<1xf32> to vector<1x1x1xf32>
      %reduce_max3A_1111 = vector.extract %reduce_max3A_1110[0, 0, 0] : f32 from vector<1x1x1xf32>
      %eq3A_1112 = vector.broadcast %reduce_max3A_1111 : f32 to vector<64x128xf32>
      %eq3A_1113 = arith.cmpf oeq, %scan3A_941, %eq3A_1112 : vector<64x128xf32>
      %broadcast_in_dim3A_1114 = vector.broadcast %scan3A_925 : i32 to vector<64x128xi32>
      %select_n3A_1115 = arith.select %eq3A_1113, %add3A_588, %broadcast_in_dim3A_1114 : vector<64x128xi1>, vector<64x128xi32>
      %reduce_min3A_1116 = vector.shape_cast %select_n3A_1115 : vector<64x128xi32> to vector<1x64x128xi32>
      %reduce_min3A_1117 = arith.constant dense<2147483647> : vector<1xi32>
      %reduce_min3A_1118 = vector.multi_reduction <minsi>, %reduce_min3A_1116, %reduce_min3A_1117 [1, 2] : vector<1x64x128xi32> to vector<1xi32>
      %reduce_min3A_1119 = vector.shape_cast %reduce_min3A_1118 : vector<1xi32> to vector<1x1x1xi32>
      %reduce_min3A_1120 = vector.extract %reduce_min3A_1119[0, 0, 0] : i32 from vector<1x1x1xi32>
      %add3A_1121 = arith.constant 384 : i32
      %add3A_1122 = arith.addi %add3A_1121, %scan3A_934 : i32
      %eq3A_1123 = vector.broadcast %add3A_1122 : i32 to vector<16x128xi32>
      %eq3A_1124 = arith.cmpi eq, %add3A, %eq3A_1123 : vector<16x128xi32>
      %broadcast_in_dim3A_1125 = vector.broadcast %reduce_min3A_1120 : i32 to vector<16x128xi32>
      %select_n3A_1126 = arith.select %eq3A_1124, %broadcast_in_dim3A_1125, %select_n3A_1101 : vector<16x128xi1>, vector<16x128xi32>
      %eq3A_1127 = vector.broadcast %reduce_min3A_1120 : i32 to vector<64x128xi32>
      %eq3A_1128 = arith.cmpi eq, %add3A_588, %eq3A_1127 : vector<64x128xi32>
      %jit3A_1129 = arith.constant -3.40282347E+38 : f32
      %broadcast_in_dim3A_1130 = vector.broadcast %jit3A_1129 : f32 to vector<64x128xf32>
      %select_n3A_1131 = arith.select %eq3A_1128, %broadcast_in_dim3A_1130, %scan3A_941 : vector<64x128xi1>, vector<64x128xf32>
      %reduce_max3A_1132 = vector.shape_cast %scan3A_942 : vector<64x128xf32> to vector<1x64x128xf32>
      %reduce_max3A_1133 = arith.constant dense<0xFF800000> : vector<1xf32>
      %reduce_max3A_1134 = vector.multi_reduction <maximumf>, %reduce_max3A_1132, %reduce_max3A_1133 [1, 2] : vector<1x64x128xf32> to vector<1xf32>
      %reduce_max3A_1135 = vector.shape_cast %reduce_max3A_1134 : vector<1xf32> to vector<1x1x1xf32>
      %reduce_max3A_1136 = vector.extract %reduce_max3A_1135[0, 0, 0] : f32 from vector<1x1x1xf32>
      %eq3A_1137 = vector.broadcast %reduce_max3A_1136 : f32 to vector<64x128xf32>
      %eq3A_1138 = arith.cmpf oeq, %scan3A_942, %eq3A_1137 : vector<64x128xf32>
      %broadcast_in_dim3A_1139 = vector.broadcast %scan3A_925 : i32 to vector<64x128xi32>
      %select_n3A_1140 = arith.select %eq3A_1138, %add3A_612, %broadcast_in_dim3A_1139 : vector<64x128xi1>, vector<64x128xi32>
      %reduce_min3A_1141 = vector.shape_cast %select_n3A_1140 : vector<64x128xi32> to vector<1x64x128xi32>
      %reduce_min3A_1142 = arith.constant dense<2147483647> : vector<1xi32>
      %reduce_min3A_1143 = vector.multi_reduction <minsi>, %reduce_min3A_1141, %reduce_min3A_1142 [1, 2] : vector<1x64x128xi32> to vector<1xi32>
      %reduce_min3A_1144 = vector.shape_cast %reduce_min3A_1143 : vector<1xi32> to vector<1x1x1xi32>
      %reduce_min3A_1145 = vector.extract %reduce_min3A_1144[0, 0, 0] : i32 from vector<1x1x1xi32>
      %add3A_1146 = arith.constant 448 : i32
      %add3A_1147 = arith.addi %add3A_1146, %scan3A_934 : i32
      %eq3A_1148 = vector.broadcast %add3A_1147 : i32 to vector<16x128xi32>
      %eq3A_1149 = arith.cmpi eq, %add3A, %eq3A_1148 : vector<16x128xi32>
      %broadcast_in_dim3A_1150 = vector.broadcast %reduce_min3A_1145 : i32 to vector<16x128xi32>
      %select_n3A_1151 = arith.select %eq3A_1149, %broadcast_in_dim3A_1150, %select_n3A_1126 : vector<16x128xi1>, vector<16x128xi32>
      %eq3A_1152 = vector.broadcast %reduce_min3A_1145 : i32 to vector<64x128xi32>
      %eq3A_1153 = arith.cmpi eq, %add3A_612, %eq3A_1152 : vector<64x128xi32>
      %jit3A_1154 = arith.constant -3.40282347E+38 : f32
      %broadcast_in_dim3A_1155 = vector.broadcast %jit3A_1154 : f32 to vector<64x128xf32>
      %select_n3A_1156 = arith.select %eq3A_1153, %broadcast_in_dim3A_1155, %scan3A_942 : vector<64x128xi1>, vector<64x128xf32>
      %reduce_max3A_1157 = vector.shape_cast %scan3A_943 : vector<64x128xf32> to vector<1x64x128xf32>
      %reduce_max3A_1158 = arith.constant dense<0xFF800000> : vector<1xf32>
      %reduce_max3A_1159 = vector.multi_reduction <maximumf>, %reduce_max3A_1157, %reduce_max3A_1158 [1, 2] : vector<1x64x128xf32> to vector<1xf32>
      %reduce_max3A_1160 = vector.shape_cast %reduce_max3A_1159 : vector<1xf32> to vector<1x1x1xf32>
      %reduce_max3A_1161 = vector.extract %reduce_max3A_1160[0, 0, 0] : f32 from vector<1x1x1xf32>
      %eq3A_1162 = vector.broadcast %reduce_max3A_1161 : f32 to vector<64x128xf32>
      %eq3A_1163 = arith.cmpf oeq, %scan3A_943, %eq3A_1162 : vector<64x128xf32>
      %broadcast_in_dim3A_1164 = vector.broadcast %scan3A_925 : i32 to vector<64x128xi32>
      %select_n3A_1165 = arith.select %eq3A_1163, %add3A_636, %broadcast_in_dim3A_1164 : vector<64x128xi1>, vector<64x128xi32>
      %reduce_min3A_1166 = vector.shape_cast %select_n3A_1165 : vector<64x128xi32> to vector<1x64x128xi32>
      %reduce_min3A_1167 = arith.constant dense<2147483647> : vector<1xi32>
      %reduce_min3A_1168 = vector.multi_reduction <minsi>, %reduce_min3A_1166, %reduce_min3A_1167 [1, 2] : vector<1x64x128xi32> to vector<1xi32>
      %reduce_min3A_1169 = vector.shape_cast %reduce_min3A_1168 : vector<1xi32> to vector<1x1x1xi32>
      %reduce_min3A_1170 = vector.extract %reduce_min3A_1169[0, 0, 0] : i32 from vector<1x1x1xi32>
      %add3A_1171 = arith.constant 512 : i32
      %add3A_1172 = arith.addi %add3A_1171, %scan3A_934 : i32
      %eq3A_1173 = vector.broadcast %add3A_1172 : i32 to vector<16x128xi32>
      %eq3A_1174 = arith.cmpi eq, %add3A, %eq3A_1173 : vector<16x128xi32>
      %broadcast_in_dim3A_1175 = vector.broadcast %reduce_min3A_1170 : i32 to vector<16x128xi32>
      %select_n3A_1176 = arith.select %eq3A_1174, %broadcast_in_dim3A_1175, %select_n3A_1151 : vector<16x128xi1>, vector<16x128xi32>
      %eq3A_1177 = vector.broadcast %reduce_min3A_1170 : i32 to vector<64x128xi32>
      %eq3A_1178 = arith.cmpi eq, %add3A_636, %eq3A_1177 : vector<64x128xi32>
      %jit3A_1179 = arith.constant -3.40282347E+38 : f32
      %broadcast_in_dim3A_1180 = vector.broadcast %jit3A_1179 : f32 to vector<64x128xf32>
      %select_n3A_1181 = arith.select %eq3A_1178, %broadcast_in_dim3A_1180, %scan3A_943 : vector<64x128xi1>, vector<64x128xf32>
      %reduce_max3A_1182 = vector.shape_cast %scan3A_944 : vector<64x128xf32> to vector<1x64x128xf32>
      %reduce_max3A_1183 = arith.constant dense<0xFF800000> : vector<1xf32>
      %reduce_max3A_1184 = vector.multi_reduction <maximumf>, %reduce_max3A_1182, %reduce_max3A_1183 [1, 2] : vector<1x64x128xf32> to vector<1xf32>
      %reduce_max3A_1185 = vector.shape_cast %reduce_max3A_1184 : vector<1xf32> to vector<1x1x1xf32>
      %reduce_max3A_1186 = vector.extract %reduce_max3A_1185[0, 0, 0] : f32 from vector<1x1x1xf32>
      %eq3A_1187 = vector.broadcast %reduce_max3A_1186 : f32 to vector<64x128xf32>
      %eq3A_1188 = arith.cmpf oeq, %scan3A_944, %eq3A_1187 : vector<64x128xf32>
      %broadcast_in_dim3A_1189 = vector.broadcast %scan3A_925 : i32 to vector<64x128xi32>
      %select_n3A_1190 = arith.select %eq3A_1188, %add3A_660, %broadcast_in_dim3A_1189 : vector<64x128xi1>, vector<64x128xi32>
      %reduce_min3A_1191 = vector.shape_cast %select_n3A_1190 : vector<64x128xi32> to vector<1x64x128xi32>
      %reduce_min3A_1192 = arith.constant dense<2147483647> : vector<1xi32>
      %reduce_min3A_1193 = vector.multi_reduction <minsi>, %reduce_min3A_1191, %reduce_min3A_1192 [1, 2] : vector<1x64x128xi32> to vector<1xi32>
      %reduce_min3A_1194 = vector.shape_cast %reduce_min3A_1193 : vector<1xi32> to vector<1x1x1xi32>
      %reduce_min3A_1195 = vector.extract %reduce_min3A_1194[0, 0, 0] : i32 from vector<1x1x1xi32>
      %add3A_1196 = arith.constant 576 : i32
      %add3A_1197 = arith.addi %add3A_1196, %scan3A_934 : i32
      %eq3A_1198 = vector.broadcast %add3A_1197 : i32 to vector<16x128xi32>
      %eq3A_1199 = arith.cmpi eq, %add3A, %eq3A_1198 : vector<16x128xi32>
      %broadcast_in_dim3A_1200 = vector.broadcast %reduce_min3A_1195 : i32 to vector<16x128xi32>
      %select_n3A_1201 = arith.select %eq3A_1199, %broadcast_in_dim3A_1200, %select_n3A_1176 : vector<16x128xi1>, vector<16x128xi32>
      %eq3A_1202 = vector.broadcast %reduce_min3A_1195 : i32 to vector<64x128xi32>
      %eq3A_1203 = arith.cmpi eq, %add3A_660, %eq3A_1202 : vector<64x128xi32>
      %jit3A_1204 = arith.constant -3.40282347E+38 : f32
      %broadcast_in_dim3A_1205 = vector.broadcast %jit3A_1204 : f32 to vector<64x128xf32>
      %select_n3A_1206 = arith.select %eq3A_1203, %broadcast_in_dim3A_1205, %scan3A_944 : vector<64x128xi1>, vector<64x128xf32>
      %reduce_max3A_1207 = vector.shape_cast %scan3A_945 : vector<64x128xf32> to vector<1x64x128xf32>
      %reduce_max3A_1208 = arith.constant dense<0xFF800000> : vector<1xf32>
      %reduce_max3A_1209 = vector.multi_reduction <maximumf>, %reduce_max3A_1207, %reduce_max3A_1208 [1, 2] : vector<1x64x128xf32> to vector<1xf32>
      %reduce_max3A_1210 = vector.shape_cast %reduce_max3A_1209 : vector<1xf32> to vector<1x1x1xf32>
      %reduce_max3A_1211 = vector.extract %reduce_max3A_1210[0, 0, 0] : f32 from vector<1x1x1xf32>
      %eq3A_1212 = vector.broadcast %reduce_max3A_1211 : f32 to vector<64x128xf32>
      %eq3A_1213 = arith.cmpf oeq, %scan3A_945, %eq3A_1212 : vector<64x128xf32>
      %broadcast_in_dim3A_1214 = vector.broadcast %scan3A_925 : i32 to vector<64x128xi32>
      %select_n3A_1215 = arith.select %eq3A_1213, %add3A_684, %broadcast_in_dim3A_1214 : vector<64x128xi1>, vector<64x128xi32>
      %reduce_min3A_1216 = vector.shape_cast %select_n3A_1215 : vector<64x128xi32> to vector<1x64x128xi32>
      %reduce_min3A_1217 = arith.constant dense<2147483647> : vector<1xi32>
      %reduce_min3A_1218 = vector.multi_reduction <minsi>, %reduce_min3A_1216, %reduce_min3A_1217 [1, 2] : vector<1x64x128xi32> to vector<1xi32>
      %reduce_min3A_1219 = vector.shape_cast %reduce_min3A_1218 : vector<1xi32> to vector<1x1x1xi32>
      %reduce_min3A_1220 = vector.extract %reduce_min3A_1219[0, 0, 0] : i32 from vector<1x1x1xi32>
      %add3A_1221 = arith.constant 640 : i32
      %add3A_1222 = arith.addi %add3A_1221, %scan3A_934 : i32
      %eq3A_1223 = vector.broadcast %add3A_1222 : i32 to vector<16x128xi32>
      %eq3A_1224 = arith.cmpi eq, %add3A, %eq3A_1223 : vector<16x128xi32>
      %broadcast_in_dim3A_1225 = vector.broadcast %reduce_min3A_1220 : i32 to vector<16x128xi32>
      %select_n3A_1226 = arith.select %eq3A_1224, %broadcast_in_dim3A_1225, %select_n3A_1201 : vector<16x128xi1>, vector<16x128xi32>
      %eq3A_1227 = vector.broadcast %reduce_min3A_1220 : i32 to vector<64x128xi32>
      %eq3A_1228 = arith.cmpi eq, %add3A_684, %eq3A_1227 : vector<64x128xi32>
      %jit3A_1229 = arith.constant -3.40282347E+38 : f32
      %broadcast_in_dim3A_1230 = vector.broadcast %jit3A_1229 : f32 to vector<64x128xf32>
      %select_n3A_1231 = arith.select %eq3A_1228, %broadcast_in_dim3A_1230, %scan3A_945 : vector<64x128xi1>, vector<64x128xf32>
      %reduce_max3A_1232 = vector.shape_cast %scan3A_946 : vector<64x128xf32> to vector<1x64x128xf32>
      %reduce_max3A_1233 = arith.constant dense<0xFF800000> : vector<1xf32>
      %reduce_max3A_1234 = vector.multi_reduction <maximumf>, %reduce_max3A_1232, %reduce_max3A_1233 [1, 2] : vector<1x64x128xf32> to vector<1xf32>
      %reduce_max3A_1235 = vector.shape_cast %reduce_max3A_1234 : vector<1xf32> to vector<1x1x1xf32>
      %reduce_max3A_1236 = vector.extract %reduce_max3A_1235[0, 0, 0] : f32 from vector<1x1x1xf32>
      %eq3A_1237 = vector.broadcast %reduce_max3A_1236 : f32 to vector<64x128xf32>
      %eq3A_1238 = arith.cmpf oeq, %scan3A_946, %eq3A_1237 : vector<64x128xf32>
      %broadcast_in_dim3A_1239 = vector.broadcast %scan3A_925 : i32 to vector<64x128xi32>
      %select_n3A_1240 = arith.select %eq3A_1238, %add3A_708, %broadcast_in_dim3A_1239 : vector<64x128xi1>, vector<64x128xi32>
      %reduce_min3A_1241 = vector.shape_cast %select_n3A_1240 : vector<64x128xi32> to vector<1x64x128xi32>
      %reduce_min3A_1242 = arith.constant dense<2147483647> : vector<1xi32>
      %reduce_min3A_1243 = vector.multi_reduction <minsi>, %reduce_min3A_1241, %reduce_min3A_1242 [1, 2] : vector<1x64x128xi32> to vector<1xi32>
      %reduce_min3A_1244 = vector.shape_cast %reduce_min3A_1243 : vector<1xi32> to vector<1x1x1xi32>
      %reduce_min3A_1245 = vector.extract %reduce_min3A_1244[0, 0, 0] : i32 from vector<1x1x1xi32>
      %add3A_1246 = arith.constant 704 : i32
      %add3A_1247 = arith.addi %add3A_1246, %scan3A_934 : i32
      %eq3A_1248 = vector.broadcast %add3A_1247 : i32 to vector<16x128xi32>
      %eq3A_1249 = arith.cmpi eq, %add3A, %eq3A_1248 : vector<16x128xi32>
      %broadcast_in_dim3A_1250 = vector.broadcast %reduce_min3A_1245 : i32 to vector<16x128xi32>
      %select_n3A_1251 = arith.select %eq3A_1249, %broadcast_in_dim3A_1250, %select_n3A_1226 : vector<16x128xi1>, vector<16x128xi32>
      %eq3A_1252 = vector.broadcast %reduce_min3A_1245 : i32 to vector<64x128xi32>
      %eq3A_1253 = arith.cmpi eq, %add3A_708, %eq3A_1252 : vector<64x128xi32>
      %jit3A_1254 = arith.constant -3.40282347E+38 : f32
      %broadcast_in_dim3A_1255 = vector.broadcast %jit3A_1254 : f32 to vector<64x128xf32>
      %select_n3A_1256 = arith.select %eq3A_1253, %broadcast_in_dim3A_1255, %scan3A_946 : vector<64x128xi1>, vector<64x128xf32>
      %reduce_max3A_1257 = vector.shape_cast %scan3A_947 : vector<64x128xf32> to vector<1x64x128xf32>
      %reduce_max3A_1258 = arith.constant dense<0xFF800000> : vector<1xf32>
      %reduce_max3A_1259 = vector.multi_reduction <maximumf>, %reduce_max3A_1257, %reduce_max3A_1258 [1, 2] : vector<1x64x128xf32> to vector<1xf32>
      %reduce_max3A_1260 = vector.shape_cast %reduce_max3A_1259 : vector<1xf32> to vector<1x1x1xf32>
      %reduce_max3A_1261 = vector.extract %reduce_max3A_1260[0, 0, 0] : f32 from vector<1x1x1xf32>
      %eq3A_1262 = vector.broadcast %reduce_max3A_1261 : f32 to vector<64x128xf32>
      %eq3A_1263 = arith.cmpf oeq, %scan3A_947, %eq3A_1262 : vector<64x128xf32>
      %broadcast_in_dim3A_1264 = vector.broadcast %scan3A_925 : i32 to vector<64x128xi32>
      %select_n3A_1265 = arith.select %eq3A_1263, %add3A_732, %broadcast_in_dim3A_1264 : vector<64x128xi1>, vector<64x128xi32>
      %reduce_min3A_1266 = vector.shape_cast %select_n3A_1265 : vector<64x128xi32> to vector<1x64x128xi32>
      %reduce_min3A_1267 = arith.constant dense<2147483647> : vector<1xi32>
      %reduce_min3A_1268 = vector.multi_reduction <minsi>, %reduce_min3A_1266, %reduce_min3A_1267 [1, 2] : vector<1x64x128xi32> to vector<1xi32>
      %reduce_min3A_1269 = vector.shape_cast %reduce_min3A_1268 : vector<1xi32> to vector<1x1x1xi32>
      %reduce_min3A_1270 = vector.extract %reduce_min3A_1269[0, 0, 0] : i32 from vector<1x1x1xi32>
      %add3A_1271 = arith.constant 768 : i32
      %add3A_1272 = arith.addi %add3A_1271, %scan3A_934 : i32
      %eq3A_1273 = vector.broadcast %add3A_1272 : i32 to vector<16x128xi32>
      %eq3A_1274 = arith.cmpi eq, %add3A, %eq3A_1273 : vector<16x128xi32>
      %broadcast_in_dim3A_1275 = vector.broadcast %reduce_min3A_1270 : i32 to vector<16x128xi32>
      %select_n3A_1276 = arith.select %eq3A_1274, %broadcast_in_dim3A_1275, %select_n3A_1251 : vector<16x128xi1>, vector<16x128xi32>
      %eq3A_1277 = vector.broadcast %reduce_min3A_1270 : i32 to vector<64x128xi32>
      %eq3A_1278 = arith.cmpi eq, %add3A_732, %eq3A_1277 : vector<64x128xi32>
      %jit3A_1279 = arith.constant -3.40282347E+38 : f32
      %broadcast_in_dim3A_1280 = vector.broadcast %jit3A_1279 : f32 to vector<64x128xf32>
      %select_n3A_1281 = arith.select %eq3A_1278, %broadcast_in_dim3A_1280, %scan3A_947 : vector<64x128xi1>, vector<64x128xf32>
      %reduce_max3A_1282 = vector.shape_cast %scan3A_948 : vector<64x128xf32> to vector<1x64x128xf32>
      %reduce_max3A_1283 = arith.constant dense<0xFF800000> : vector<1xf32>
      %reduce_max3A_1284 = vector.multi_reduction <maximumf>, %reduce_max3A_1282, %reduce_max3A_1283 [1, 2] : vector<1x64x128xf32> to vector<1xf32>
      %reduce_max3A_1285 = vector.shape_cast %reduce_max3A_1284 : vector<1xf32> to vector<1x1x1xf32>
      %reduce_max3A_1286 = vector.extract %reduce_max3A_1285[0, 0, 0] : f32 from vector<1x1x1xf32>
      %eq3A_1287 = vector.broadcast %reduce_max3A_1286 : f32 to vector<64x128xf32>
      %eq3A_1288 = arith.cmpf oeq, %scan3A_948, %eq3A_1287 : vector<64x128xf32>
      %broadcast_in_dim3A_1289 = vector.broadcast %scan3A_925 : i32 to vector<64x128xi32>
      %select_n3A_1290 = arith.select %eq3A_1288, %add3A_756, %broadcast_in_dim3A_1289 : vector<64x128xi1>, vector<64x128xi32>
      %reduce_min3A_1291 = vector.shape_cast %select_n3A_1290 : vector<64x128xi32> to vector<1x64x128xi32>
      %reduce_min3A_1292 = arith.constant dense<2147483647> : vector<1xi32>
      %reduce_min3A_1293 = vector.multi_reduction <minsi>, %reduce_min3A_1291, %reduce_min3A_1292 [1, 2] : vector<1x64x128xi32> to vector<1xi32>
      %reduce_min3A_1294 = vector.shape_cast %reduce_min3A_1293 : vector<1xi32> to vector<1x1x1xi32>
      %reduce_min3A_1295 = vector.extract %reduce_min3A_1294[0, 0, 0] : i32 from vector<1x1x1xi32>
      %add3A_1296 = arith.constant 832 : i32
      %add3A_1297 = arith.addi %add3A_1296, %scan3A_934 : i32
      %eq3A_1298 = vector.broadcast %add3A_1297 : i32 to vector<16x128xi32>
      %eq3A_1299 = arith.cmpi eq, %add3A, %eq3A_1298 : vector<16x128xi32>
      %broadcast_in_dim3A_1300 = vector.broadcast %reduce_min3A_1295 : i32 to vector<16x128xi32>
      %select_n3A_1301 = arith.select %eq3A_1299, %broadcast_in_dim3A_1300, %select_n3A_1276 : vector<16x128xi1>, vector<16x128xi32>
      %eq3A_1302 = vector.broadcast %reduce_min3A_1295 : i32 to vector<64x128xi32>
      %eq3A_1303 = arith.cmpi eq, %add3A_756, %eq3A_1302 : vector<64x128xi32>
      %jit3A_1304 = arith.constant -3.40282347E+38 : f32
      %broadcast_in_dim3A_1305 = vector.broadcast %jit3A_1304 : f32 to vector<64x128xf32>
      %select_n3A_1306 = arith.select %eq3A_1303, %broadcast_in_dim3A_1305, %scan3A_948 : vector<64x128xi1>, vector<64x128xf32>
      %reduce_max3A_1307 = vector.shape_cast %scan3A_949 : vector<64x128xf32> to vector<1x64x128xf32>
      %reduce_max3A_1308 = arith.constant dense<0xFF800000> : vector<1xf32>
      %reduce_max3A_1309 = vector.multi_reduction <maximumf>, %reduce_max3A_1307, %reduce_max3A_1308 [1, 2] : vector<1x64x128xf32> to vector<1xf32>
      %reduce_max3A_1310 = vector.shape_cast %reduce_max3A_1309 : vector<1xf32> to vector<1x1x1xf32>
      %reduce_max3A_1311 = vector.extract %reduce_max3A_1310[0, 0, 0] : f32 from vector<1x1x1xf32>
      %eq3A_1312 = vector.broadcast %reduce_max3A_1311 : f32 to vector<64x128xf32>
      %eq3A_1313 = arith.cmpf oeq, %scan3A_949, %eq3A_1312 : vector<64x128xf32>
      %broadcast_in_dim3A_1314 = vector.broadcast %scan3A_925 : i32 to vector<64x128xi32>
      %select_n3A_1315 = arith.select %eq3A_1313, %add3A_780, %broadcast_in_dim3A_1314 : vector<64x128xi1>, vector<64x128xi32>
      %reduce_min3A_1316 = vector.shape_cast %select_n3A_1315 : vector<64x128xi32> to vector<1x64x128xi32>
      %reduce_min3A_1317 = arith.constant dense<2147483647> : vector<1xi32>
      %reduce_min3A_1318 = vector.multi_reduction <minsi>, %reduce_min3A_1316, %reduce_min3A_1317 [1, 2] : vector<1x64x128xi32> to vector<1xi32>
      %reduce_min3A_1319 = vector.shape_cast %reduce_min3A_1318 : vector<1xi32> to vector<1x1x1xi32>
      %reduce_min3A_1320 = vector.extract %reduce_min3A_1319[0, 0, 0] : i32 from vector<1x1x1xi32>
      %add3A_1321 = arith.constant 896 : i32
      %add3A_1322 = arith.addi %add3A_1321, %scan3A_934 : i32
      %eq3A_1323 = vector.broadcast %add3A_1322 : i32 to vector<16x128xi32>
      %eq3A_1324 = arith.cmpi eq, %add3A, %eq3A_1323 : vector<16x128xi32>
      %broadcast_in_dim3A_1325 = vector.broadcast %reduce_min3A_1320 : i32 to vector<16x128xi32>
      %select_n3A_1326 = arith.select %eq3A_1324, %broadcast_in_dim3A_1325, %select_n3A_1301 : vector<16x128xi1>, vector<16x128xi32>
      %eq3A_1327 = vector.broadcast %reduce_min3A_1320 : i32 to vector<64x128xi32>
      %eq3A_1328 = arith.cmpi eq, %add3A_780, %eq3A_1327 : vector<64x128xi32>
      %jit3A_1329 = arith.constant -3.40282347E+38 : f32
      %broadcast_in_dim3A_1330 = vector.broadcast %jit3A_1329 : f32 to vector<64x128xf32>
      %select_n3A_1331 = arith.select %eq3A_1328, %broadcast_in_dim3A_1330, %scan3A_949 : vector<64x128xi1>, vector<64x128xf32>
      %reduce_max3A_1332 = vector.shape_cast %scan3A_950 : vector<64x128xf32> to vector<1x64x128xf32>
      %reduce_max3A_1333 = arith.constant dense<0xFF800000> : vector<1xf32>
      %reduce_max3A_1334 = vector.multi_reduction <maximumf>, %reduce_max3A_1332, %reduce_max3A_1333 [1, 2] : vector<1x64x128xf32> to vector<1xf32>
      %reduce_max3A_1335 = vector.shape_cast %reduce_max3A_1334 : vector<1xf32> to vector<1x1x1xf32>
      %reduce_max3A_1336 = vector.extract %reduce_max3A_1335[0, 0, 0] : f32 from vector<1x1x1xf32>
      %eq3A_1337 = vector.broadcast %reduce_max3A_1336 : f32 to vector<64x128xf32>
      %eq3A_1338 = arith.cmpf oeq, %scan3A_950, %eq3A_1337 : vector<64x128xf32>
      %broadcast_in_dim3A_1339 = vector.broadcast %scan3A_925 : i32 to vector<64x128xi32>
      %select_n3A_1340 = arith.select %eq3A_1338, %add3A_804, %broadcast_in_dim3A_1339 : vector<64x128xi1>, vector<64x128xi32>
      %reduce_min3A_1341 = vector.shape_cast %select_n3A_1340 : vector<64x128xi32> to vector<1x64x128xi32>
      %reduce_min3A_1342 = arith.constant dense<2147483647> : vector<1xi32>
      %reduce_min3A_1343 = vector.multi_reduction <minsi>, %reduce_min3A_1341, %reduce_min3A_1342 [1, 2] : vector<1x64x128xi32> to vector<1xi32>
      %reduce_min3A_1344 = vector.shape_cast %reduce_min3A_1343 : vector<1xi32> to vector<1x1x1xi32>
      %reduce_min3A_1345 = vector.extract %reduce_min3A_1344[0, 0, 0] : i32 from vector<1x1x1xi32>
      %add3A_1346 = arith.constant 960 : i32
      %add3A_1347 = arith.addi %add3A_1346, %scan3A_934 : i32
      %eq3A_1348 = vector.broadcast %add3A_1347 : i32 to vector<16x128xi32>
      %eq3A_1349 = arith.cmpi eq, %add3A, %eq3A_1348 : vector<16x128xi32>
      %broadcast_in_dim3A_1350 = vector.broadcast %reduce_min3A_1345 : i32 to vector<16x128xi32>
      %select_n3A_1351 = arith.select %eq3A_1349, %broadcast_in_dim3A_1350, %select_n3A_1326 : vector<16x128xi1>, vector<16x128xi32>
      %eq3A_1352 = vector.broadcast %reduce_min3A_1345 : i32 to vector<64x128xi32>
      %eq3A_1353 = arith.cmpi eq, %add3A_804, %eq3A_1352 : vector<64x128xi32>
      %jit3A_1354 = arith.constant -3.40282347E+38 : f32
      %broadcast_in_dim3A_1355 = vector.broadcast %jit3A_1354 : f32 to vector<64x128xf32>
      %select_n3A_1356 = arith.select %eq3A_1353, %broadcast_in_dim3A_1355, %scan3A_950 : vector<64x128xi1>, vector<64x128xf32>
      %reduce_max3A_1357 = vector.shape_cast %scan3A_951 : vector<64x128xf32> to vector<1x64x128xf32>
      %reduce_max3A_1358 = arith.constant dense<0xFF800000> : vector<1xf32>
      %reduce_max3A_1359 = vector.multi_reduction <maximumf>, %reduce_max3A_1357, %reduce_max3A_1358 [1, 2] : vector<1x64x128xf32> to vector<1xf32>
      %reduce_max3A_1360 = vector.shape_cast %reduce_max3A_1359 : vector<1xf32> to vector<1x1x1xf32>
      %reduce_max3A_1361 = vector.extract %reduce_max3A_1360[0, 0, 0] : f32 from vector<1x1x1xf32>
      %eq3A_1362 = vector.broadcast %reduce_max3A_1361 : f32 to vector<64x128xf32>
      %eq3A_1363 = arith.cmpf oeq, %scan3A_951, %eq3A_1362 : vector<64x128xf32>
      %broadcast_in_dim3A_1364 = vector.broadcast %scan3A_925 : i32 to vector<64x128xi32>
      %select_n3A_1365 = arith.select %eq3A_1363, %add3A_828, %broadcast_in_dim3A_1364 : vector<64x128xi1>, vector<64x128xi32>
      %reduce_min3A_1366 = vector.shape_cast %select_n3A_1365 : vector<64x128xi32> to vector<1x64x128xi32>
      %reduce_min3A_1367 = arith.constant dense<2147483647> : vector<1xi32>
      %reduce_min3A_1368 = vector.multi_reduction <minsi>, %reduce_min3A_1366, %reduce_min3A_1367 [1, 2] : vector<1x64x128xi32> to vector<1xi32>
      %reduce_min3A_1369 = vector.shape_cast %reduce_min3A_1368 : vector<1xi32> to vector<1x1x1xi32>
      %reduce_min3A_1370 = vector.extract %reduce_min3A_1369[0, 0, 0] : i32 from vector<1x1x1xi32>
      %add3A_1371 = arith.constant 1024 : i32
      %add3A_1372 = arith.addi %add3A_1371, %scan3A_934 : i32
      %eq3A_1373 = vector.broadcast %add3A_1372 : i32 to vector<16x128xi32>
      %eq3A_1374 = arith.cmpi eq, %add3A, %eq3A_1373 : vector<16x128xi32>
      %broadcast_in_dim3A_1375 = vector.broadcast %reduce_min3A_1370 : i32 to vector<16x128xi32>
      %select_n3A_1376 = arith.select %eq3A_1374, %broadcast_in_dim3A_1375, %select_n3A_1351 : vector<16x128xi1>, vector<16x128xi32>
      %eq3A_1377 = vector.broadcast %reduce_min3A_1370 : i32 to vector<64x128xi32>
      %eq3A_1378 = arith.cmpi eq, %add3A_828, %eq3A_1377 : vector<64x128xi32>
      %jit3A_1379 = arith.constant -3.40282347E+38 : f32
      %broadcast_in_dim3A_1380 = vector.broadcast %jit3A_1379 : f32 to vector<64x128xf32>
      %select_n3A_1381 = arith.select %eq3A_1378, %broadcast_in_dim3A_1380, %scan3A_951 : vector<64x128xi1>, vector<64x128xf32>
      %reduce_max3A_1382 = vector.shape_cast %scan3A_952 : vector<64x128xf32> to vector<1x64x128xf32>
      %reduce_max3A_1383 = arith.constant dense<0xFF800000> : vector<1xf32>
      %reduce_max3A_1384 = vector.multi_reduction <maximumf>, %reduce_max3A_1382, %reduce_max3A_1383 [1, 2] : vector<1x64x128xf32> to vector<1xf32>
      %reduce_max3A_1385 = vector.shape_cast %reduce_max3A_1384 : vector<1xf32> to vector<1x1x1xf32>
      %reduce_max3A_1386 = vector.extract %reduce_max3A_1385[0, 0, 0] : f32 from vector<1x1x1xf32>
      %eq3A_1387 = vector.broadcast %reduce_max3A_1386 : f32 to vector<64x128xf32>
      %eq3A_1388 = arith.cmpf oeq, %scan3A_952, %eq3A_1387 : vector<64x128xf32>
      %broadcast_in_dim3A_1389 = vector.broadcast %scan3A_925 : i32 to vector<64x128xi32>
      %select_n3A_1390 = arith.select %eq3A_1388, %add3A_852, %broadcast_in_dim3A_1389 : vector<64x128xi1>, vector<64x128xi32>
      %reduce_min3A_1391 = vector.shape_cast %select_n3A_1390 : vector<64x128xi32> to vector<1x64x128xi32>
      %reduce_min3A_1392 = arith.constant dense<2147483647> : vector<1xi32>
      %reduce_min3A_1393 = vector.multi_reduction <minsi>, %reduce_min3A_1391, %reduce_min3A_1392 [1, 2] : vector<1x64x128xi32> to vector<1xi32>
      %reduce_min3A_1394 = vector.shape_cast %reduce_min3A_1393 : vector<1xi32> to vector<1x1x1xi32>
      %reduce_min3A_1395 = vector.extract %reduce_min3A_1394[0, 0, 0] : i32 from vector<1x1x1xi32>
      %add3A_1396 = arith.constant 1088 : i32
      %add3A_1397 = arith.addi %add3A_1396, %scan3A_934 : i32
      %eq3A_1398 = vector.broadcast %add3A_1397 : i32 to vector<16x128xi32>
      %eq3A_1399 = arith.cmpi eq, %add3A, %eq3A_1398 : vector<16x128xi32>
      %broadcast_in_dim3A_1400 = vector.broadcast %reduce_min3A_1395 : i32 to vector<16x128xi32>
      %select_n3A_1401 = arith.select %eq3A_1399, %broadcast_in_dim3A_1400, %select_n3A_1376 : vector<16x128xi1>, vector<16x128xi32>
      %eq3A_1402 = vector.broadcast %reduce_min3A_1395 : i32 to vector<64x128xi32>
      %eq3A_1403 = arith.cmpi eq, %add3A_852, %eq3A_1402 : vector<64x128xi32>
      %jit3A_1404 = arith.constant -3.40282347E+38 : f32
      %broadcast_in_dim3A_1405 = vector.broadcast %jit3A_1404 : f32 to vector<64x128xf32>
      %select_n3A_1406 = arith.select %eq3A_1403, %broadcast_in_dim3A_1405, %scan3A_952 : vector<64x128xi1>, vector<64x128xf32>
      %reduce_max3A_1407 = vector.shape_cast %scan3A_953 : vector<64x128xf32> to vector<1x64x128xf32>
      %reduce_max3A_1408 = arith.constant dense<0xFF800000> : vector<1xf32>
      %reduce_max3A_1409 = vector.multi_reduction <maximumf>, %reduce_max3A_1407, %reduce_max3A_1408 [1, 2] : vector<1x64x128xf32> to vector<1xf32>
      %reduce_max3A_1410 = vector.shape_cast %reduce_max3A_1409 : vector<1xf32> to vector<1x1x1xf32>
      %reduce_max3A_1411 = vector.extract %reduce_max3A_1410[0, 0, 0] : f32 from vector<1x1x1xf32>
      %eq3A_1412 = vector.broadcast %reduce_max3A_1411 : f32 to vector<64x128xf32>
      %eq3A_1413 = arith.cmpf oeq, %scan3A_953, %eq3A_1412 : vector<64x128xf32>
      %broadcast_in_dim3A_1414 = vector.broadcast %scan3A_925 : i32 to vector<64x128xi32>
      %select_n3A_1415 = arith.select %eq3A_1413, %add3A_876, %broadcast_in_dim3A_1414 : vector<64x128xi1>, vector<64x128xi32>
      %reduce_min3A_1416 = vector.shape_cast %select_n3A_1415 : vector<64x128xi32> to vector<1x64x128xi32>
      %reduce_min3A_1417 = arith.constant dense<2147483647> : vector<1xi32>
      %reduce_min3A_1418 = vector.multi_reduction <minsi>, %reduce_min3A_1416, %reduce_min3A_1417 [1, 2] : vector<1x64x128xi32> to vector<1xi32>
      %reduce_min3A_1419 = vector.shape_cast %reduce_min3A_1418 : vector<1xi32> to vector<1x1x1xi32>
      %reduce_min3A_1420 = vector.extract %reduce_min3A_1419[0, 0, 0] : i32 from vector<1x1x1xi32>
      %add3A_1421 = arith.constant 1152 : i32
      %add3A_1422 = arith.addi %add3A_1421, %scan3A_934 : i32
      %eq3A_1423 = vector.broadcast %add3A_1422 : i32 to vector<16x128xi32>
      %eq3A_1424 = arith.cmpi eq, %add3A, %eq3A_1423 : vector<16x128xi32>
      %broadcast_in_dim3A_1425 = vector.broadcast %reduce_min3A_1420 : i32 to vector<16x128xi32>
      %select_n3A_1426 = arith.select %eq3A_1424, %broadcast_in_dim3A_1425, %select_n3A_1401 : vector<16x128xi1>, vector<16x128xi32>
      %eq3A_1427 = vector.broadcast %reduce_min3A_1420 : i32 to vector<64x128xi32>
      %eq3A_1428 = arith.cmpi eq, %add3A_876, %eq3A_1427 : vector<64x128xi32>
      %jit3A_1429 = arith.constant -3.40282347E+38 : f32
      %broadcast_in_dim3A_1430 = vector.broadcast %jit3A_1429 : f32 to vector<64x128xf32>
      %select_n3A_1431 = arith.select %eq3A_1428, %broadcast_in_dim3A_1430, %scan3A_953 : vector<64x128xi1>, vector<64x128xf32>
      %reduce_max3A_1432 = vector.shape_cast %scan3A_954 : vector<64x128xf32> to vector<1x64x128xf32>
      %reduce_max3A_1433 = arith.constant dense<0xFF800000> : vector<1xf32>
      %reduce_max3A_1434 = vector.multi_reduction <maximumf>, %reduce_max3A_1432, %reduce_max3A_1433 [1, 2] : vector<1x64x128xf32> to vector<1xf32>
      %reduce_max3A_1435 = vector.shape_cast %reduce_max3A_1434 : vector<1xf32> to vector<1x1x1xf32>
      %reduce_max3A_1436 = vector.extract %reduce_max3A_1435[0, 0, 0] : f32 from vector<1x1x1xf32>
      %eq3A_1437 = vector.broadcast %reduce_max3A_1436 : f32 to vector<64x128xf32>
      %eq3A_1438 = arith.cmpf oeq, %scan3A_954, %eq3A_1437 : vector<64x128xf32>
      %broadcast_in_dim3A_1439 = vector.broadcast %scan3A_925 : i32 to vector<64x128xi32>
      %select_n3A_1440 = arith.select %eq3A_1438, %add3A_900, %broadcast_in_dim3A_1439 : vector<64x128xi1>, vector<64x128xi32>
      %reduce_min3A_1441 = vector.shape_cast %select_n3A_1440 : vector<64x128xi32> to vector<1x64x128xi32>
      %reduce_min3A_1442 = arith.constant dense<2147483647> : vector<1xi32>
      %reduce_min3A_1443 = vector.multi_reduction <minsi>, %reduce_min3A_1441, %reduce_min3A_1442 [1, 2] : vector<1x64x128xi32> to vector<1xi32>
      %reduce_min3A_1444 = vector.shape_cast %reduce_min3A_1443 : vector<1xi32> to vector<1x1x1xi32>
      %reduce_min3A_1445 = vector.extract %reduce_min3A_1444[0, 0, 0] : i32 from vector<1x1x1xi32>
      %add3A_1446 = arith.constant 1216 : i32
      %add3A_1447 = arith.addi %add3A_1446, %scan3A_934 : i32
      %eq3A_1448 = vector.broadcast %add3A_1447 : i32 to vector<16x128xi32>
      %eq3A_1449 = arith.cmpi eq, %add3A, %eq3A_1448 : vector<16x128xi32>
      %broadcast_in_dim3A_1450 = vector.broadcast %reduce_min3A_1445 : i32 to vector<16x128xi32>
      %select_n3A_1451 = arith.select %eq3A_1449, %broadcast_in_dim3A_1450, %select_n3A_1426 : vector<16x128xi1>, vector<16x128xi32>
      %eq3A_1452 = vector.broadcast %reduce_min3A_1445 : i32 to vector<64x128xi32>
      %eq3A_1453 = arith.cmpi eq, %add3A_900, %eq3A_1452 : vector<64x128xi32>
      %jit3A_1454 = arith.constant -3.40282347E+38 : f32
      %broadcast_in_dim3A_1455 = vector.broadcast %jit3A_1454 : f32 to vector<64x128xf32>
      %select_n3A_1456 = arith.select %eq3A_1453, %broadcast_in_dim3A_1455, %scan3A_954 : vector<64x128xi1>, vector<64x128xf32>
      %reduce_max3A_1457 = vector.shape_cast %scan3A_955 : vector<64x128xf32> to vector<1x64x128xf32>
      %reduce_max3A_1458 = arith.constant dense<0xFF800000> : vector<1xf32>
      %reduce_max3A_1459 = vector.multi_reduction <maximumf>, %reduce_max3A_1457, %reduce_max3A_1458 [1, 2] : vector<1x64x128xf32> to vector<1xf32>
      %reduce_max3A_1460 = vector.shape_cast %reduce_max3A_1459 : vector<1xf32> to vector<1x1x1xf32>
      %reduce_max3A_1461 = vector.extract %reduce_max3A_1460[0, 0, 0] : f32 from vector<1x1x1xf32>
      %eq3A_1462 = vector.broadcast %reduce_max3A_1461 : f32 to vector<64x128xf32>
      %eq3A_1463 = arith.cmpf oeq, %scan3A_955, %eq3A_1462 : vector<64x128xf32>
      %broadcast_in_dim3A_1464 = vector.broadcast %scan3A_925 : i32 to vector<64x128xi32>
      %select_n3A_1465 = arith.select %eq3A_1463, %add3A_924, %broadcast_in_dim3A_1464 : vector<64x128xi1>, vector<64x128xi32>
      %reduce_min3A_1466 = vector.shape_cast %select_n3A_1465 : vector<64x128xi32> to vector<1x64x128xi32>
      %reduce_min3A_1467 = arith.constant dense<2147483647> : vector<1xi32>
      %reduce_min3A_1468 = vector.multi_reduction <minsi>, %reduce_min3A_1466, %reduce_min3A_1467 [1, 2] : vector<1x64x128xi32> to vector<1xi32>
      %reduce_min3A_1469 = vector.shape_cast %reduce_min3A_1468 : vector<1xi32> to vector<1x1x1xi32>
      %reduce_min3A_1470 = vector.extract %reduce_min3A_1469[0, 0, 0] : i32 from vector<1x1x1xi32>
      %add3A_1471 = arith.constant 1280 : i32
      %add3A_1472 = arith.addi %add3A_1471, %scan3A_934 : i32
      %eq3A_1473 = vector.broadcast %add3A_1472 : i32 to vector<16x128xi32>
      %eq3A_1474 = arith.cmpi eq, %add3A, %eq3A_1473 : vector<16x128xi32>
      %broadcast_in_dim3A_1475 = vector.broadcast %reduce_min3A_1470 : i32 to vector<16x128xi32>
      %select_n3A_1476 = arith.select %eq3A_1474, %broadcast_in_dim3A_1475, %select_n3A_1451 : vector<16x128xi1>, vector<16x128xi32>
      %eq3A_1477 = vector.broadcast %reduce_min3A_1470 : i32 to vector<64x128xi32>
      %eq3A_1478 = arith.cmpi eq, %add3A_924, %eq3A_1477 : vector<64x128xi32>
      %jit3A_1479 = arith.constant -3.40282347E+38 : f32
      %broadcast_in_dim3A_1480 = vector.broadcast %jit3A_1479 : f32 to vector<64x128xf32>
      %select_n3A_1481 = arith.select %eq3A_1478, %broadcast_in_dim3A_1480, %scan3A_955 : vector<64x128xi1>, vector<64x128xf32>
      scf.yield %select_n3A_981, %select_n3A_1006, %select_n3A_1031, %select_n3A_1056, %select_n3A_1081, %select_n3A_1106, %select_n3A_1131, %select_n3A_1156, %select_n3A_1181, %select_n3A_1206, %select_n3A_1231, %select_n3A_1256, %select_n3A_1281, %select_n3A_1306, %select_n3A_1331, %select_n3A_1356, %select_n3A_1381, %select_n3A_1406, %select_n3A_1431, %select_n3A_1456, %select_n3A_1481, %select_n3A_1476 : vector<64x128xf32>, vector<64x128xf32>, vector<64x128xf32>, vector<64x128xf32>, vector<64x128xf32>, vector<64x128xf32>, vector<64x128xf32>, vector<64x128xf32>, vector<64x128xf32>, vector<64x128xf32>, vector<64x128xf32>, vector<64x128xf32>, vector<64x128xf32>, vector<64x128xf32>, vector<64x128xf32>, vector<64x128xf32>, vector<64x128xf32>, vector<64x128xf32>, vector<64x128xf32>, vector<64x128xf32>, vector<64x128xf32>, vector<16x128xi32>
    }
    %scan3A_931 = arith.constant 64 : i32
    %swap3A = arith.constant 0 : index
    %swap3A_932 = arith.constant 0 : index
    %swap3A_933 = vector.load %arg4[%swap3A, %swap3A_932] : memref<16x128xi32, #tpu.memory_space<vmem>>, vector<16x128xi32>
    tpu.vector_store %arg4[%swap3A, %swap3A_932], %scan3A_930#21 {strides = array<i32>} : memref<16x128xi32, #tpu.memory_space<vmem>>, vector<16x128xi32>,
    return
  }
}

</mosaic_0001>

<sc_bundles>
// kernel: kernel.4.cloned.1.call-start
scs
__scs_entry_jumppad:
0x0: {  	(pc) =	sbr.rel $0x88, $3  }
0x1: {  	(tag) =	ssettag $0x0;
	lr =	simm.s32 $0x1  }
0x2: {  	[smem:$0x3F9E] =	sst lr;
	_ =	strace $0xD0000000  }
0x3: {  	_ = 	snop  }
0x4: {  	_ = 	snop  }
0x5: {  	_ = 	snop  }
0x6: {  	_ = 	snop  }
0x7: {  	_ = 	snop  }
__scs_overlays_trampoline_lowered:
0x8: {  	[smem:$0x3FAD] =	sst s0  }
0x9: {  	[smem:$0x3FAE] =	sst s1  }
0xa: {  	[smem:$0x3FAF] =	sst s2  }
0xb: {  	[smem:$0x3FB0] =	sst s3  }
0xc: {  	[smem:$0x3FB1] =	sst s4  }
0xd: {  	[smem:$0x3FB2] =	sst s5  }
0xe: {  	[smem:$0x3FB3] =	sst s6  }
0xf: {  	[smem:$0x3FB4] =	sst s7  }
0x10: {  	[smem:$0x3FB5] =	sst s8  }
0x11: {  	[smem:$0x3FB6] =	sst s9;
	s0 =	simm.s32 @!p0 $0x0  }
0x12: {  	s1 =	sld [smem:$0x3F9C];
	s0 =	simm.s32 @p0 $0x1  }
0x13: {  	[smem:$0x3FB7] =	sst s0;
	s0 =	simm.s32 @!p1 $0x0  }
0x14: {  	s2 =	sld [smem:$0x3F9B];
	s0 =	simm.s32 @p1 $0x1  }
0x15: {  	[smem:$0x3FB8] =	sst s0;
	s0 =	simm.s32 @!p2 $0x0  }
0x16: {  	s3 =	sld [smem:$0x3FDB];
	s0 =	simm.s32 @p2 $0x1  }
0x17: {  	s4 =	simm.s32 $0x1BF5;
	[smem:$0x3FBA] =	sst s0  }
0x18: {  	s0 =	sld [smem:$0x3F9D];
	_ =	swait.ge [sflag:s4], $0x0  }
0x19: {  	s7 =	sld [smem:$0x3F9E]  }
0x1a: {  	s8 =	sadd.s32 $0xFFFFE003, lr  }
0x1b: {  	s9 =	sadd.s32 $0xFFFFFEF7, lr;
	s5 =	simm.s32 $0xFFFFFFFF;
	p2 =	slt.u32 s8, $0xFFFFF086  }
0x1c: {  	p1 =	slt.u32 s9, $0xF7A;
	s5 =	simm.s32 @!p2 $0x0  }
0x1d: {  	s5 =	simm.s32 @p1 $0x1;
	p0 =	seq.s32 s7, s2  }
0x1e: {  	s7 =	smul.u32 @!p0 $0xF7A, s2;
	p2 =	seq.s32 @!p0 s5, $0x0  }
0x1f: {  	s9 =	smul.u32 $0xF7A, s1;
	s8 =	simm.s32 @!p0 $0x1BF5;
	p2 =	por !p2, p0  }
0x20: {  	[sflag:s8] =	ssyncset.s32 @!p0 $0xFFFFF086;
	s6 =	sadd.s32 @!p0 s3, s7;
	s7 =	simm.s32 @!p0 $0x108  }
0x21: {  	s3 =	sadd.s32 s3, s9;
	s6 =	sadd.s32 @!p0 $0x88, s6;
	s7 =	simm.s32 @p2 $0x1082  }
0x22: {  	[simem:s7], [sflag:s8] =	dma.local @!p0 [hbm:s6], $0xF7A  }
0x23: {  	s9 =	sor.u32 $0xD0000000, s2;
	s6 =	simm.s32 $0x108;
	_ =	swait.ge @!p0 [sflag:s8], $0x0  }
0x24: {  	s3 =	sadd.s32 $0x88, s3;
	s6 =	simm.s32 @!p1 $0x1082;
	[sflag:s4] =	ssyncset.s32 $0xFFFFF086  }
0x25: {  	[simem:s6], [sflag:s4] =	dma.local [hbm:s3], $0xF7A  }
0x26: {  	[smem:$0x3F9E] =	sst s1;
	(tag) =	ssettag s2;
	_ =	strace s9  }
0x27: {  	s1 =	sld [smem:$0x3FAE]  }
0x28: {  	s2 =	sld [smem:$0x3FAF]  }
0x29: {  	s4 =	sld [smem:$0x3FB1]  }
0x2a: {  	p0 =	seq.s32 s5, $0x0;
	s5 =	sld [smem:$0x3FB2]  }
0x2b: {  	s6 =	sld [smem:$0x3FB3]  }
0x2c: {  	s7 =	sld [smem:$0x3FB4]  }
0x2d: {  	s3 =	simm.s32 $0x108;
	s8 =	sld [smem:$0x3FB5]  }
0x2e: {  	s3 =	simm.s32 @!p0 $0x1082;
	s9 =	sld [smem:$0x3FB6]  }
0x2f: {  	lr =	sadd.s32 s0, s3;
	s0 =	sld [smem:$0x3FAD]  }
0x30: {  	s3 =	sld [smem:$0x3FB0]  }
0x31: {  	[smem:$0x3FB9] =	sst s10  }
0x32: {  	s10 =	sld [smem:$0x3FB7];
	_ =	sdelay $0x3  }
0x33: {  	p0 =	seq.s32 s10, $0x1;
	s10 =	sld [smem:$0x3FB9];
	_ =	sdelay $0x3  }
0x34: {  	[smem:$0x3FB9] =	sst s10  }
0x35: {  	s10 =	sld [smem:$0x3FB8];
	_ =	sdelay $0x3  }
0x36: {  	p1 =	seq.s32 s10, $0x1;
	s10 =	sld [smem:$0x3FB9];
	_ =	sdelay $0x3  }
0x37: {  	[smem:$0x3FB9] =	sst s10  }
0x38: {  	s10 =	sld [smem:$0x3FBA]  }
0x39: {  	_ = 	snop;
	(pc) =	sbr.ind lr, $3  }
0x3a: {  	_ = 	snop  }
0x3b: {  	_ = 	snop  }
0x3c: {  	p2 =	seq.s32 s10, $0x1;
	s10 =	sld [smem:$0x3FB9]  }
0x3d: {  	_ =	shalt  }
0x3e: {  	_ =	shalt  }
0x3f: {  	_ =	shalt  }
0x40: {  	_ =	shalt  }
0x41: {  	_ =	shalt  }
0x42: {  	_ =	shalt  }
0x43: {  	_ =	shalt  }
0x44: {  	_ =	shalt  }
0x45: {  	_ =	shalt  }
0x46: {  	_ =	shalt  }
0x47: {  	_ =	shalt  }
0x48: {  	_ =	shalt  }
0x49: {  	_ =	shalt  }
0x4a: {  	_ =	shalt  }
0x4b: {  	_ =	shalt  }
0x4c: {  	_ =	shalt  }
0x4d: {  	_ =	shalt  }
0x4e: {  	_ =	shalt  }
0x4f: {  	_ =	shalt  }
0x50: {  	_ =	shalt  }
0x51: {  	_ =	shalt  }
0x52: {  	_ =	shalt  }
0x53: {  	_ =	shalt  }
0x54: {  	_ =	shalt  }
0x55: {  	_ =	shalt  }
0x56: {  	_ =	shalt  }
0x57: {  	_ =	shalt  }
0x58: {  	_ =	shalt  }
0x59: {  	_ =	shalt  }
0x5a: {  	_ =	shalt  }
0x5b: {  	_ =	shalt  }
0x5c: {  	_ =	shalt  }
0x5d: {  	_ =	shalt  }
0x5e: {  	_ =	shalt  }
0x5f: {  	_ =	shalt  }
0x60: {  	_ =	shalt  }
0x61: {  	_ =	shalt  }
0x62: {  	_ =	shalt  }
0x63: {  	_ =	shalt  }
0x64: {  	_ =	shalt  }
0x65: {  	_ =	shalt  }
0x66: {  	_ =	shalt  }
0x67: {  	_ =	shalt  }
0x68: {  	_ =	shalt  }
0x69: {  	_ =	shalt  }
0x6a: {  	_ =	shalt  }
0x6b: {  	_ =	shalt  }
0x6c: {  	_ =	shalt  }
0x6d: {  	_ =	shalt  }
0x6e: {  	_ =	shalt  }
0x6f: {  	_ =	shalt  }
0x70: {  	_ =	shalt  }
0x71: {  	_ =	shalt  }
0x72: {  	_ =	shalt  }
0x73: {  	_ =	shalt  }
0x74: {  	_ =	shalt  }
0x75: {  	_ =	shalt  }
0x76: {  	_ =	shalt  }
0x77: {  	_ =	shalt  }
0x78: {  	_ =	shalt  }
0x79: {  	_ =	shalt  }
0x7a: {  	_ =	shalt  }
0x7b: {  	_ =	shalt  }
0x7c: {  	_ =	shalt  }
0x7d: {  	_ =	shalt  }
0x7e: {  	_ =	shalt  }
0x7f: {  	_ =	shalt  }
0x80: {  	_ =	shalt  }
0x81: {  	_ =	shalt  }
0x82: {  	_ =	shalt  }
0x83: {  	_ =	shalt  }
0x84: {  	_ =	shalt  }
0x85: {  	_ =	shalt  }
0x86: {  	_ =	shalt  }
0x87: {  	_ =	shalt  }
.Lfunc_end0:
.L_simem_size_0:
called_computation_lowered:
.L_overlay_start_0:
0x88: {  	s2 =	sld [smem:$0x3FD9]  }
0x89: {  	s3 =	sld [smem:$0x3FFE];
	_ =	sdelay $0x1  }
0x8a: {  	s1 =	srdreg.scid  }
0x8b: {  	s0 =	sand.u32 $0x1, s1  }
0x8c: {  	s17 =	sshll.u32 s0, $0xA;
	s2 =	sadd.s32 s3, s2  }
0x8d: {  	s2 =	sadd.s32 s2, s17  }
0x8e: {  	[smem:$0x3FC5] =	sst s2  }
0x8f: {  	_ = 	snop  }
0x90: {  	s2 =	sld [smem:$0x3FC7]  }
0x91: {  	s18 =	sld [smem:$0x3FD0];
	(tm) =	ssettm $0x1  }
0x92: {  	s4 =	sld [smem:$0x3FFB];
	_ =	sdelay $0x3  }
0x93: {  	_ =	strace s4  }
0x94: {  	s4 =	sld [smem:$0x3FFC];
	_ =	sdelay $0x3  }
0x95: {  	_ =	strace s4  }
0x96: {  	s4 =	sld [smem:$0x3FFD];
	_ =	sdelay $0x3  }
0x97: {  	_ =	strace s4  }
0x98: {  	_ =	strace $0x8FFFFFFF  }
0x99: {  	s19 =	sld [smem:$0x3FDB];
	_ =	sdelay $0x1  }
0x9a: {  	s5 =	simm.s32 $_scs_section_size  }
0x9b: {  	s6 =	simm.s32 $_size__tile_overlayer_lowered;
	s7 =	simm.s32 $_tile_overlayer_lowered  }
0x9c: {  	s22 =	simm.s32 $0x1BFF;
	s21 =	sshll.u32 s7, $0x1;
	s4 =	sadd.s32 s5, s19  }
0x9d: {  	s8 =	simm.s32 $0x0;
	s20 =	sshll.u32 s6, $0x1;
	s6 =	sadd.s32 s21, s4  }
0x9e: {  	[timem:s8], [sflag:s22] =	dma.local [hbm:s6], s20  }
0x9f: {  	_ =	swait.ge [sflag:s22], s20  }
0xa0: {  	s5 =	ssub.s32 $0x0, s20;
	[sflag:s22] =	ssyncset.done $0x0  }
0xa1: {  	[sflag:s22] =	ssyncadd.s32 s5;
	_ =	sdelay $0x1  }
0xa2: {  	s23 =	simm.s32 $0x1B8B  }
0xa3: {  	_ =	swait.ge [sflag:s23], $0x1  }
0xa4: {  	[sflag:s23] =	ssyncset.done $0x0  }
0xa5: {  	s25 =	simm.s32 $0x1B8E;
	s24 =	sld [smem:$0x3FFE];
	[sflag:s23] =	ssyncadd.s32 $0xFFFFFFFF  }
0xa6: {  	s26 =	simm.s32 $execute0_lowered;
	[smem:$0x3FD2] =	sst s25  }
0xa7: {  	s6 =	sshll.u32 s26, $0x1;
	_ =	strace $0x80000046;
	[dreg:$0x1] =	wrdreg $0xFFFFFFFF  }
0xa8: {  	s28 =	simm.s32 $_size_execute0_lowered;
	s4 =	sadd.s32 s4, s6;
	[dreg:$0x0] =	wrdreg $0x0  }
0xa9: {  	s6 =	sshll.u32 s28, $0x1;
	[dreg:$0x2] =	wrdreg s4  }
0xaa: {  	[dreg:$0x3] =	wrdreg s6  }
0xab: {  	[dreg:$0x4] =	wrdreg $0xC0  }
0xac: {  	_ =	task [dreg:s8], $0x5FFFF  }
0xad: {  	[dreg:$0x1] =	wrdreg $0xFFFFFFFF  }
0xae: {  	[dreg:$0x0] =	wrdreg $0x60  }
0xaf: {  	[dreg:$0x2] =	wrdreg s18  }
0xb0: {  	[dreg:$0x3] =	wrdreg s2  }
0xb1: {  	[dreg:$0x4] =	wrdreg s24  }
0xb2: {  	[dreg:$0x5] =	wrdreg $0x9  }
0xb3: {  	_ =	task.clear_ibuf [dreg:s8], $0x6FFFF;
	_ =	strace $0x90000046  }
0xb4: {  	s29 =	simm.s32 $0x9;
	_ =	strace $0x80000048  }
0xb5: {  	_ =	swait.ge [sflag:s29], $0x1  }
0xb6: {  	[sflag:s29] =	ssyncadd.s32 $0xFFFFFFFF  }
0xb7: {  	_ =	strace $0x90000048  }
0xb8: {  	_ =	sfence  }
0xb9: {  	s30 =	sld [smem:$0x0];
	_ =	sdelay $0x2  }
0xba: {  	s31 =	sshll.u32 s1, $0xD;
	s1 =	sshrl.u32 s1, $0x2  }
0xbb: {  	s3 =	sand.u32 $0x4000, s31;
	s1 =	sadd.s32 s1, s30  }
0xbc: {  	s0 =	sor.u32 s3, s0;
	s1 =	sshll.u32 s1, $0x11  }
0xbd: {  	s0 =	sor.u32 s1, s0  }
0xbe: {  	s0 =	sadd.s32 $0x8F2B, s0  }
0xbf: {  	[sflag:s0] =	ssyncadd.remote.s32 $0x1  }
0xc0: {  	_ =	sfence.sel $0xFFFF  }
0xc1: {  	[dreg:$0x0] =	wrdreg $0xFFFFFFFF;
	(pc) =	sbr.abs _section_cstart, $3  }
0xc2: {  	[dreg:$0x1] =	wrdreg $0xFFFFFFFF  }
0xc3: {  	_ =	task.clear_ibuf [dreg:s8], $0x2FFFF;
	_ =	strace $0x9FFFFFFF  }
0xc4: {  	(tm) =	ssettm $0x7FFFFFFF  }
0xc5: {  	_ =	shalt  }
tec
execute0_lowered:
.L_overlay_start_1:
0x0: {  	(tag) =	ssettag $0x1  }
0x1: {  	s4 =	rddreg [dreg:$0x0]  }
0x2: {  	s1 =	rddreg [dreg:$0x1]  }
0x3: {  	s5 =	rddreg [dreg:$0x2]  }
0x4: {  	s0 =	rddreg [dreg:$0x3];
	s6 =	srdreg.scid  }
0x5: {  	s3 =	simm.s32 $0x0;
	s2 =	stileid.u32;
	s10 =	simm.s32 $0x1080  }
0x6: {  	s11 =	simm.s32 $0x1880;
	s12 =	simm.s32 $0x2080;
	s13 =	simm.s32 $0x2880  }
0x7: {  	s14 =	simm.s32 $0x3080;
	s15 =	simm.s32 $0x3880;
	s6 =	sand.u32 $0x1, s6  }
0x8: {  	s16 =	simm.s32 $0x1;
	s7 =	sshll.u32 s2, $0x7;
	s8 =	sshll.u32 s6, $0x6  }
0x9: {  	[smem:$0x7FF] =	sst s3;
	s6 =	ssub.s32 $0x2, s6;
	s7 =	sor.u32 s8, s7  }
0xa: {  	_ =	strace $0x80000047;
	s9 =	sshrl.u32 s6, $0x1;
	s8 =	sshll.u32 s7, $0x5  }
0xb: {  	v2 =	vlaneseq.u32;
	s7 =	sshrl.u32 s7, $0x3;
	s6 =	ssub.s32 s6, s9;
	s9 =	simm.s32 $0x880  }
0xc: {  	vm0 =	vmmov $0xffff;
	v1 =	vshrl.u32 v2, $0x3;
	s5 =	sadd.s32 s8, s5;
	s4 =	sadd.s32 s4, s7;
	s6 =	smax.u32 s6, $0x1  }
0xd: {  	v0 =	vand.u32 $0x7, v2;
	v2 =	vor.u32 $0x8, v2;
	v1 =	vmul.u32 $0x8, v1;
	s7 =	simm.s32 $0x2;
	s8 =	simm.s32 $0x80;
	s5 =	sadd.s32 $0xA00, s5  }
.LBB2_1:
0xe: {  	[tilespmem:s3], [sflag:$0x2] =	stream.linear.gather [hbm4b:s4+s3], $0x40, $0x38;
	[tilespmem:$0x4080] =	vst v63  }
0xf: {  	_ =	swait.ge [sflag:s7], $0x40  }
0x10: {  	[sflag:s7] =	ssyncset.done $0x0  }
0x11: {  	[sflag:s7] =	ssyncadd.s32 $0xFFFFFFC0  }
0x12: {  	v3 =	vld [tilespmem:$0x0];
	_ =	sdelay $0x4  }
0x13: {  	v4 =	vshll.u32 v3, $0x1  }
0x14: {  	v3 =	vand.u32 $0x7, v3;
	v4 =	vand.u32 $0xFFFFFFF0, v4  }
0x15: {  	v3 =	vor.u32 v3, v4  }
0x16: {  	v4 =	vperm.xlane v3, v0;
	_ =	sdelay $0x1  }
0x17: {  	v3 =	vperm.xlane v3, v2;
	v4 =	vadd.s32 v1, v4;
	_ =	sdelay $0x1  }
0x18: {  	v3 =	vadd.s32 v1, v3;
	_ =	sdelay $0x2  }
0x19: {  	[tilespmem:s8], [sflag:$0x1] =	stream.indirect_vreg.gather [hbm4b:s1+s3], $0x80, v4, vm0, $0xb8;
	[tilespmem:$0x4080] =	vst v63  }
0x1a: {  	_ = 	snop  }
0x1b: {  	[tilespmem:s9], [sflag:$0x1] =	stream.indirect_vreg.gather [hbm4b:s1+s3], $0x80, v3, vm0, $0xb8;
	[tilespmem:$0x4080] =	vst v63  }
0x1c: {  	v3 =	vld [tilespmem:$0x10];
	_ =	sdelay $0x4  }
0x1d: {  	v61 =	vshll.u32 v3, $0x1  }
0x1e: {  	v3 =	vand.u32 $0x7, v3;
	v4 =	vand.u32 $0xFFFFFFF0, v61  }
0x1f: {  	v3 =	vor.u32 v3, v4  }
0x20: {  	v4 =	vperm.xlane v3, v0;
	_ =	sdelay $0x1  }
0x21: {  	v3 =	vperm.xlane v3, v2;
	v4 =	vadd.s32 v1, v4;
	_ =	sdelay $0x1  }
0x22: {  	v3 =	vadd.s32 v1, v3;
	_ =	sdelay $0x2  }
0x23: {  	[tilespmem:s10], [sflag:$0x1] =	stream.indirect_vreg.gather [hbm4b:s1+s3], $0x80, v4, vm0, $0xb8;
	[tilespmem:$0x4080] =	vst v63  }
0x24: {  	_ = 	snop  }
0x25: {  	[tilespmem:s11], [sflag:$0x1] =	stream.indirect_vreg.gather [hbm4b:s1+s3], $0x80, v3, vm0, $0xb8;
	[tilespmem:$0x4080] =	vst v63  }
0x26: {  	v3 =	vld [tilespmem:$0x20];
	_ =	sdelay $0x4  }
0x27: {  	v62 =	vshll.u32 v3, $0x1  }
0x28: {  	v3 =	vand.u32 $0x7, v3;
	v4 =	vand.u32 $0xFFFFFFF0, v62  }
0x29: {  	v3 =	vor.u32 v3, v4  }
0x2a: {  	v4 =	vperm.xlane v3, v0;
	_ =	sdelay $0x1  }
0x2b: {  	v3 =	vperm.xlane v3, v2;
	v4 =	vadd.s32 v1, v4;
	_ =	sdelay $0x1  }
0x2c: {  	v3 =	vadd.s32 v1, v3;
	_ =	sdelay $0x2  }
0x2d: {  	[tilespmem:s12], [sflag:$0x1] =	stream.indirect_vreg.gather [hbm4b:s1+s3], $0x80, v4, vm0, $0xb8;
	[tilespmem:$0x4080] =	vst v63  }
0x2e: {  	_ = 	snop  }
0x2f: {  	[tilespmem:s13], [sflag:$0x1] =	stream.indirect_vreg.gather [hbm4b:s1+s3], $0x80, v3, vm0, $0xb8;
	[tilespmem:$0x4080] =	vst v63  }
0x30: {  	v3 =	vld [tilespmem:$0x30];
	_ =	sdelay $0x4  }
0x31: {  	v63 =	vshll.u32 v3, $0x1  }
0x32: {  	v3 =	vand.u32 $0x7, v3;
	v4 =	vand.u32 $0xFFFFFFF0, v63  }
0x33: {  	v3 =	vor.u32 v3, v4  }
0x34: {  	v4 =	vperm.xlane v3, v0;
	_ =	sdelay $0x1  }
0x35: {  	v3 =	vperm.xlane v3, v2;
	v4 =	vadd.s32 v1, v4;
	_ =	sdelay $0x1  }
0x36: {  	v3 =	vadd.s32 v1, v3;
	_ =	sdelay $0x2  }
0x37: {  	[tilespmem:s14], [sflag:$0x1] =	stream.indirect_vreg.gather [hbm4b:s1+s3], $0x80, v4, vm0, $0xb8;
	[tilespmem:$0x4080] =	vst v63  }
0x38: {  	_ = 	snop  }
0x39: {  	[tilespmem:s15], [sflag:$0x1] =	stream.indirect_vreg.gather [hbm4b:s1+s3], $0x80, v3, vm0, $0xb8;
	[tilespmem:$0x4080] =	vst v63  }
0x3a: {  	_ =	swait.ge [sflag:s16], $0x4000  }
0x3b: {  	p0 =	sne.s32 s6, $0x1;
	[sflag:s16] =	ssyncset.done $0x0  }
.Ltmp0:
0x3c: {  	[sflag:s16] =	ssyncadd.s32 $0xFFFFC000;
	(pc) =	sbr.rel @p0 .LBB2_1-.Ltmp0, $4  }
0x3d: {  	[hbm4b:s5+s3] =	stream.linear.scatter [tilespmem:s8], [sflag:$0x2], $0x4000, $0x38;
	[tilespmem:$0x4080] =	vst v63  }
0x3e: {  	_ =	swait.ge [sflag:s7], $0x4000  }
0x3f: {  	[sflag:s7] =	ssyncset.done $0x0  }
0x40: {  	s6 =	sadd.s32 $0xFFFFFFFF, s6;
	[sflag:s7] =	ssyncadd.s32 $0xFFFFC000  }
0x41: {  	_ =	sfence.sel $0x180000  }
0x42: {  	[bflag:$0x0] =	sbarrier.arrive $0xFFFF  }
0x43: {  	p0 =	sne.s32 s2, $0x0;
	_ =	strace $0x90000047  }
0x44: {  	s0 =	sadd.s32 @!p0 $0x100000, s0;
	[bflag:$0x2] =	sbarrier.arrive $0xFFFF  }
0x45: {  	[sflag:s0] =	ssyncadd.tile.s32 @!p0 $0x1;
	_ =	shalt  }
.Lfunc_end2:
_tile_overlayer_lowered:
.L_overlay_start_2:
0x46: {  	(tag) =	ssettag $0x2  }
0x47: {  	s0 =	rddreg [dreg:$0x0];
	s2 =	stileid.u32  }
0x48: {  	s1 =	rddreg [dreg:$0x1];
	p0 =	sne.s32 s2, $0x0  }
0x49: {  	s3 =	rddreg [dreg:$0x2];
	[bflag:$0x3] =	sbarrier.arrive $0xFFFF;
	s2 =	simm.s32 @!p0 $0x1C02  }
0x4a: {  	[timem:s3], [sflag:s2] =	dma.local @!p0 [hbm:s0], s1  }
0x4b: {  	s0 =	simm.s32 @!p0 $0x2  }
0x4c: {  	_ =	swait.ge @!p0 [sflag:s0], s1  }
0x4d: {  	s1 =	ssub.s32 @!p0 $0x0, s1;
	[sflag:s0] =	ssyncset.done @!p0 $0x0  }
0x4e: {  	[sflag:s0] =	ssyncadd.s32 @!p0 s1  }
0x4f: {  	[bflag:$0x3] =	sbarrier.arrive $0xFFFF  }
0x50: {  	_ =	shalt  }

</sc_bundles>
